<compile_context>
chip_gen: v7x
topology: tpu7x:2x2x1
jax: 0.10.2.dev20260603
libtpu: 0.0.44.dev20260713+nightly
codegen_flags: <defaults>
</compile_context>

<pallas_src>
import functools

import jax
import jax.numpy as jnp
from jax import lax
from jax.experimental import pallas as pl
from jax.experimental.pallas import tpu as pltpu
from jax.experimental.pallas import tpu_sc as plsc

TOPK = 5
BANK_BLOCK = 4096
NEG = float("-inf")
BIGID = 3e7


def _extract_top5(s, col, ids_positional=True):
    bq, n = s.shape
    ng = n // 128
    lane = col[:, :128]
    vals, ids = [], []
    for t in range(TOPK):
        accv = s[:, 0:128]
        acci = jnp.zeros((bq, 128), jnp.float32) if ids_positional else lane
        for g in range(1, ng):
            sg = s[:, g * 128:(g + 1) * 128]
            if ids_positional:
                c = sg > accv
                acci = jnp.where(c, jnp.float32(g), acci)
            else:
                cg = col[:, g * 128:(g + 1) * 128]
                c = (sg > accv) | ((sg == accv) & (cg < acci))
                acci = jnp.where(c, cg, acci)
            accv = jnp.where(c, sg, accv)
        m = jnp.max(accv, axis=1, keepdims=True)
        cand = acci * 128.0 + lane if ids_positional else acci
        w = jnp.min(jnp.where(accv == m, cand, BIGID), axis=1, keepdims=True)
        vals.append(m)
        ids.append(w)
        if t < TOPK - 1:
            s = jnp.where(col == w, NEG, s)
    return vals, ids


def _block_core(zn_ref, bank_ref, bnorm_ref, cv_ref, ci_ref, off, bound):
    bq = zn_ref.shape[0]
    zn = zn_ref[...]
    bn = bank_ref[...] / bnorm_ref[...]
    s = lax.dot_general(zn, bn, (((1,), (1,)), ((), ())),
                        preferred_element_type=jnp.float32)
    col = lax.broadcasted_iota(jnp.int32, s.shape, 1).astype(jnp.float32)
    if bound is not None:
        s = jnp.where(col < bound, s, NEG)

    bvals, bids = _extract_top5(s, col)
    cv_ref[0] = jnp.concatenate(
        bvals + [jnp.full((bq, 3), NEG, jnp.float32)], axis=1)
    ci_ref[0] = jnp.concatenate(
        [w + off for w in bids] + [jnp.full((bq, 3), BIGID, jnp.float32)], axis=1)


def _main_body(zn_ref, bank_ref, bnorm_ref, cv_ref, ci_ref):
    off = (pl.program_id(0) * BANK_BLOCK).astype(jnp.float32)
    _block_core(zn_ref, bank_ref, bnorm_ref, cv_ref, ci_ref, off, None)


def _tail_body(k_total, nb_full, zn_ref, bank_ref, bnorm_ref, cv_ref, ci_ref):
    base = nb_full * BANK_BLOCK
    _block_core(zn_ref, bank_ref, bnorm_ref, cv_ref, ci_ref,
                jnp.float32(base), float(k_total - base))


def _merge_body(cv_ref, ci_ref, idx_ref, sim_ref):
    vals, ids = _extract_top5(cv_ref[...], ci_ref[...], ids_positional=False)
    sim_ref[...] = jnp.concatenate(vals, axis=1)
    idx_ref[...] = jnp.concatenate(ids, axis=1).astype(jnp.int32)


def _cosine_topk(z, bank):
    bq, d = z.shape
    k_total = bank.shape[0]
    nb = (k_total + BANK_BLOCK - 1) // BANK_BLOCK
    nb_full = k_total // BANK_BLOCK
    eps = 1e-12
    zn = z / jnp.maximum(jnp.linalg.norm(z, axis=-1, keepdims=True), eps)
    bnorm = jnp.maximum(jnp.linalg.norm(bank, axis=-1, keepdims=True), eps)
    cv, ci = pl.pallas_call(
        _main_body,
        grid=(nb_full,),
        in_specs=[
            pl.BlockSpec((bq, d), lambda j: (0, 0)),
            pl.BlockSpec((BANK_BLOCK, d), lambda j: (j, 0)),
            pl.BlockSpec((BANK_BLOCK, 1), lambda j: (j, 0)),
        ],
        out_specs=[
            pl.BlockSpec((1, bq, 8), lambda j: (j, 0, 0)),
            pl.BlockSpec((1, bq, 8), lambda j: (j, 0, 0)),
        ],
        out_shape=[
            jax.ShapeDtypeStruct((nb_full, bq, 8), jnp.float32),
            jax.ShapeDtypeStruct((nb_full, bq, 8), jnp.float32),
        ],
    )(zn, bank, bnorm)
    if nb != nb_full:
        tv, ti = pl.pallas_call(
            functools.partial(_tail_body, k_total, nb_full),
            grid=(1,),
            in_specs=[
                pl.BlockSpec((bq, d), lambda j: (0, 0)),
                pl.BlockSpec((BANK_BLOCK, d), lambda j: (nb_full, 0)),
                pl.BlockSpec((BANK_BLOCK, 1), lambda j: (nb_full, 0)),
            ],
            out_specs=[
                pl.BlockSpec((1, bq, 8), lambda j: (0, 0, 0)),
                pl.BlockSpec((1, bq, 8), lambda j: (0, 0, 0)),
            ],
            out_shape=[
                jax.ShapeDtypeStruct((1, bq, 8), jnp.float32),
                jax.ShapeDtypeStruct((1, bq, 8), jnp.float32),
            ],
        )(zn, bank, bnorm)
        cv = jnp.concatenate([cv, tv], axis=0)
        ci = jnp.concatenate([ci, ti], axis=0)

    ncand = nb * 8
    npad = ((ncand + 127) // 128) * 128
    cv = cv.transpose(1, 0, 2).reshape(bq, ncand)
    ci = ci.transpose(1, 0, 2).reshape(bq, ncand)
    if npad != ncand:
        cv = jnp.pad(cv, ((0, 0), (0, npad - ncand)), constant_values=NEG)
        ci = jnp.pad(ci, ((0, 0), (0, npad - ncand)), constant_values=float(BIGID))
    return pl.pallas_call(
        _merge_body,
        out_shape=[
            jax.ShapeDtypeStruct((bq, TOPK), jnp.int32),
            jax.ShapeDtypeStruct((bq, TOPK), jnp.float32),
        ],
    )(cv, ci)


def _gather_labels_sc(table, idx_flat):
    info = plsc.get_sparse_core_info()
    nw = info.num_cores * info.num_subcores
    b_tot = idx_flat.shape[0]
    assert b_tot % (8 * nw) == 0
    b_per_w = b_tot // nw
    mesh = plsc.VectorSubcoreMesh(core_axis_name="c", subcore_axis_name="s")

    @functools.partial(
        pl.kernel,
        mesh=mesh,
        out_type=jax.ShapeDtypeStruct((b_tot,), jnp.int32),
        scratch_types=[
            pltpu.VMEM((b_per_w,), jnp.int32),
            pltpu.VMEM((b_per_w,), jnp.int32),
            pltpu.SemaphoreType.DMA,
        ],
    )
    def _gather(table_hbm, idx_hbm, out_hbm, idx_v, rows_v, sem):
        wid = lax.axis_index("s") * info.num_cores + lax.axis_index("c")
        base = wid * b_per_w
        pltpu.sync_copy(idx_hbm.at[pl.ds(base, b_per_w)], idx_v)
        pltpu.async_copy(table_hbm.at[idx_v], rows_v, sem).wait()
        pltpu.sync_copy(rows_v, out_hbm.at[pl.ds(base, b_per_w)])

    return _gather(table, idx_flat)


def kernel(z, lab_bank, lab_labels, topk):
    idx, sim = _cosine_topk(z, lab_bank)
    labels = _gather_labels_sc(lab_labels, idx.reshape(-1)).reshape(idx.shape)
    return idx, sim, labels

# --- scband reference (transcript-rebuilt; emitter-appended) ---
"""Pipeline reference for scband-idhead-59674275610746 (READ-ONLY COPY).

The authoritative reference and input builder live on the scoring server;
editing this copy changes nothing except your own understanding.
"""

import jax, jax.numpy as jnp
import numpy as np


def setup_inputs(seed: int = 0) -> dict:
    key = jax.random.key(seed)
    k1, k2, k3 = jax.random.split(key, 3)
    z = jax.random.normal(k1, (1024, 128), dtype=jnp.float32)
    lab_bank = jax.random.normal(k2, (100000, 128), dtype=jnp.float32)
    lab_labels = jax.random.randint(k3, (100000,), 0, 1000, dtype=jnp.int64 if jax.config.read('jax_enable_x64') else jnp.int32)
    return {"z": z, "lab_bank": lab_bank, "lab_labels": lab_labels, "topk": 5}


def reference(z, lab_bank, lab_labels, topk):
    # cosine_topk over a batch of queries (vectorized form of the per-row python loop)
    eps = 1e-12
    zn = z / jnp.maximum(jnp.linalg.norm(z, axis=-1, keepdims=True), eps)
    bn = lab_bank / jnp.maximum(jnp.linalg.norm(lab_bank, axis=-1, keepdims=True), eps)
    sims = zn @ bn.T  # [B, K] cosine similarities
    TOPK = 5  # static value always supplied by setup_inputs for topk
    sim, idx = jax.lax.top_k(sims, TOPK)  # [B, topk]
    idx = idx + jnp.asarray(topk - topk, dtype=idx.dtype)
    labels = jnp.take(lab_labels, idx, axis=0)  # gather labels of retrieved neighbors
    return idx, sim, labels

if __name__ == "__main__":
    import jax
    _d = setup_inputs()
    print(jax.jit(kernel)(*tuple(_d.values())))

</pallas_src>

<mosaic_0001>
#map = affine_map<(d0, d1) -> (0)>
module attributes {stable_mosaic.version = 14 : i64} {
  func.func @_gather(%arg0: i32, %arg1: i32, %arg2: memref<100000xi32, #tpu.memory_space<hbm>>, %arg3: memref<5120xi32, #tpu.memory_space<hbm>>, %arg4: memref<5120xi32, #tpu.memory_space<hbm>>, %arg5: memref<160xi32, #tpu.memory_space<vmem>>, %arg6: memref<160xi32, #tpu.memory_space<vmem>>, %arg7: memref<!tpu.dma_semaphore, #tpu.memory_space<semaphore_mem>>) attributes {dimension_semantics = [#tpu.dimension_semantics<core_parallel>, #tpu.dimension_semantics<subcore_parallel>], iteration_bounds = array<i64: 2, 16>, scalar_prefetch = 0 : i64, scratch_operands = 3 : i64, tpu.core_type = #tpu.core_type<sc_vector_subcore>, window_params = [{transform_indices = #map}, {transform_indices = #map}, {transform_indices = #map}]} {
    %mul3A = arith.constant 2 : i32
    %mul3A_0 = arith.muli %arg1, %mul3A : i32
    %add3A = arith.addi %mul3A_0, %arg0 : i32
    %mul3A_1 = arith.constant 160 : i32
    %mul3A_2 = arith.muli %add3A, %mul3A_1 : i32
    "tpu.region"() ({
      %run_scoped3A = tpu.sem_alloc : memref<!tpu.dma_semaphore, #tpu.memory_space<semaphore_mem>>
      %dma_start3A_5 = tpu.memref_slice %arg3[%mul3A_2] : memref<5120xi32, #tpu.memory_space<hbm>> -> memref<160xi32, #tpu.memory_space<hbm>>
      %dma_start3A_6 = tpu.memref_slice %arg3[%mul3A_2] : memref<5120xi32, #tpu.memory_space<hbm>> -> memref<160xi32, #tpu.memory_space<hbm>>
      tpu.enqueue_dma source(%dma_start3A_6 : memref<160xi32, #tpu.memory_space<hbm>>) target(%arg5 : memref<160xi32, #tpu.memory_space<vmem>>) target_semaphore(%run_scoped3A : memref<!tpu.dma_semaphore, #tpu.memory_space<semaphore_mem>>)
      %dma_wait3A_7 = tpu.memref_slice %arg3[%mul3A_2] : memref<5120xi32, #tpu.memory_space<hbm>> -> memref<160xi32, #tpu.memory_space<hbm>>
      %dma_wait3A_8 = tpu.memref_slice %arg3[%mul3A_2] : memref<5120xi32, #tpu.memory_space<hbm>> -> memref<160xi32, #tpu.memory_space<hbm>>
      tpu.wait_dma2 semaphore(%run_scoped3A : memref<!tpu.dma_semaphore, #tpu.memory_space<semaphore_mem>>) src(%dma_wait3A_8 : memref<160xi32, #tpu.memory_space<hbm>>) dst(%arg5 : memref<160xi32, #tpu.memory_space<vmem>>)
      tpu.yield
    }) : () -> ()
    %dma_start3A = arith.constant 0 : i32
    %dma_start3A_3 = tpu.memref_slice %arg2[%dma_start3A] : memref<100000xi32, #tpu.memory_space<hbm>> -> memref<100000xi32, #tpu.memory_space<hbm>>
    tpu.enqueue_indirect_dma source(%dma_start3A_3 : memref<100000xi32, #tpu.memory_space<hbm>>) target(%arg6 : memref<160xi32, #tpu.memory_space<vmem>>) offsets(%arg5 : memref<160xi32, #tpu.memory_space<vmem>>) semaphore(%arg7 : memref<!tpu.dma_semaphore, #tpu.memory_space<semaphore_mem>>)
    %dma_wait3A = arith.constant 0 : i32
    %dma_wait3A_4 = tpu.memref_slice %arg2[%dma_wait3A] : memref<100000xi32, #tpu.memory_space<hbm>> -> memref<100000xi32, #tpu.memory_space<hbm>>
    tpu.wait_indirect_dma semaphore(%arg7 : memref<!tpu.dma_semaphore, #tpu.memory_space<semaphore_mem>>) src(%dma_wait3A_4 : memref<100000xi32, #tpu.memory_space<hbm>>) dst(%arg6 : memref<160xi32, #tpu.memory_space<vmem>>)
    "tpu.region"() ({
      %run_scoped3A = tpu.sem_alloc : memref<!tpu.dma_semaphore, #tpu.memory_space<semaphore_mem>>
      %dma_start3A_5 = tpu.memref_slice %arg4[%mul3A_2] : memref<5120xi32, #tpu.memory_space<hbm>> -> memref<160xi32, #tpu.memory_space<hbm>>
      %dma_start3A_6 = tpu.memref_slice %arg4[%mul3A_2] : memref<5120xi32, #tpu.memory_space<hbm>> -> memref<160xi32, #tpu.memory_space<hbm>>
      tpu.enqueue_dma source(%arg6 : memref<160xi32, #tpu.memory_space<vmem>>) target(%dma_start3A_6 : memref<160xi32, #tpu.memory_space<hbm>>) target_semaphore(%run_scoped3A : memref<!tpu.dma_semaphore, #tpu.memory_space<semaphore_mem>>)
      %dma_wait3A_7 = tpu.memref_slice %arg4[%mul3A_2] : memref<5120xi32, #tpu.memory_space<hbm>> -> memref<160xi32, #tpu.memory_space<hbm>>
      %dma_wait3A_8 = tpu.memref_slice %arg4[%mul3A_2] : memref<5120xi32, #tpu.memory_space<hbm>> -> memref<160xi32, #tpu.memory_space<hbm>>
      tpu.wait_dma2 semaphore(%run_scoped3A : memref<!tpu.dma_semaphore, #tpu.memory_space<semaphore_mem>>) src(%arg6 : memref<160xi32, #tpu.memory_space<vmem>>) dst(%dma_wait3A_8 : memref<160xi32, #tpu.memory_space<hbm>>)
      tpu.yield
    }) : () -> ()
    return
  }
}

module attributes {stable_mosaic.version = 14 : i64} {
  func.func @_main_body(%arg0: i32, %arg1: memref<1024x128xf32, #tpu.memory_space<vmem>>, %arg2: memref<4096x128xf32, #tpu.memory_space<vmem>>, %arg3: memref<4096x1xf32, #tpu.memory_space<vmem>>, %arg4: memref<1x1024x8xf32, #tpu.memory_space<vmem>>, %arg5: memref<1x1024x8xf32, #tpu.memory_space<vmem>>) attributes {dimension_semantics = [#tpu.dimension_semantics<arbitrary>], iteration_bounds = array<i64: 24>, scalar_prefetch = 0 : i64, scratch_operands = 0 : i64, tpu.core_type = #tpu.core_type<tc>, window_params = [{pipeline_mode = #tpu.pipeline_mode<synchronous>, transform_indices = @transform_0, window_bounds = array<i64: 1024, 128>}, {transform_indices = @transform_1, window_bounds = array<i64: 4096, 128>}, {transform_indices = @transform_2, window_bounds = array<i64: 4096, 1>}, {transform_indices = @transform_3, window_bounds = array<i64: 1, 1024, 8>}, {transform_indices = @transform_4, window_bounds = array<i64: 1, 1024, 8>}]} {
    %mul3A = arith.constant 4096 : i32
    %mul3A_0 = arith.muli %arg0, %mul3A : i32
    %convert_element_type3A = arith.sitofp %mul3A_0 : i32 to f32
    %get3A = arith.constant 0 : index
    %get3A_1 = arith.constant 0 : index
    %get3A_2 = vector.load %arg1[%get3A, %get3A_1] : memref<1024x128xf32, #tpu.memory_space<vmem>>, vector<1024x128xf32>
    %get3A_3 = arith.constant 0 : index
    %get3A_4 = arith.constant 0 : index
    %get3A_5 = vector.load %arg2[%get3A_3, %get3A_4] : memref<4096x128xf32, #tpu.memory_space<vmem>>, vector<4096x128xf32>
    %get3A_6 = arith.constant 0 : index
    %get3A_7 = arith.constant 0 : index
    %get3A_8 = vector.load %arg3[%get3A_6, %get3A_7] : memref<4096x1xf32, #tpu.memory_space<vmem>>, vector<4096x1xf32>
    %div3A = vector.broadcast %get3A_8 : vector<4096x1xf32> to vector<4096x128xf32>
    %div3A_9 = arith.divf %get3A_5, %div3A : vector<4096x128xf32>
    %dot_general3A = arith.constant dense<0.000000e+00> : vector<1024x4096xf32>
    %dot_general3A_10 = tpu.matmul %get3A_2, %div3A_9, %dot_general3A {dimension_numbers = #tpu.dot_dimension_numbers<[1], [1], [0], [0], [0, 0, 1, 0], [], []>, transpose_lhs_hint = false} : vector<1024x128xf32>, vector<4096x128xf32>, vector<1024x4096xf32> -> vector<1024x4096xf32>
    %iota3A = tpu.iota {dimensions = array<i32: 1>} : vector<1024x4096xi32>
    %convert_element_type3A_11 = arith.sitofp %iota3A : vector<1024x4096xi32> to vector<1024x4096xf32>
    %slice3A = vector.extract_strided_slice %convert_element_type3A_11 {offsets = [0, 0], sizes = [1024, 128], strides = [1, 1]} : vector<1024x4096xf32> to vector<1024x128xf32>
    %slice3A_12 = vector.extract_strided_slice %dot_general3A_10 {offsets = [0, 0], sizes = [1024, 128], strides = [1, 1]} : vector<1024x4096xf32> to vector<1024x128xf32>
    %broadcast_in_dim3A = arith.constant 0.000000e+00 : f32
    %broadcast_in_dim3A_13 = vector.broadcast %broadcast_in_dim3A : f32 to vector<1024x128xf32>
    %slice3A_14 = vector.extract_strided_slice %dot_general3A_10 {offsets = [0, 128], sizes = [1024, 128], strides = [1, 1]} : vector<1024x4096xf32> to vector<1024x128xf32>
    %gt3A = arith.cmpf ogt, %slice3A_14, %slice3A_12 : vector<1024x128xf32>
    %jit3A = arith.constant 1.000000e+00 : f32
    %broadcast_in_dim3A_15 = vector.broadcast %jit3A : f32 to vector<1024x128xf32>
    %select_n3A = arith.select %gt3A, %broadcast_in_dim3A_15, %broadcast_in_dim3A_13 : vector<1024x128xi1>, vector<1024x128xf32>
    %select_n3A_16 = arith.select %gt3A, %slice3A_14, %slice3A_12 : vector<1024x128xi1>, vector<1024x128xf32>
    %slice3A_17 = vector.extract_strided_slice %dot_general3A_10 {offsets = [0, 256], sizes = [1024, 128], strides = [1, 1]} : vector<1024x4096xf32> to vector<1024x128xf32>
    %gt3A_18 = arith.cmpf ogt, %slice3A_17, %select_n3A_16 : vector<1024x128xf32>
    %jit3A_19 = arith.constant 2.000000e+00 : f32
    %broadcast_in_dim3A_20 = vector.broadcast %jit3A_19 : f32 to vector<1024x128xf32>
    %select_n3A_21 = arith.select %gt3A_18, %broadcast_in_dim3A_20, %select_n3A : vector<1024x128xi1>, vector<1024x128xf32>
    %select_n3A_22 = arith.select %gt3A_18, %slice3A_17, %select_n3A_16 : vector<1024x128xi1>, vector<1024x128xf32>
    %slice3A_23 = vector.extract_strided_slice %dot_general3A_10 {offsets = [0, 384], sizes = [1024, 128], strides = [1, 1]} : vector<1024x4096xf32> to vector<1024x128xf32>
    %gt3A_24 = arith.cmpf ogt, %slice3A_23, %select_n3A_22 : vector<1024x128xf32>
    %jit3A_25 = arith.constant 3.000000e+00 : f32
    %broadcast_in_dim3A_26 = vector.broadcast %jit3A_25 : f32 to vector<1024x128xf32>
    %select_n3A_27 = arith.select %gt3A_24, %broadcast_in_dim3A_26, %select_n3A_21 : vector<1024x128xi1>, vector<1024x128xf32>
    %select_n3A_28 = arith.select %gt3A_24, %slice3A_23, %select_n3A_22 : vector<1024x128xi1>, vector<1024x128xf32>
    %slice3A_29 = vector.extract_strided_slice %dot_general3A_10 {offsets = [0, 512], sizes = [1024, 128], strides = [1, 1]} : vector<1024x4096xf32> to vector<1024x128xf32>
    %gt3A_30 = arith.cmpf ogt, %slice3A_29, %select_n3A_28 : vector<1024x128xf32>
    %jit3A_31 = arith.constant 4.000000e+00 : f32
    %broadcast_in_dim3A_32 = vector.broadcast %jit3A_31 : f32 to vector<1024x128xf32>
    %select_n3A_33 = arith.select %gt3A_30, %broadcast_in_dim3A_32, %select_n3A_27 : vector<1024x128xi1>, vector<1024x128xf32>
    %select_n3A_34 = arith.select %gt3A_30, %slice3A_29, %select_n3A_28 : vector<1024x128xi1>, vector<1024x128xf32>
    %slice3A_35 = vector.extract_strided_slice %dot_general3A_10 {offsets = [0, 640], sizes = [1024, 128], strides = [1, 1]} : vector<1024x4096xf32> to vector<1024x128xf32>
    %gt3A_36 = arith.cmpf ogt, %slice3A_35, %select_n3A_34 : vector<1024x128xf32>
    %jit3A_37 = arith.constant 5.000000e+00 : f32
    %broadcast_in_dim3A_38 = vector.broadcast %jit3A_37 : f32 to vector<1024x128xf32>
    %select_n3A_39 = arith.select %gt3A_36, %broadcast_in_dim3A_38, %select_n3A_33 : vector<1024x128xi1>, vector<1024x128xf32>
    %select_n3A_40 = arith.select %gt3A_36, %slice3A_35, %select_n3A_34 : vector<1024x128xi1>, vector<1024x128xf32>
    %slice3A_41 = vector.extract_strided_slice %dot_general3A_10 {offsets = [0, 768], sizes = [1024, 128], strides = [1, 1]} : vector<1024x4096xf32> to vector<1024x128xf32>
    %gt3A_42 = arith.cmpf ogt, %slice3A_41, %select_n3A_40 : vector<1024x128xf32>
    %jit3A_43 = arith.constant 6.000000e+00 : f32
    %broadcast_in_dim3A_44 = vector.broadcast %jit3A_43 : f32 to vector<1024x128xf32>
    %select_n3A_45 = arith.select %gt3A_42, %broadcast_in_dim3A_44, %select_n3A_39 : vector<1024x128xi1>, vector<1024x128xf32>
    %select_n3A_46 = arith.select %gt3A_42, %slice3A_41, %select_n3A_40 : vector<1024x128xi1>, vector<1024x128xf32>
    %slice3A_47 = vector.extract_strided_slice %dot_general3A_10 {offsets = [0, 896], sizes = [1024, 128], strides = [1, 1]} : vector<1024x4096xf32> to vector<1024x128xf32>
    %gt3A_48 = arith.cmpf ogt, %slice3A_47, %select_n3A_46 : vector<1024x128xf32>
    %jit3A_49 = arith.constant 7.000000e+00 : f32
    %broadcast_in_dim3A_50 = vector.broadcast %jit3A_49 : f32 to vector<1024x128xf32>
    %select_n3A_51 = arith.select %gt3A_48, %broadcast_in_dim3A_50, %select_n3A_45 : vector<1024x128xi1>, vector<1024x128xf32>
    %select_n3A_52 = arith.select %gt3A_48, %slice3A_47, %select_n3A_46 : vector<1024x128xi1>, vector<1024x128xf32>
    %slice3A_53 = vector.extract_strided_slice %dot_general3A_10 {offsets = [0, 1024], sizes = [1024, 128], strides = [1, 1]} : vector<1024x4096xf32> to vector<1024x128xf32>
    %gt3A_54 = arith.cmpf ogt, %slice3A_53, %select_n3A_52 : vector<1024x128xf32>
    %jit3A_55 = arith.constant 8.000000e+00 : f32
    %broadcast_in_dim3A_56 = vector.broadcast %jit3A_55 : f32 to vector<1024x128xf32>
    %select_n3A_57 = arith.select %gt3A_54, %broadcast_in_dim3A_56, %select_n3A_51 : vector<1024x128xi1>, vector<1024x128xf32>
    %select_n3A_58 = arith.select %gt3A_54, %slice3A_53, %select_n3A_52 : vector<1024x128xi1>, vector<1024x128xf32>
    %slice3A_59 = vector.extract_strided_slice %dot_general3A_10 {offsets = [0, 1152], sizes = [1024, 128], strides = [1, 1]} : vector<1024x4096xf32> to vector<1024x128xf32>
    %gt3A_60 = arith.cmpf ogt, %slice3A_59, %select_n3A_58 : vector<1024x128xf32>
    %jit3A_61 = arith.constant 9.000000e+00 : f32
    %broadcast_in_dim3A_62 = vector.broadcast %jit3A_61 : f32 to vector<1024x128xf32>
    %select_n3A_63 = arith.select %gt3A_60, %broadcast_in_dim3A_62, %select_n3A_57 : vector<1024x128xi1>, vector<1024x128xf32>
    %select_n3A_64 = arith.select %gt3A_60, %slice3A_59, %select_n3A_58 : vector<1024x128xi1>, vector<1024x128xf32>
    %slice3A_65 = vector.extract_strided_slice %dot_general3A_10 {offsets = [0, 1280], sizes = [1024, 128], strides = [1, 1]} : vector<1024x4096xf32> to vector<1024x128xf32>
    %gt3A_66 = arith.cmpf ogt, %slice3A_65, %select_n3A_64 : vector<1024x128xf32>
    %jit3A_67 = arith.constant 1.000000e+01 : f32
    %broadcast_in_dim3A_68 = vector.broadcast %jit3A_67 : f32 to vector<1024x128xf32>
    %select_n3A_69 = arith.select %gt3A_66, %broadcast_in_dim3A_68, %select_n3A_63 : vector<1024x128xi1>, vector<1024x128xf32>
    %select_n3A_70 = arith.select %gt3A_66, %slice3A_65, %select_n3A_64 : vector<1024x128xi1>, vector<1024x128xf32>
    %slice3A_71 = vector.extract_strided_slice %dot_general3A_10 {offsets = [0, 1408], sizes = [1024, 128], strides = [1, 1]} : vector<1024x4096xf32> to vector<1024x128xf32>
    %gt3A_72 = arith.cmpf ogt, %slice3A_71, %select_n3A_70 : vector<1024x128xf32>
    %jit3A_73 = arith.constant 1.100000e+01 : f32
    %broadcast_in_dim3A_74 = vector.broadcast %jit3A_73 : f32 to vector<1024x128xf32>
    %select_n3A_75 = arith.select %gt3A_72, %broadcast_in_dim3A_74, %select_n3A_69 : vector<1024x128xi1>, vector<1024x128xf32>
    %select_n3A_76 = arith.select %gt3A_72, %slice3A_71, %select_n3A_70 : vector<1024x128xi1>, vector<1024x128xf32>
    %slice3A_77 = vector.extract_strided_slice %dot_general3A_10 {offsets = [0, 1536], sizes = [1024, 128], strides = [1, 1]} : vector<1024x4096xf32> to vector<1024x128xf32>
    %gt3A_78 = arith.cmpf ogt, %slice3A_77, %select_n3A_76 : vector<1024x128xf32>
    %jit3A_79 = arith.constant 1.200000e+01 : f32
    %broadcast_in_dim3A_80 = vector.broadcast %jit3A_79 : f32 to vector<1024x128xf32>
    %select_n3A_81 = arith.select %gt3A_78, %broadcast_in_dim3A_80, %select_n3A_75 : vector<1024x128xi1>, vector<1024x128xf32>
    %select_n3A_82 = arith.select %gt3A_78, %slice3A_77, %select_n3A_76 : vector<1024x128xi1>, vector<1024x128xf32>
    %slice3A_83 = vector.extract_strided_slice %dot_general3A_10 {offsets = [0, 1664], sizes = [1024, 128], strides = [1, 1]} : vector<1024x4096xf32> to vector<1024x128xf32>
    %gt3A_84 = arith.cmpf ogt, %slice3A_83, %select_n3A_82 : vector<1024x128xf32>
    %jit3A_85 = arith.constant 1.300000e+01 : f32
    %broadcast_in_dim3A_86 = vector.broadcast %jit3A_85 : f32 to vector<1024x128xf32>
    %select_n3A_87 = arith.select %gt3A_84, %broadcast_in_dim3A_86, %select_n3A_81 : vector<1024x128xi1>, vector<1024x128xf32>
    %select_n3A_88 = arith.select %gt3A_84, %slice3A_83, %select_n3A_82 : vector<1024x128xi1>, vector<1024x128xf32>
    %slice3A_89 = vector.extract_strided_slice %dot_general3A_10 {offsets = [0, 1792], sizes = [1024, 128], strides = [1, 1]} : vector<1024x4096xf32> to vector<1024x128xf32>
    %gt3A_90 = arith.cmpf ogt, %slice3A_89, %select_n3A_88 : vector<1024x128xf32>
    %jit3A_91 = arith.constant 1.400000e+01 : f32
    %broadcast_in_dim3A_92 = vector.broadcast %jit3A_91 : f32 to vector<1024x128xf32>
    %select_n3A_93 = arith.select %gt3A_90, %broadcast_in_dim3A_92, %select_n3A_87 : vector<1024x128xi1>, vector<1024x128xf32>
    %select_n3A_94 = arith.select %gt3A_90, %slice3A_89, %select_n3A_88 : vector<1024x128xi1>, vector<1024x128xf32>
    %slice3A_95 = vector.extract_strided_slice %dot_general3A_10 {offsets = [0, 1920], sizes = [1024, 128], strides = [1, 1]} : vector<1024x4096xf32> to vector<1024x128xf32>
    %gt3A_96 = arith.cmpf ogt, %slice3A_95, %select_n3A_94 : vector<1024x128xf32>
    %jit3A_97 = arith.constant 1.500000e+01 : f32
    %broadcast_in_dim3A_98 = vector.broadcast %jit3A_97 : f32 to vector<1024x128xf32>
    %select_n3A_99 = arith.select %gt3A_96, %broadcast_in_dim3A_98, %select_n3A_93 : vector<1024x128xi1>, vector<1024x128xf32>
    %select_n3A_100 = arith.select %gt3A_96, %slice3A_95, %select_n3A_94 : vector<1024x128xi1>, vector<1024x128xf32>
    %slice3A_101 = vector.extract_strided_slice %dot_general3A_10 {offsets = [0, 2048], sizes = [1024, 128], strides = [1, 1]} : vector<1024x4096xf32> to vector<1024x128xf32>
    %gt3A_102 = arith.cmpf ogt, %slice3A_101, %select_n3A_100 : vector<1024x128xf32>
    %jit3A_103 = arith.constant 1.600000e+01 : f32
    %broadcast_in_dim3A_104 = vector.broadcast %jit3A_103 : f32 to vector<1024x128xf32>
    %select_n3A_105 = arith.select %gt3A_102, %broadcast_in_dim3A_104, %select_n3A_99 : vector<1024x128xi1>, vector<1024x128xf32>
    %select_n3A_106 = arith.select %gt3A_102, %slice3A_101, %select_n3A_100 : vector<1024x128xi1>, vector<1024x128xf32>
    %slice3A_107 = vector.extract_strided_slice %dot_general3A_10 {offsets = [0, 2176], sizes = [1024, 128], strides = [1, 1]} : vector<1024x4096xf32> to vector<1024x128xf32>
    %gt3A_108 = arith.cmpf ogt, %slice3A_107, %select_n3A_106 : vector<1024x128xf32>
    %jit3A_109 = arith.constant 1.700000e+01 : f32
    %broadcast_in_dim3A_110 = vector.broadcast %jit3A_109 : f32 to vector<1024x128xf32>
    %select_n3A_111 = arith.select %gt3A_108, %broadcast_in_dim3A_110, %select_n3A_105 : vector<1024x128xi1>, vector<1024x128xf32>
    %select_n3A_112 = arith.select %gt3A_108, %slice3A_107, %select_n3A_106 : vector<1024x128xi1>, vector<1024x128xf32>
    %slice3A_113 = vector.extract_strided_slice %dot_general3A_10 {offsets = [0, 2304], sizes = [1024, 128], strides = [1, 1]} : vector<1024x4096xf32> to vector<1024x128xf32>
    %gt3A_114 = arith.cmpf ogt, %slice3A_113, %select_n3A_112 : vector<1024x128xf32>
    %jit3A_115 = arith.constant 1.800000e+01 : f32
    %broadcast_in_dim3A_116 = vector.broadcast %jit3A_115 : f32 to vector<1024x128xf32>
    %select_n3A_117 = arith.select %gt3A_114, %broadcast_in_dim3A_116, %select_n3A_111 : vector<1024x128xi1>, vector<1024x128xf32>
    %select_n3A_118 = arith.select %gt3A_114, %slice3A_113, %select_n3A_112 : vector<1024x128xi1>, vector<1024x128xf32>
    %slice3A_119 = vector.extract_strided_slice %dot_general3A_10 {offsets = [0, 2432], sizes = [1024, 128], strides = [1, 1]} : vector<1024x4096xf32> to vector<1024x128xf32>
    %gt3A_120 = arith.cmpf ogt, %slice3A_119, %select_n3A_118 : vector<1024x128xf32>
    %jit3A_121 = arith.constant 1.900000e+01 : f32
    %broadcast_in_dim3A_122 = vector.broadcast %jit3A_121 : f32 to vector<1024x128xf32>
    %select_n3A_123 = arith.select %gt3A_120, %broadcast_in_dim3A_122, %select_n3A_117 : vector<1024x128xi1>, vector<1024x128xf32>
    %select_n3A_124 = arith.select %gt3A_120, %slice3A_119, %select_n3A_118 : vector<1024x128xi1>, vector<1024x128xf32>
    %slice3A_125 = vector.extract_strided_slice %dot_general3A_10 {offsets = [0, 2560], sizes = [1024, 128], strides = [1, 1]} : vector<1024x4096xf32> to vector<1024x128xf32>
    %gt3A_126 = arith.cmpf ogt, %slice3A_125, %select_n3A_124 : vector<1024x128xf32>
    %jit3A_127 = arith.constant 2.000000e+01 : f32
    %broadcast_in_dim3A_128 = vector.broadcast %jit3A_127 : f32 to vector<1024x128xf32>
    %select_n3A_129 = arith.select %gt3A_126, %broadcast_in_dim3A_128, %select_n3A_123 : vector<1024x128xi1>, vector<1024x128xf32>
    %select_n3A_130 = arith.select %gt3A_126, %slice3A_125, %select_n3A_124 : vector<1024x128xi1>, vector<1024x128xf32>
    %slice3A_131 = vector.extract_strided_slice %dot_general3A_10 {offsets = [0, 2688], sizes = [1024, 128], strides = [1, 1]} : vector<1024x4096xf32> to vector<1024x128xf32>
    %gt3A_132 = arith.cmpf ogt, %slice3A_131, %select_n3A_130 : vector<1024x128xf32>
    %jit3A_133 = arith.constant 2.100000e+01 : f32
    %broadcast_in_dim3A_134 = vector.broadcast %jit3A_133 : f32 to vector<1024x128xf32>
    %select_n3A_135 = arith.select %gt3A_132, %broadcast_in_dim3A_134, %select_n3A_129 : vector<1024x128xi1>, vector<1024x128xf32>
    %select_n3A_136 = arith.select %gt3A_132, %slice3A_131, %select_n3A_130 : vector<1024x128xi1>, vector<1024x128xf32>
    %slice3A_137 = vector.extract_strided_slice %dot_general3A_10 {offsets = [0, 2816], sizes = [1024, 128], strides = [1, 1]} : vector<1024x4096xf32> to vector<1024x128xf32>
    %gt3A_138 = arith.cmpf ogt, %slice3A_137, %select_n3A_136 : vector<1024x128xf32>
    %jit3A_139 = arith.constant 2.200000e+01 : f32
    %broadcast_in_dim3A_140 = vector.broadcast %jit3A_139 : f32 to vector<1024x128xf32>
    %select_n3A_141 = arith.select %gt3A_138, %broadcast_in_dim3A_140, %select_n3A_135 : vector<1024x128xi1>, vector<1024x128xf32>
    %select_n3A_142 = arith.select %gt3A_138, %slice3A_137, %select_n3A_136 : vector<1024x128xi1>, vector<1024x128xf32>
    %slice3A_143 = vector.extract_strided_slice %dot_general3A_10 {offsets = [0, 2944], sizes = [1024, 128], strides = [1, 1]} : vector<1024x4096xf32> to vector<1024x128xf32>
    %gt3A_144 = arith.cmpf ogt, %slice3A_143, %select_n3A_142 : vector<1024x128xf32>
    %jit3A_145 = arith.constant 2.300000e+01 : f32
    %broadcast_in_dim3A_146 = vector.broadcast %jit3A_145 : f32 to vector<1024x128xf32>
    %select_n3A_147 = arith.select %gt3A_144, %broadcast_in_dim3A_146, %select_n3A_141 : vector<1024x128xi1>, vector<1024x128xf32>
    %select_n3A_148 = arith.select %gt3A_144, %slice3A_143, %select_n3A_142 : vector<1024x128xi1>, vector<1024x128xf32>
    %slice3A_149 = vector.extract_strided_slice %dot_general3A_10 {offsets = [0, 3072], sizes = [1024, 128], strides = [1, 1]} : vector<1024x4096xf32> to vector<1024x128xf32>
    %gt3A_150 = arith.cmpf ogt, %slice3A_149, %select_n3A_148 : vector<1024x128xf32>
    %jit3A_151 = arith.constant 2.400000e+01 : f32
    %broadcast_in_dim3A_152 = vector.broadcast %jit3A_151 : f32 to vector<1024x128xf32>
    %select_n3A_153 = arith.select %gt3A_150, %broadcast_in_dim3A_152, %select_n3A_147 : vector<1024x128xi1>, vector<1024x128xf32>
    %select_n3A_154 = arith.select %gt3A_150, %slice3A_149, %select_n3A_148 : vector<1024x128xi1>, vector<1024x128xf32>
    %slice3A_155 = vector.extract_strided_slice %dot_general3A_10 {offsets = [0, 3200], sizes = [1024, 128], strides = [1, 1]} : vector<1024x4096xf32> to vector<1024x128xf32>
    %gt3A_156 = arith.cmpf ogt, %slice3A_155, %select_n3A_154 : vector<1024x128xf32>
    %jit3A_157 = arith.constant 2.500000e+01 : f32
    %broadcast_in_dim3A_158 = vector.broadcast %jit3A_157 : f32 to vector<1024x128xf32>
    %select_n3A_159 = arith.select %gt3A_156, %broadcast_in_dim3A_158, %select_n3A_153 : vector<1024x128xi1>, vector<1024x128xf32>
    %select_n3A_160 = arith.select %gt3A_156, %slice3A_155, %select_n3A_154 : vector<1024x128xi1>, vector<1024x128xf32>
    %slice3A_161 = vector.extract_strided_slice %dot_general3A_10 {offsets = [0, 3328], sizes = [1024, 128], strides = [1, 1]} : vector<1024x4096xf32> to vector<1024x128xf32>
    %gt3A_162 = arith.cmpf ogt, %slice3A_161, %select_n3A_160 : vector<1024x128xf32>
    %jit3A_163 = arith.constant 2.600000e+01 : f32
    %broadcast_in_dim3A_164 = vector.broadcast %jit3A_163 : f32 to vector<1024x128xf32>
    %select_n3A_165 = arith.select %gt3A_162, %broadcast_in_dim3A_164, %select_n3A_159 : vector<1024x128xi1>, vector<1024x128xf32>
    %select_n3A_166 = arith.select %gt3A_162, %slice3A_161, %select_n3A_160 : vector<1024x128xi1>, vector<1024x128xf32>
    %slice3A_167 = vector.extract_strided_slice %dot_general3A_10 {offsets = [0, 3456], sizes = [1024, 128], strides = [1, 1]} : vector<1024x4096xf32> to vector<1024x128xf32>
    %gt3A_168 = arith.cmpf ogt, %slice3A_167, %select_n3A_166 : vector<1024x128xf32>
    %jit3A_169 = arith.constant 2.700000e+01 : f32
    %broadcast_in_dim3A_170 = vector.broadcast %jit3A_169 : f32 to vector<1024x128xf32>
    %select_n3A_171 = arith.select %gt3A_168, %broadcast_in_dim3A_170, %select_n3A_165 : vector<1024x128xi1>, vector<1024x128xf32>
    %select_n3A_172 = arith.select %gt3A_168, %slice3A_167, %select_n3A_166 : vector<1024x128xi1>, vector<1024x128xf32>
    %slice3A_173 = vector.extract_strided_slice %dot_general3A_10 {offsets = [0, 3584], sizes = [1024, 128], strides = [1, 1]} : vector<1024x4096xf32> to vector<1024x128xf32>
    %gt3A_174 = arith.cmpf ogt, %slice3A_173, %select_n3A_172 : vector<1024x128xf32>
    %jit3A_175 = arith.constant 2.800000e+01 : f32
    %broadcast_in_dim3A_176 = vector.broadcast %jit3A_175 : f32 to vector<1024x128xf32>
    %select_n3A_177 = arith.select %gt3A_174, %broadcast_in_dim3A_176, %select_n3A_171 : vector<1024x128xi1>, vector<1024x128xf32>
    %select_n3A_178 = arith.select %gt3A_174, %slice3A_173, %select_n3A_172 : vector<1024x128xi1>, vector<1024x128xf32>
    %slice3A_179 = vector.extract_strided_slice %dot_general3A_10 {offsets = [0, 3712], sizes = [1024, 128], strides = [1, 1]} : vector<1024x4096xf32> to vector<1024x128xf32>
    %gt3A_180 = arith.cmpf ogt, %slice3A_179, %select_n3A_178 : vector<1024x128xf32>
    %jit3A_181 = arith.constant 2.900000e+01 : f32
    %broadcast_in_dim3A_182 = vector.broadcast %jit3A_181 : f32 to vector<1024x128xf32>
    %select_n3A_183 = arith.select %gt3A_180, %broadcast_in_dim3A_182, %select_n3A_177 : vector<1024x128xi1>, vector<1024x128xf32>
    %select_n3A_184 = arith.select %gt3A_180, %slice3A_179, %select_n3A_178 : vector<1024x128xi1>, vector<1024x128xf32>
    %slice3A_185 = vector.extract_strided_slice %dot_general3A_10 {offsets = [0, 3840], sizes = [1024, 128], strides = [1, 1]} : vector<1024x4096xf32> to vector<1024x128xf32>
    %gt3A_186 = arith.cmpf ogt, %slice3A_185, %select_n3A_184 : vector<1024x128xf32>
    %jit3A_187 = arith.constant 3.000000e+01 : f32
    %broadcast_in_dim3A_188 = vector.broadcast %jit3A_187 : f32 to vector<1024x128xf32>
    %select_n3A_189 = arith.select %gt3A_186, %broadcast_in_dim3A_188, %select_n3A_183 : vector<1024x128xi1>, vector<1024x128xf32>
    %select_n3A_190 = arith.select %gt3A_186, %slice3A_185, %select_n3A_184 : vector<1024x128xi1>, vector<1024x128xf32>
    %slice3A_191 = vector.extract_strided_slice %dot_general3A_10 {offsets = [0, 3968], sizes = [1024, 128], strides = [1, 1]} : vector<1024x4096xf32> to vector<1024x128xf32>
    %gt3A_192 = arith.cmpf ogt, %slice3A_191, %select_n3A_190 : vector<1024x128xf32>
    %jit3A_193 = arith.constant 3.100000e+01 : f32
    %broadcast_in_dim3A_194 = vector.broadcast %jit3A_193 : f32 to vector<1024x128xf32>
    %select_n3A_195 = arith.select %gt3A_192, %broadcast_in_dim3A_194, %select_n3A_189 : vector<1024x128xi1>, vector<1024x128xf32>
    %select_n3A_196 = arith.select %gt3A_192, %slice3A_191, %select_n3A_190 : vector<1024x128xi1>, vector<1024x128xf32>
    %reduce_max3A = arith.constant dense<0xFF800000> : vector<1024xf32>
    %reduce_max3A_197 = vector.multi_reduction <maximumf>, %select_n3A_196, %reduce_max3A [1] : vector<1024x128xf32> to vector<1024xf32>
    %broadcast_in_dim3A_198 = vector.shape_cast %reduce_max3A_197 : vector<1024xf32> to vector<1024x1xf32>
    %mul3A_199 = arith.constant 1.280000e+02 : f32
    %mul3A_200 = vector.broadcast %mul3A_199 : f32 to vector<1024x128xf32>
    %mul3A_201 = arith.mulf %select_n3A_195, %mul3A_200 : vector<1024x128xf32>
    %add3A = arith.addf %mul3A_201, %slice3A : vector<1024x128xf32>
    %eq3A = vector.broadcast %broadcast_in_dim3A_198 : vector<1024x1xf32> to vector<1024x128xf32>
    %eq3A_202 = arith.cmpf oeq, %select_n3A_196, %eq3A : vector<1024x128xf32>
    %jit3A_203 = arith.constant 3.000000e+07 : f32
    %broadcast_in_dim3A_204 = vector.broadcast %jit3A_203 : f32 to vector<1024x128xf32>
    %select_n3A_205 = arith.select %eq3A_202, %add3A, %broadcast_in_dim3A_204 : vector<1024x128xi1>, vector<1024x128xf32>
    %reduce_min3A = arith.constant dense<0x7F800000> : vector<1024xf32>
    %reduce_min3A_206 = vector.multi_reduction <minimumf>, %select_n3A_205, %reduce_min3A [1] : vector<1024x128xf32> to vector<1024xf32>
    %broadcast_in_dim3A_207 = vector.shape_cast %reduce_min3A_206 : vector<1024xf32> to vector<1024x1xf32>
    %eq3A_208 = vector.broadcast %broadcast_in_dim3A_207 : vector<1024x1xf32> to vector<1024x4096xf32>
    %eq3A_209 = arith.cmpf oeq, %convert_element_type3A_11, %eq3A_208 : vector<1024x4096xf32>
    %jit3A_210 = arith.constant 0xFF800000 : f32
    %broadcast_in_dim3A_211 = vector.broadcast %jit3A_210 : f32 to vector<1024x4096xf32>
    %select_n3A_212 = arith.select %eq3A_209, %broadcast_in_dim3A_211, %dot_general3A_10 : vector<1024x4096xi1>, vector<1024x4096xf32>
    %slice3A_213 = vector.extract_strided_slice %select_n3A_212 {offsets = [0, 0], sizes = [1024, 128], strides = [1, 1]} : vector<1024x4096xf32> to vector<1024x128xf32>
    %broadcast_in_dim3A_214 = arith.constant 0.000000e+00 : f32
    %broadcast_in_dim3A_215 = vector.broadcast %broadcast_in_dim3A_214 : f32 to vector<1024x128xf32>
    %slice3A_216 = vector.extract_strided_slice %select_n3A_212 {offsets = [0, 128], sizes = [1024, 128], strides = [1, 1]} : vector<1024x4096xf32> to vector<1024x128xf32>
    %gt3A_217 = arith.cmpf ogt, %slice3A_216, %slice3A_213 : vector<1024x128xf32>
    %jit3A_218 = arith.constant 1.000000e+00 : f32
    %broadcast_in_dim3A_219 = vector.broadcast %jit3A_218 : f32 to vector<1024x128xf32>
    %select_n3A_220 = arith.select %gt3A_217, %broadcast_in_dim3A_219, %broadcast_in_dim3A_215 : vector<1024x128xi1>, vector<1024x128xf32>
    %select_n3A_221 = arith.select %gt3A_217, %slice3A_216, %slice3A_213 : vector<1024x128xi1>, vector<1024x128xf32>
    %slice3A_222 = vector.extract_strided_slice %select_n3A_212 {offsets = [0, 256], sizes = [1024, 128], strides = [1, 1]} : vector<1024x4096xf32> to vector<1024x128xf32>
    %gt3A_223 = arith.cmpf ogt, %slice3A_222, %select_n3A_221 : vector<1024x128xf32>
    %jit3A_224 = arith.constant 2.000000e+00 : f32
    %broadcast_in_dim3A_225 = vector.broadcast %jit3A_224 : f32 to vector<1024x128xf32>
    %select_n3A_226 = arith.select %gt3A_223, %broadcast_in_dim3A_225, %select_n3A_220 : vector<1024x128xi1>, vector<1024x128xf32>
    %select_n3A_227 = arith.select %gt3A_223, %slice3A_222, %select_n3A_221 : vector<1024x128xi1>, vector<1024x128xf32>
    %slice3A_228 = vector.extract_strided_slice %select_n3A_212 {offsets = [0, 384], sizes = [1024, 128], strides = [1, 1]} : vector<1024x4096xf32> to vector<1024x128xf32>
    %gt3A_229 = arith.cmpf ogt, %slice3A_228, %select_n3A_227 : vector<1024x128xf32>
    %jit3A_230 = arith.constant 3.000000e+00 : f32
    %broadcast_in_dim3A_231 = vector.broadcast %jit3A_230 : f32 to vector<1024x128xf32>
    %select_n3A_232 = arith.select %gt3A_229, %broadcast_in_dim3A_231, %select_n3A_226 : vector<1024x128xi1>, vector<1024x128xf32>
    %select_n3A_233 = arith.select %gt3A_229, %slice3A_228, %select_n3A_227 : vector<1024x128xi1>, vector<1024x128xf32>
    %slice3A_234 = vector.extract_strided_slice %select_n3A_212 {offsets = [0, 512], sizes = [1024, 128], strides = [1, 1]} : vector<1024x4096xf32> to vector<1024x128xf32>
    %gt3A_235 = arith.cmpf ogt, %slice3A_234, %select_n3A_233 : vector<1024x128xf32>
    %jit3A_236 = arith.constant 4.000000e+00 : f32
    %broadcast_in_dim3A_237 = vector.broadcast %jit3A_236 : f32 to vector<1024x128xf32>
    %select_n3A_238 = arith.select %gt3A_235, %broadcast_in_dim3A_237, %select_n3A_232 : vector<1024x128xi1>, vector<1024x128xf32>
    %select_n3A_239 = arith.select %gt3A_235, %slice3A_234, %select_n3A_233 : vector<1024x128xi1>, vector<1024x128xf32>
    %slice3A_240 = vector.extract_strided_slice %select_n3A_212 {offsets = [0, 640], sizes = [1024, 128], strides = [1, 1]} : vector<1024x4096xf32> to vector<1024x128xf32>
    %gt3A_241 = arith.cmpf ogt, %slice3A_240, %select_n3A_239 : vector<1024x128xf32>
    %jit3A_242 = arith.constant 5.000000e+00 : f32
    %broadcast_in_dim3A_243 = vector.broadcast %jit3A_242 : f32 to vector<1024x128xf32>
    %select_n3A_244 = arith.select %gt3A_241, %broadcast_in_dim3A_243, %select_n3A_238 : vector<1024x128xi1>, vector<1024x128xf32>
    %select_n3A_245 = arith.select %gt3A_241, %slice3A_240, %select_n3A_239 : vector<1024x128xi1>, vector<1024x128xf32>
    %slice3A_246 = vector.extract_strided_slice %select_n3A_212 {offsets = [0, 768], sizes = [1024, 128], strides = [1, 1]} : vector<1024x4096xf32> to vector<1024x128xf32>
    %gt3A_247 = arith.cmpf ogt, %slice3A_246, %select_n3A_245 : vector<1024x128xf32>
    %jit3A_248 = arith.constant 6.000000e+00 : f32
    %broadcast_in_dim3A_249 = vector.broadcast %jit3A_248 : f32 to vector<1024x128xf32>
    %select_n3A_250 = arith.select %gt3A_247, %broadcast_in_dim3A_249, %select_n3A_244 : vector<1024x128xi1>, vector<1024x128xf32>
    %select_n3A_251 = arith.select %gt3A_247, %slice3A_246, %select_n3A_245 : vector<1024x128xi1>, vector<1024x128xf32>
    %slice3A_252 = vector.extract_strided_slice %select_n3A_212 {offsets = [0, 896], sizes = [1024, 128], strides = [1, 1]} : vector<1024x4096xf32> to vector<1024x128xf32>
    %gt3A_253 = arith.cmpf ogt, %slice3A_252, %select_n3A_251 : vector<1024x128xf32>
    %jit3A_254 = arith.constant 7.000000e+00 : f32
    %broadcast_in_dim3A_255 = vector.broadcast %jit3A_254 : f32 to vector<1024x128xf32>
    %select_n3A_256 = arith.select %gt3A_253, %broadcast_in_dim3A_255, %select_n3A_250 : vector<1024x128xi1>, vector<1024x128xf32>
    %select_n3A_257 = arith.select %gt3A_253, %slice3A_252, %select_n3A_251 : vector<1024x128xi1>, vector<1024x128xf32>
    %slice3A_258 = vector.extract_strided_slice %select_n3A_212 {offsets = [0, 1024], sizes = [1024, 128], strides = [1, 1]} : vector<1024x4096xf32> to vector<1024x128xf32>
    %gt3A_259 = arith.cmpf ogt, %slice3A_258, %select_n3A_257 : vector<1024x128xf32>
    %jit3A_260 = arith.constant 8.000000e+00 : f32
    %broadcast_in_dim3A_261 = vector.broadcast %jit3A_260 : f32 to vector<1024x128xf32>
    %select_n3A_262 = arith.select %gt3A_259, %broadcast_in_dim3A_261, %select_n3A_256 : vector<1024x128xi1>, vector<1024x128xf32>
    %select_n3A_263 = arith.select %gt3A_259, %slice3A_258, %select_n3A_257 : vector<1024x128xi1>, vector<1024x128xf32>
    %slice3A_264 = vector.extract_strided_slice %select_n3A_212 {offsets = [0, 1152], sizes = [1024, 128], strides = [1, 1]} : vector<1024x4096xf32> to vector<1024x128xf32>
    %gt3A_265 = arith.cmpf ogt, %slice3A_264, %select_n3A_263 : vector<1024x128xf32>
    %jit3A_266 = arith.constant 9.000000e+00 : f32
    %broadcast_in_dim3A_267 = vector.broadcast %jit3A_266 : f32 to vector<1024x128xf32>
    %select_n3A_268 = arith.select %gt3A_265, %broadcast_in_dim3A_267, %select_n3A_262 : vector<1024x128xi1>, vector<1024x128xf32>
    %select_n3A_269 = arith.select %gt3A_265, %slice3A_264, %select_n3A_263 : vector<1024x128xi1>, vector<1024x128xf32>
    %slice3A_270 = vector.extract_strided_slice %select_n3A_212 {offsets = [0, 1280], sizes = [1024, 128], strides = [1, 1]} : vector<1024x4096xf32> to vector<1024x128xf32>
    %gt3A_271 = arith.cmpf ogt, %slice3A_270, %select_n3A_269 : vector<1024x128xf32>
    %jit3A_272 = arith.constant 1.000000e+01 : f32
    %broadcast_in_dim3A_273 = vector.broadcast %jit3A_272 : f32 to vector<1024x128xf32>
    %select_n3A_274 = arith.select %gt3A_271, %broadcast_in_dim3A_273, %select_n3A_268 : vector<1024x128xi1>, vector<1024x128xf32>
    %select_n3A_275 = arith.select %gt3A_271, %slice3A_270, %select_n3A_269 : vector<1024x128xi1>, vector<1024x128xf32>
    %slice3A_276 = vector.extract_strided_slice %select_n3A_212 {offsets = [0, 1408], sizes = [1024, 128], strides = [1, 1]} : vector<1024x4096xf32> to vector<1024x128xf32>
    %gt3A_277 = arith.cmpf ogt, %slice3A_276, %select_n3A_275 : vector<1024x128xf32>
    %jit3A_278 = arith.constant 1.100000e+01 : f32
    %broadcast_in_dim3A_279 = vector.broadcast %jit3A_278 : f32 to vector<1024x128xf32>
    %select_n3A_280 = arith.select %gt3A_277, %broadcast_in_dim3A_279, %select_n3A_274 : vector<1024x128xi1>, vector<1024x128xf32>
    %select_n3A_281 = arith.select %gt3A_277, %slice3A_276, %select_n3A_275 : vector<1024x128xi1>, vector<1024x128xf32>
    %slice3A_282 = vector.extract_strided_slice %select_n3A_212 {offsets = [0, 1536], sizes = [1024, 128], strides = [1, 1]} : vector<1024x4096xf32> to vector<1024x128xf32>
    %gt3A_283 = arith.cmpf ogt, %slice3A_282, %select_n3A_281 : vector<1024x128xf32>
    %jit3A_284 = arith.constant 1.200000e+01 : f32
    %broadcast_in_dim3A_285 = vector.broadcast %jit3A_284 : f32 to vector<1024x128xf32>
    %select_n3A_286 = arith.select %gt3A_283, %broadcast_in_dim3A_285, %select_n3A_280 : vector<1024x128xi1>, vector<1024x128xf32>
    %select_n3A_287 = arith.select %gt3A_283, %slice3A_282, %select_n3A_281 : vector<1024x128xi1>, vector<1024x128xf32>
    %slice3A_288 = vector.extract_strided_slice %select_n3A_212 {offsets = [0, 1664], sizes = [1024, 128], strides = [1, 1]} : vector<1024x4096xf32> to vector<1024x128xf32>
    %gt3A_289 = arith.cmpf ogt, %slice3A_288, %select_n3A_287 : vector<1024x128xf32>
    %jit3A_290 = arith.constant 1.300000e+01 : f32
    %broadcast_in_dim3A_291 = vector.broadcast %jit3A_290 : f32 to vector<1024x128xf32>
    %select_n3A_292 = arith.select %gt3A_289, %broadcast_in_dim3A_291, %select_n3A_286 : vector<1024x128xi1>, vector<1024x128xf32>
    %select_n3A_293 = arith.select %gt3A_289, %slice3A_288, %select_n3A_287 : vector<1024x128xi1>, vector<1024x128xf32>
    %slice3A_294 = vector.extract_strided_slice %select_n3A_212 {offsets = [0, 1792], sizes = [1024, 128], strides = [1, 1]} : vector<1024x4096xf32> to vector<1024x128xf32>
    %gt3A_295 = arith.cmpf ogt, %slice3A_294, %select_n3A_293 : vector<1024x128xf32>
    %jit3A_296 = arith.constant 1.400000e+01 : f32
    %broadcast_in_dim3A_297 = vector.broadcast %jit3A_296 : f32 to vector<1024x128xf32>
    %select_n3A_298 = arith.select %gt3A_295, %broadcast_in_dim3A_297, %select_n3A_292 : vector<1024x128xi1>, vector<1024x128xf32>
    %select_n3A_299 = arith.select %gt3A_295, %slice3A_294, %select_n3A_293 : vector<1024x128xi1>, vector<1024x128xf32>
    %slice3A_300 = vector.extract_strided_slice %select_n3A_212 {offsets = [0, 1920], sizes = [1024, 128], strides = [1, 1]} : vector<1024x4096xf32> to vector<1024x128xf32>
    %gt3A_301 = arith.cmpf ogt, %slice3A_300, %select_n3A_299 : vector<1024x128xf32>
    %jit3A_302 = arith.constant 1.500000e+01 : f32
    %broadcast_in_dim3A_303 = vector.broadcast %jit3A_302 : f32 to vector<1024x128xf32>
    %select_n3A_304 = arith.select %gt3A_301, %broadcast_in_dim3A_303, %select_n3A_298 : vector<1024x128xi1>, vector<1024x128xf32>
    %select_n3A_305 = arith.select %gt3A_301, %slice3A_300, %select_n3A_299 : vector<1024x128xi1>, vector<1024x128xf32>
    %slice3A_306 = vector.extract_strided_slice %select_n3A_212 {offsets = [0, 2048], sizes = [1024, 128], strides = [1, 1]} : vector<1024x4096xf32> to vector<1024x128xf32>
    %gt3A_307 = arith.cmpf ogt, %slice3A_306, %select_n3A_305 : vector<1024x128xf32>
    %jit3A_308 = arith.constant 1.600000e+01 : f32
    %broadcast_in_dim3A_309 = vector.broadcast %jit3A_308 : f32 to vector<1024x128xf32>
    %select_n3A_310 = arith.select %gt3A_307, %broadcast_in_dim3A_309, %select_n3A_304 : vector<1024x128xi1>, vector<1024x128xf32>
    %select_n3A_311 = arith.select %gt3A_307, %slice3A_306, %select_n3A_305 : vector<1024x128xi1>, vector<1024x128xf32>
    %slice3A_312 = vector.extract_strided_slice %select_n3A_212 {offsets = [0, 2176], sizes = [1024, 128], strides = [1, 1]} : vector<1024x4096xf32> to vector<1024x128xf32>
    %gt3A_313 = arith.cmpf ogt, %slice3A_312, %select_n3A_311 : vector<1024x128xf32>
    %jit3A_314 = arith.constant 1.700000e+01 : f32
    %broadcast_in_dim3A_315 = vector.broadcast %jit3A_314 : f32 to vector<1024x128xf32>
    %select_n3A_316 = arith.select %gt3A_313, %broadcast_in_dim3A_315, %select_n3A_310 : vector<1024x128xi1>, vector<1024x128xf32>
    %select_n3A_317 = arith.select %gt3A_313, %slice3A_312, %select_n3A_311 : vector<1024x128xi1>, vector<1024x128xf32>
    %slice3A_318 = vector.extract_strided_slice %select_n3A_212 {offsets = [0, 2304], sizes = [1024, 128], strides = [1, 1]} : vector<1024x4096xf32> to vector<1024x128xf32>
    %gt3A_319 = arith.cmpf ogt, %slice3A_318, %select_n3A_317 : vector<1024x128xf32>
    %jit3A_320 = arith.constant 1.800000e+01 : f32
    %broadcast_in_dim3A_321 = vector.broadcast %jit3A_320 : f32 to vector<1024x128xf32>
    %select_n3A_322 = arith.select %gt3A_319, %broadcast_in_dim3A_321, %select_n3A_316 : vector<1024x128xi1>, vector<1024x128xf32>
    %select_n3A_323 = arith.select %gt3A_319, %slice3A_318, %select_n3A_317 : vector<1024x128xi1>, vector<1024x128xf32>
    %slice3A_324 = vector.extract_strided_slice %select_n3A_212 {offsets = [0, 2432], sizes = [1024, 128], strides = [1, 1]} : vector<1024x4096xf32> to vector<1024x128xf32>
    %gt3A_325 = arith.cmpf ogt, %slice3A_324, %select_n3A_323 : vector<1024x128xf32>
    %jit3A_326 = arith.constant 1.900000e+01 : f32
    %broadcast_in_dim3A_327 = vector.broadcast %jit3A_326 : f32 to vector<1024x128xf32>
    %select_n3A_328 = arith.select %gt3A_325, %broadcast_in_dim3A_327, %select_n3A_322 : vector<1024x128xi1>, vector<1024x128xf32>
    %select_n3A_329 = arith.select %gt3A_325, %slice3A_324, %select_n3A_323 : vector<1024x128xi1>, vector<1024x128xf32>
    %slice3A_330 = vector.extract_strided_slice %select_n3A_212 {offsets = [0, 2560], sizes = [1024, 128], strides = [1, 1]} : vector<1024x4096xf32> to vector<1024x128xf32>
    %gt3A_331 = arith.cmpf ogt, %slice3A_330, %select_n3A_329 : vector<1024x128xf32>
    %jit3A_332 = arith.constant 2.000000e+01 : f32
    %broadcast_in_dim3A_333 = vector.broadcast %jit3A_332 : f32 to vector<1024x128xf32>
    %select_n3A_334 = arith.select %gt3A_331, %broadcast_in_dim3A_333, %select_n3A_328 : vector<1024x128xi1>, vector<1024x128xf32>
    %select_n3A_335 = arith.select %gt3A_331, %slice3A_330, %select_n3A_329 : vector<1024x128xi1>, vector<1024x128xf32>
    %slice3A_336 = vector.extract_strided_slice %select_n3A_212 {offsets = [0, 2688], sizes = [1024, 128], strides = [1, 1]} : vector<1024x4096xf32> to vector<1024x128xf32>
    %gt3A_337 = arith.cmpf ogt, %slice3A_336, %select_n3A_335 : vector<1024x128xf32>
    %jit3A_338 = arith.constant 2.100000e+01 : f32
    %broadcast_in_dim3A_339 = vector.broadcast %jit3A_338 : f32 to vector<1024x128xf32>
    %select_n3A_340 = arith.select %gt3A_337, %broadcast_in_dim3A_339, %select_n3A_334 : vector<1024x128xi1>, vector<1024x128xf32>
    %select_n3A_341 = arith.select %gt3A_337, %slice3A_336, %select_n3A_335 : vector<1024x128xi1>, vector<1024x128xf32>
    %slice3A_342 = vector.extract_strided_slice %select_n3A_212 {offsets = [0, 2816], sizes = [1024, 128], strides = [1, 1]} : vector<1024x4096xf32> to vector<1024x128xf32>
    %gt3A_343 = arith.cmpf ogt, %slice3A_342, %select_n3A_341 : vector<1024x128xf32>
    %jit3A_344 = arith.constant 2.200000e+01 : f32
    %broadcast_in_dim3A_345 = vector.broadcast %jit3A_344 : f32 to vector<1024x128xf32>
    %select_n3A_346 = arith.select %gt3A_343, %broadcast_in_dim3A_345, %select_n3A_340 : vector<1024x128xi1>, vector<1024x128xf32>
    %select_n3A_347 = arith.select %gt3A_343, %slice3A_342, %select_n3A_341 : vector<1024x128xi1>, vector<1024x128xf32>
    %slice3A_348 = vector.extract_strided_slice %select_n3A_212 {offsets = [0, 2944], sizes = [1024, 128], strides = [1, 1]} : vector<1024x4096xf32> to vector<1024x128xf32>
    %gt3A_349 = arith.cmpf ogt, %slice3A_348, %select_n3A_347 : vector<1024x128xf32>
    %jit3A_350 = arith.constant 2.300000e+01 : f32
    %broadcast_in_dim3A_351 = vector.broadcast %jit3A_350 : f32 to vector<1024x128xf32>
    %select_n3A_352 = arith.select %gt3A_349, %broadcast_in_dim3A_351, %select_n3A_346 : vector<1024x128xi1>, vector<1024x128xf32>
    %select_n3A_353 = arith.select %gt3A_349, %slice3A_348, %select_n3A_347 : vector<1024x128xi1>, vector<1024x128xf32>
    %slice3A_354 = vector.extract_strided_slice %select_n3A_212 {offsets = [0, 3072], sizes = [1024, 128], strides = [1, 1]} : vector<1024x4096xf32> to vector<1024x128xf32>
    %gt3A_355 = arith.cmpf ogt, %slice3A_354, %select_n3A_353 : vector<1024x128xf32>
    %jit3A_356 = arith.constant 2.400000e+01 : f32
    %broadcast_in_dim3A_357 = vector.broadcast %jit3A_356 : f32 to vector<1024x128xf32>
    %select_n3A_358 = arith.select %gt3A_355, %broadcast_in_dim3A_357, %select_n3A_352 : vector<1024x128xi1>, vector<1024x128xf32>
    %select_n3A_359 = arith.select %gt3A_355, %slice3A_354, %select_n3A_353 : vector<1024x128xi1>, vector<1024x128xf32>
    %slice3A_360 = vector.extract_strided_slice %select_n3A_212 {offsets = [0, 3200], sizes = [1024, 128], strides = [1, 1]} : vector<1024x4096xf32> to vector<1024x128xf32>
    %gt3A_361 = arith.cmpf ogt, %slice3A_360, %select_n3A_359 : vector<1024x128xf32>
    %jit3A_362 = arith.constant 2.500000e+01 : f32
    %broadcast_in_dim3A_363 = vector.broadcast %jit3A_362 : f32 to vector<1024x128xf32>
    %select_n3A_364 = arith.select %gt3A_361, %broadcast_in_dim3A_363, %select_n3A_358 : vector<1024x128xi1>, vector<1024x128xf32>
    %select_n3A_365 = arith.select %gt3A_361, %slice3A_360, %select_n3A_359 : vector<1024x128xi1>, vector<1024x128xf32>
    %slice3A_366 = vector.extract_strided_slice %select_n3A_212 {offsets = [0, 3328], sizes = [1024, 128], strides = [1, 1]} : vector<1024x4096xf32> to vector<1024x128xf32>
    %gt3A_367 = arith.cmpf ogt, %slice3A_366, %select_n3A_365 : vector<1024x128xf32>
    %jit3A_368 = arith.constant 2.600000e+01 : f32
    %broadcast_in_dim3A_369 = vector.broadcast %jit3A_368 : f32 to vector<1024x128xf32>
    %select_n3A_370 = arith.select %gt3A_367, %broadcast_in_dim3A_369, %select_n3A_364 : vector<1024x128xi1>, vector<1024x128xf32>
    %select_n3A_371 = arith.select %gt3A_367, %slice3A_366, %select_n3A_365 : vector<1024x128xi1>, vector<1024x128xf32>
    %slice3A_372 = vector.extract_strided_slice %select_n3A_212 {offsets = [0, 3456], sizes = [1024, 128], strides = [1, 1]} : vector<1024x4096xf32> to vector<1024x128xf32>
    %gt3A_373 = arith.cmpf ogt, %slice3A_372, %select_n3A_371 : vector<1024x128xf32>
    %jit3A_374 = arith.constant 2.700000e+01 : f32
    %broadcast_in_dim3A_375 = vector.broadcast %jit3A_374 : f32 to vector<1024x128xf32>
    %select_n3A_376 = arith.select %gt3A_373, %broadcast_in_dim3A_375, %select_n3A_370 : vector<1024x128xi1>, vector<1024x128xf32>
    %select_n3A_377 = arith.select %gt3A_373, %slice3A_372, %select_n3A_371 : vector<1024x128xi1>, vector<1024x128xf32>
    %slice3A_378 = vector.extract_strided_slice %select_n3A_212 {offsets = [0, 3584], sizes = [1024, 128], strides = [1, 1]} : vector<1024x4096xf32> to vector<1024x128xf32>
    %gt3A_379 = arith.cmpf ogt, %slice3A_378, %select_n3A_377 : vector<1024x128xf32>
    %jit3A_380 = arith.constant 2.800000e+01 : f32
    %broadcast_in_dim3A_381 = vector.broadcast %jit3A_380 : f32 to vector<1024x128xf32>
    %select_n3A_382 = arith.select %gt3A_379, %broadcast_in_dim3A_381, %select_n3A_376 : vector<1024x128xi1>, vector<1024x128xf32>
    %select_n3A_383 = arith.select %gt3A_379, %slice3A_378, %select_n3A_377 : vector<1024x128xi1>, vector<1024x128xf32>
    %slice3A_384 = vector.extract_strided_slice %select_n3A_212 {offsets = [0, 3712], sizes = [1024, 128], strides = [1, 1]} : vector<1024x4096xf32> to vector<1024x128xf32>
    %gt3A_385 = arith.cmpf ogt, %slice3A_384, %select_n3A_383 : vector<1024x128xf32>
    %jit3A_386 = arith.constant 2.900000e+01 : f32
    %broadcast_in_dim3A_387 = vector.broadcast %jit3A_386 : f32 to vector<1024x128xf32>
    %select_n3A_388 = arith.select %gt3A_385, %broadcast_in_dim3A_387, %select_n3A_382 : vector<1024x128xi1>, vector<1024x128xf32>
    %select_n3A_389 = arith.select %gt3A_385, %slice3A_384, %select_n3A_383 : vector<1024x128xi1>, vector<1024x128xf32>
    %slice3A_390 = vector.extract_strided_slice %select_n3A_212 {offsets = [0, 3840], sizes = [1024, 128], strides = [1, 1]} : vector<1024x4096xf32> to vector<1024x128xf32>
    %gt3A_391 = arith.cmpf ogt, %slice3A_390, %select_n3A_389 : vector<1024x128xf32>
    %jit3A_392 = arith.constant 3.000000e+01 : f32
    %broadcast_in_dim3A_393 = vector.broadcast %jit3A_392 : f32 to vector<1024x128xf32>
    %select_n3A_394 = arith.select %gt3A_391, %broadcast_in_dim3A_393, %select_n3A_388 : vector<1024x128xi1>, vector<1024x128xf32>
    %select_n3A_395 = arith.select %gt3A_391, %slice3A_390, %select_n3A_389 : vector<1024x128xi1>, vector<1024x128xf32>
    %slice3A_396 = vector.extract_strided_slice %select_n3A_212 {offsets = [0, 3968], sizes = [1024, 128], strides = [1, 1]} : vector<1024x4096xf32> to vector<1024x128xf32>
    %gt3A_397 = arith.cmpf ogt, %slice3A_396, %select_n3A_395 : vector<1024x128xf32>
    %jit3A_398 = arith.constant 3.100000e+01 : f32
    %broadcast_in_dim3A_399 = vector.broadcast %jit3A_398 : f32 to vector<1024x128xf32>
    %select_n3A_400 = arith.select %gt3A_397, %broadcast_in_dim3A_399, %select_n3A_394 : vector<1024x128xi1>, vector<1024x128xf32>
    %select_n3A_401 = arith.select %gt3A_397, %slice3A_396, %select_n3A_395 : vector<1024x128xi1>, vector<1024x128xf32>
    %reduce_max3A_402 = arith.constant dense<0xFF800000> : vector<1024xf32>
    %reduce_max3A_403 = vector.multi_reduction <maximumf>, %select_n3A_401, %reduce_max3A_402 [1] : vector<1024x128xf32> to vector<1024xf32>
    %broadcast_in_dim3A_404 = vector.shape_cast %reduce_max3A_403 : vector<1024xf32> to vector<1024x1xf32>
    %mul3A_405 = arith.constant 1.280000e+02 : f32
    %mul3A_406 = vector.broadcast %mul3A_405 : f32 to vector<1024x128xf32>
    %mul3A_407 = arith.mulf %select_n3A_400, %mul3A_406 : vector<1024x128xf32>
    %add3A_408 = arith.addf %mul3A_407, %slice3A : vector<1024x128xf32>
    %eq3A_409 = vector.broadcast %broadcast_in_dim3A_404 : vector<1024x1xf32> to vector<1024x128xf32>
    %eq3A_410 = arith.cmpf oeq, %select_n3A_401, %eq3A_409 : vector<1024x128xf32>
    %jit3A_411 = arith.constant 3.000000e+07 : f32
    %broadcast_in_dim3A_412 = vector.broadcast %jit3A_411 : f32 to vector<1024x128xf32>
    %select_n3A_413 = arith.select %eq3A_410, %add3A_408, %broadcast_in_dim3A_412 : vector<1024x128xi1>, vector<1024x128xf32>
    %reduce_min3A_414 = arith.constant dense<0x7F800000> : vector<1024xf32>
    %reduce_min3A_415 = vector.multi_reduction <minimumf>, %select_n3A_413, %reduce_min3A_414 [1] : vector<1024x128xf32> to vector<1024xf32>
    %broadcast_in_dim3A_416 = vector.shape_cast %reduce_min3A_415 : vector<1024xf32> to vector<1024x1xf32>
    %eq3A_417 = vector.broadcast %broadcast_in_dim3A_416 : vector<1024x1xf32> to vector<1024x4096xf32>
    %eq3A_418 = arith.cmpf oeq, %convert_element_type3A_11, %eq3A_417 : vector<1024x4096xf32>
    %jit3A_419 = arith.constant 0xFF800000 : f32
    %broadcast_in_dim3A_420 = vector.broadcast %jit3A_419 : f32 to vector<1024x4096xf32>
    %select_n3A_421 = arith.select %eq3A_418, %broadcast_in_dim3A_420, %select_n3A_212 : vector<1024x4096xi1>, vector<1024x4096xf32>
    %slice3A_422 = vector.extract_strided_slice %select_n3A_421 {offsets = [0, 0], sizes = [1024, 128], strides = [1, 1]} : vector<1024x4096xf32> to vector<1024x128xf32>
    %broadcast_in_dim3A_423 = arith.constant 0.000000e+00 : f32
    %broadcast_in_dim3A_424 = vector.broadcast %broadcast_in_dim3A_423 : f32 to vector<1024x128xf32>
    %slice3A_425 = vector.extract_strided_slice %select_n3A_421 {offsets = [0, 128], sizes = [1024, 128], strides = [1, 1]} : vector<1024x4096xf32> to vector<1024x128xf32>
    %gt3A_426 = arith.cmpf ogt, %slice3A_425, %slice3A_422 : vector<1024x128xf32>
    %jit3A_427 = arith.constant 1.000000e+00 : f32
    %broadcast_in_dim3A_428 = vector.broadcast %jit3A_427 : f32 to vector<1024x128xf32>
    %select_n3A_429 = arith.select %gt3A_426, %broadcast_in_dim3A_428, %broadcast_in_dim3A_424 : vector<1024x128xi1>, vector<1024x128xf32>
    %select_n3A_430 = arith.select %gt3A_426, %slice3A_425, %slice3A_422 : vector<1024x128xi1>, vector<1024x128xf32>
    %slice3A_431 = vector.extract_strided_slice %select_n3A_421 {offsets = [0, 256], sizes = [1024, 128], strides = [1, 1]} : vector<1024x4096xf32> to vector<1024x128xf32>
    %gt3A_432 = arith.cmpf ogt, %slice3A_431, %select_n3A_430 : vector<1024x128xf32>
    %jit3A_433 = arith.constant 2.000000e+00 : f32
    %broadcast_in_dim3A_434 = vector.broadcast %jit3A_433 : f32 to vector<1024x128xf32>
    %select_n3A_435 = arith.select %gt3A_432, %broadcast_in_dim3A_434, %select_n3A_429 : vector<1024x128xi1>, vector<1024x128xf32>
    %select_n3A_436 = arith.select %gt3A_432, %slice3A_431, %select_n3A_430 : vector<1024x128xi1>, vector<1024x128xf32>
    %slice3A_437 = vector.extract_strided_slice %select_n3A_421 {offsets = [0, 384], sizes = [1024, 128], strides = [1, 1]} : vector<1024x4096xf32> to vector<1024x128xf32>
    %gt3A_438 = arith.cmpf ogt, %slice3A_437, %select_n3A_436 : vector<1024x128xf32>
    %jit3A_439 = arith.constant 3.000000e+00 : f32
    %broadcast_in_dim3A_440 = vector.broadcast %jit3A_439 : f32 to vector<1024x128xf32>
    %select_n3A_441 = arith.select %gt3A_438, %broadcast_in_dim3A_440, %select_n3A_435 : vector<1024x128xi1>, vector<1024x128xf32>
    %select_n3A_442 = arith.select %gt3A_438, %slice3A_437, %select_n3A_436 : vector<1024x128xi1>, vector<1024x128xf32>
    %slice3A_443 = vector.extract_strided_slice %select_n3A_421 {offsets = [0, 512], sizes = [1024, 128], strides = [1, 1]} : vector<1024x4096xf32> to vector<1024x128xf32>
    %gt3A_444 = arith.cmpf ogt, %slice3A_443, %select_n3A_442 : vector<1024x128xf32>
    %jit3A_445 = arith.constant 4.000000e+00 : f32
    %broadcast_in_dim3A_446 = vector.broadcast %jit3A_445 : f32 to vector<1024x128xf32>
    %select_n3A_447 = arith.select %gt3A_444, %broadcast_in_dim3A_446, %select_n3A_441 : vector<1024x128xi1>, vector<1024x128xf32>
    %select_n3A_448 = arith.select %gt3A_444, %slice3A_443, %select_n3A_442 : vector<1024x128xi1>, vector<1024x128xf32>
    %slice3A_449 = vector.extract_strided_slice %select_n3A_421 {offsets = [0, 640], sizes = [1024, 128], strides = [1, 1]} : vector<1024x4096xf32> to vector<1024x128xf32>
    %gt3A_450 = arith.cmpf ogt, %slice3A_449, %select_n3A_448 : vector<1024x128xf32>
    %jit3A_451 = arith.constant 5.000000e+00 : f32
    %broadcast_in_dim3A_452 = vector.broadcast %jit3A_451 : f32 to vector<1024x128xf32>
    %select_n3A_453 = arith.select %gt3A_450, %broadcast_in_dim3A_452, %select_n3A_447 : vector<1024x128xi1>, vector<1024x128xf32>
    %select_n3A_454 = arith.select %gt3A_450, %slice3A_449, %select_n3A_448 : vector<1024x128xi1>, vector<1024x128xf32>
    %slice3A_455 = vector.extract_strided_slice %select_n3A_421 {offsets = [0, 768], sizes = [1024, 128], strides = [1, 1]} : vector<1024x4096xf32> to vector<1024x128xf32>
    %gt3A_456 = arith.cmpf ogt, %slice3A_455, %select_n3A_454 : vector<1024x128xf32>
    %jit3A_457 = arith.constant 6.000000e+00 : f32
    %broadcast_in_dim3A_458 = vector.broadcast %jit3A_457 : f32 to vector<1024x128xf32>
    %select_n3A_459 = arith.select %gt3A_456, %broadcast_in_dim3A_458, %select_n3A_453 : vector<1024x128xi1>, vector<1024x128xf32>
    %select_n3A_460 = arith.select %gt3A_456, %slice3A_455, %select_n3A_454 : vector<1024x128xi1>, vector<1024x128xf32>
    %slice3A_461 = vector.extract_strided_slice %select_n3A_421 {offsets = [0, 896], sizes = [1024, 128], strides = [1, 1]} : vector<1024x4096xf32> to vector<1024x128xf32>
    %gt3A_462 = arith.cmpf ogt, %slice3A_461, %select_n3A_460 : vector<1024x128xf32>
    %jit3A_463 = arith.constant 7.000000e+00 : f32
    %broadcast_in_dim3A_464 = vector.broadcast %jit3A_463 : f32 to vector<1024x128xf32>
    %select_n3A_465 = arith.select %gt3A_462, %broadcast_in_dim3A_464, %select_n3A_459 : vector<1024x128xi1>, vector<1024x128xf32>
    %select_n3A_466 = arith.select %gt3A_462, %slice3A_461, %select_n3A_460 : vector<1024x128xi1>, vector<1024x128xf32>
    %slice3A_467 = vector.extract_strided_slice %select_n3A_421 {offsets = [0, 1024], sizes = [1024, 128], strides = [1, 1]} : vector<1024x4096xf32> to vector<1024x128xf32>
    %gt3A_468 = arith.cmpf ogt, %slice3A_467, %select_n3A_466 : vector<1024x128xf32>
    %jit3A_469 = arith.constant 8.000000e+00 : f32
    %broadcast_in_dim3A_470 = vector.broadcast %jit3A_469 : f32 to vector<1024x128xf32>
    %select_n3A_471 = arith.select %gt3A_468, %broadcast_in_dim3A_470, %select_n3A_465 : vector<1024x128xi1>, vector<1024x128xf32>
    %select_n3A_472 = arith.select %gt3A_468, %slice3A_467, %select_n3A_466 : vector<1024x128xi1>, vector<1024x128xf32>
    %slice3A_473 = vector.extract_strided_slice %select_n3A_421 {offsets = [0, 1152], sizes = [1024, 128], strides = [1, 1]} : vector<1024x4096xf32> to vector<1024x128xf32>
    %gt3A_474 = arith.cmpf ogt, %slice3A_473, %select_n3A_472 : vector<1024x128xf32>
    %jit3A_475 = arith.constant 9.000000e+00 : f32
    %broadcast_in_dim3A_476 = vector.broadcast %jit3A_475 : f32 to vector<1024x128xf32>
    %select_n3A_477 = arith.select %gt3A_474, %broadcast_in_dim3A_476, %select_n3A_471 : vector<1024x128xi1>, vector<1024x128xf32>
    %select_n3A_478 = arith.select %gt3A_474, %slice3A_473, %select_n3A_472 : vector<1024x128xi1>, vector<1024x128xf32>
    %slice3A_479 = vector.extract_strided_slice %select_n3A_421 {offsets = [0, 1280], sizes = [1024, 128], strides = [1, 1]} : vector<1024x4096xf32> to vector<1024x128xf32>
    %gt3A_480 = arith.cmpf ogt, %slice3A_479, %select_n3A_478 : vector<1024x128xf32>
    %jit3A_481 = arith.constant 1.000000e+01 : f32
    %broadcast_in_dim3A_482 = vector.broadcast %jit3A_481 : f32 to vector<1024x128xf32>
    %select_n3A_483 = arith.select %gt3A_480, %broadcast_in_dim3A_482, %select_n3A_477 : vector<1024x128xi1>, vector<1024x128xf32>
    %select_n3A_484 = arith.select %gt3A_480, %slice3A_479, %select_n3A_478 : vector<1024x128xi1>, vector<1024x128xf32>
    %slice3A_485 = vector.extract_strided_slice %select_n3A_421 {offsets = [0, 1408], sizes = [1024, 128], strides = [1, 1]} : vector<1024x4096xf32> to vector<1024x128xf32>
    %gt3A_486 = arith.cmpf ogt, %slice3A_485, %select_n3A_484 : vector<1024x128xf32>
    %jit3A_487 = arith.constant 1.100000e+01 : f32
    %broadcast_in_dim3A_488 = vector.broadcast %jit3A_487 : f32 to vector<1024x128xf32>
    %select_n3A_489 = arith.select %gt3A_486, %broadcast_in_dim3A_488, %select_n3A_483 : vector<1024x128xi1>, vector<1024x128xf32>
    %select_n3A_490 = arith.select %gt3A_486, %slice3A_485, %select_n3A_484 : vector<1024x128xi1>, vector<1024x128xf32>
    %slice3A_491 = vector.extract_strided_slice %select_n3A_421 {offsets = [0, 1536], sizes = [1024, 128], strides = [1, 1]} : vector<1024x4096xf32> to vector<1024x128xf32>
    %gt3A_492 = arith.cmpf ogt, %slice3A_491, %select_n3A_490 : vector<1024x128xf32>
    %jit3A_493 = arith.constant 1.200000e+01 : f32
    %broadcast_in_dim3A_494 = vector.broadcast %jit3A_493 : f32 to vector<1024x128xf32>
    %select_n3A_495 = arith.select %gt3A_492, %broadcast_in_dim3A_494, %select_n3A_489 : vector<1024x128xi1>, vector<1024x128xf32>
    %select_n3A_496 = arith.select %gt3A_492, %slice3A_491, %select_n3A_490 : vector<1024x128xi1>, vector<1024x128xf32>
    %slice3A_497 = vector.extract_strided_slice %select_n3A_421 {offsets = [0, 1664], sizes = [1024, 128], strides = [1, 1]} : vector<1024x4096xf32> to vector<1024x128xf32>
    %gt3A_498 = arith.cmpf ogt, %slice3A_497, %select_n3A_496 : vector<1024x128xf32>
    %jit3A_499 = arith.constant 1.300000e+01 : f32
    %broadcast_in_dim3A_500 = vector.broadcast %jit3A_499 : f32 to vector<1024x128xf32>
    %select_n3A_501 = arith.select %gt3A_498, %broadcast_in_dim3A_500, %select_n3A_495 : vector<1024x128xi1>, vector<1024x128xf32>
    %select_n3A_502 = arith.select %gt3A_498, %slice3A_497, %select_n3A_496 : vector<1024x128xi1>, vector<1024x128xf32>
    %slice3A_503 = vector.extract_strided_slice %select_n3A_421 {offsets = [0, 1792], sizes = [1024, 128], strides = [1, 1]} : vector<1024x4096xf32> to vector<1024x128xf32>
    %gt3A_504 = arith.cmpf ogt, %slice3A_503, %select_n3A_502 : vector<1024x128xf32>
    %jit3A_505 = arith.constant 1.400000e+01 : f32
    %broadcast_in_dim3A_506 = vector.broadcast %jit3A_505 : f32 to vector<1024x128xf32>
    %select_n3A_507 = arith.select %gt3A_504, %broadcast_in_dim3A_506, %select_n3A_501 : vector<1024x128xi1>, vector<1024x128xf32>
    %select_n3A_508 = arith.select %gt3A_504, %slice3A_503, %select_n3A_502 : vector<1024x128xi1>, vector<1024x128xf32>
    %slice3A_509 = vector.extract_strided_slice %select_n3A_421 {offsets = [0, 1920], sizes = [1024, 128], strides = [1, 1]} : vector<1024x4096xf32> to vector<1024x128xf32>
    %gt3A_510 = arith.cmpf ogt, %slice3A_509, %select_n3A_508 : vector<1024x128xf32>
    %jit3A_511 = arith.constant 1.500000e+01 : f32
    %broadcast_in_dim3A_512 = vector.broadcast %jit3A_511 : f32 to vector<1024x128xf32>
    %select_n3A_513 = arith.select %gt3A_510, %broadcast_in_dim3A_512, %select_n3A_507 : vector<1024x128xi1>, vector<1024x128xf32>
    %select_n3A_514 = arith.select %gt3A_510, %slice3A_509, %select_n3A_508 : vector<1024x128xi1>, vector<1024x128xf32>
    %slice3A_515 = vector.extract_strided_slice %select_n3A_421 {offsets = [0, 2048], sizes = [1024, 128], strides = [1, 1]} : vector<1024x4096xf32> to vector<1024x128xf32>
    %gt3A_516 = arith.cmpf ogt, %slice3A_515, %select_n3A_514 : vector<1024x128xf32>
    %jit3A_517 = arith.constant 1.600000e+01 : f32
    %broadcast_in_dim3A_518 = vector.broadcast %jit3A_517 : f32 to vector<1024x128xf32>
    %select_n3A_519 = arith.select %gt3A_516, %broadcast_in_dim3A_518, %select_n3A_513 : vector<1024x128xi1>, vector<1024x128xf32>
    %select_n3A_520 = arith.select %gt3A_516, %slice3A_515, %select_n3A_514 : vector<1024x128xi1>, vector<1024x128xf32>
    %slice3A_521 = vector.extract_strided_slice %select_n3A_421 {offsets = [0, 2176], sizes = [1024, 128], strides = [1, 1]} : vector<1024x4096xf32> to vector<1024x128xf32>
    %gt3A_522 = arith.cmpf ogt, %slice3A_521, %select_n3A_520 : vector<1024x128xf32>
    %jit3A_523 = arith.constant 1.700000e+01 : f32
    %broadcast_in_dim3A_524 = vector.broadcast %jit3A_523 : f32 to vector<1024x128xf32>
    %select_n3A_525 = arith.select %gt3A_522, %broadcast_in_dim3A_524, %select_n3A_519 : vector<1024x128xi1>, vector<1024x128xf32>
    %select_n3A_526 = arith.select %gt3A_522, %slice3A_521, %select_n3A_520 : vector<1024x128xi1>, vector<1024x128xf32>
    %slice3A_527 = vector.extract_strided_slice %select_n3A_421 {offsets = [0, 2304], sizes = [1024, 128], strides = [1, 1]} : vector<1024x4096xf32> to vector<1024x128xf32>
    %gt3A_528 = arith.cmpf ogt, %slice3A_527, %select_n3A_526 : vector<1024x128xf32>
    %jit3A_529 = arith.constant 1.800000e+01 : f32
    %broadcast_in_dim3A_530 = vector.broadcast %jit3A_529 : f32 to vector<1024x128xf32>
    %select_n3A_531 = arith.select %gt3A_528, %broadcast_in_dim3A_530, %select_n3A_525 : vector<1024x128xi1>, vector<1024x128xf32>
    %select_n3A_532 = arith.select %gt3A_528, %slice3A_527, %select_n3A_526 : vector<1024x128xi1>, vector<1024x128xf32>
    %slice3A_533 = vector.extract_strided_slice %select_n3A_421 {offsets = [0, 2432], sizes = [1024, 128], strides = [1, 1]} : vector<1024x4096xf32> to vector<1024x128xf32>
    %gt3A_534 = arith.cmpf ogt, %slice3A_533, %select_n3A_532 : vector<1024x128xf32>
    %jit3A_535 = arith.constant 1.900000e+01 : f32
    %broadcast_in_dim3A_536 = vector.broadcast %jit3A_535 : f32 to vector<1024x128xf32>
    %select_n3A_537 = arith.select %gt3A_534, %broadcast_in_dim3A_536, %select_n3A_531 : vector<1024x128xi1>, vector<1024x128xf32>
    %select_n3A_538 = arith.select %gt3A_534, %slice3A_533, %select_n3A_532 : vector<1024x128xi1>, vector<1024x128xf32>
    %slice3A_539 = vector.extract_strided_slice %select_n3A_421 {offsets = [0, 2560], sizes = [1024, 128], strides = [1, 1]} : vector<1024x4096xf32> to vector<1024x128xf32>
    %gt3A_540 = arith.cmpf ogt, %slice3A_539, %select_n3A_538 : vector<1024x128xf32>
    %jit3A_541 = arith.constant 2.000000e+01 : f32
    %broadcast_in_dim3A_542 = vector.broadcast %jit3A_541 : f32 to vector<1024x128xf32>
    %select_n3A_543 = arith.select %gt3A_540, %broadcast_in_dim3A_542, %select_n3A_537 : vector<1024x128xi1>, vector<1024x128xf32>
    %select_n3A_544 = arith.select %gt3A_540, %slice3A_539, %select_n3A_538 : vector<1024x128xi1>, vector<1024x128xf32>
    %slice3A_545 = vector.extract_strided_slice %select_n3A_421 {offsets = [0, 2688], sizes = [1024, 128], strides = [1, 1]} : vector<1024x4096xf32> to vector<1024x128xf32>
    %gt3A_546 = arith.cmpf ogt, %slice3A_545, %select_n3A_544 : vector<1024x128xf32>
    %jit3A_547 = arith.constant 2.100000e+01 : f32
    %broadcast_in_dim3A_548 = vector.broadcast %jit3A_547 : f32 to vector<1024x128xf32>
    %select_n3A_549 = arith.select %gt3A_546, %broadcast_in_dim3A_548, %select_n3A_543 : vector<1024x128xi1>, vector<1024x128xf32>
    %select_n3A_550 = arith.select %gt3A_546, %slice3A_545, %select_n3A_544 : vector<1024x128xi1>, vector<1024x128xf32>
    %slice3A_551 = vector.extract_strided_slice %select_n3A_421 {offsets = [0, 2816], sizes = [1024, 128], strides = [1, 1]} : vector<1024x4096xf32> to vector<1024x128xf32>
    %gt3A_552 = arith.cmpf ogt, %slice3A_551, %select_n3A_550 : vector<1024x128xf32>
    %jit3A_553 = arith.constant 2.200000e+01 : f32
    %broadcast_in_dim3A_554 = vector.broadcast %jit3A_553 : f32 to vector<1024x128xf32>
    %select_n3A_555 = arith.select %gt3A_552, %broadcast_in_dim3A_554, %select_n3A_549 : vector<1024x128xi1>, vector<1024x128xf32>
    %select_n3A_556 = arith.select %gt3A_552, %slice3A_551, %select_n3A_550 : vector<1024x128xi1>, vector<1024x128xf32>
    %slice3A_557 = vector.extract_strided_slice %select_n3A_421 {offsets = [0, 2944], sizes = [1024, 128], strides = [1, 1]} : vector<1024x4096xf32> to vector<1024x128xf32>
    %gt3A_558 = arith.cmpf ogt, %slice3A_557, %select_n3A_556 : vector<1024x128xf32>
    %jit3A_559 = arith.constant 2.300000e+01 : f32
    %broadcast_in_dim3A_560 = vector.broadcast %jit3A_559 : f32 to vector<1024x128xf32>
    %select_n3A_561 = arith.select %gt3A_558, %broadcast_in_dim3A_560, %select_n3A_555 : vector<1024x128xi1>, vector<1024x128xf32>
    %select_n3A_562 = arith.select %gt3A_558, %slice3A_557, %select_n3A_556 : vector<1024x128xi1>, vector<1024x128xf32>
    %slice3A_563 = vector.extract_strided_slice %select_n3A_421 {offsets = [0, 3072], sizes = [1024, 128], strides = [1, 1]} : vector<1024x4096xf32> to vector<1024x128xf32>
    %gt3A_564 = arith.cmpf ogt, %slice3A_563, %select_n3A_562 : vector<1024x128xf32>
    %jit3A_565 = arith.constant 2.400000e+01 : f32
    %broadcast_in_dim3A_566 = vector.broadcast %jit3A_565 : f32 to vector<1024x128xf32>
    %select_n3A_567 = arith.select %gt3A_564, %broadcast_in_dim3A_566, %select_n3A_561 : vector<1024x128xi1>, vector<1024x128xf32>
    %select_n3A_568 = arith.select %gt3A_564, %slice3A_563, %select_n3A_562 : vector<1024x128xi1>, vector<1024x128xf32>
    %slice3A_569 = vector.extract_strided_slice %select_n3A_421 {offsets = [0, 3200], sizes = [1024, 128], strides = [1, 1]} : vector<1024x4096xf32> to vector<1024x128xf32>
    %gt3A_570 = arith.cmpf ogt, %slice3A_569, %select_n3A_568 : vector<1024x128xf32>
    %jit3A_571 = arith.constant 2.500000e+01 : f32
    %broadcast_in_dim3A_572 = vector.broadcast %jit3A_571 : f32 to vector<1024x128xf32>
    %select_n3A_573 = arith.select %gt3A_570, %broadcast_in_dim3A_572, %select_n3A_567 : vector<1024x128xi1>, vector<1024x128xf32>
    %select_n3A_574 = arith.select %gt3A_570, %slice3A_569, %select_n3A_568 : vector<1024x128xi1>, vector<1024x128xf32>
    %slice3A_575 = vector.extract_strided_slice %select_n3A_421 {offsets = [0, 3328], sizes = [1024, 128], strides = [1, 1]} : vector<1024x4096xf32> to vector<1024x128xf32>
    %gt3A_576 = arith.cmpf ogt, %slice3A_575, %select_n3A_574 : vector<1024x128xf32>
    %jit3A_577 = arith.constant 2.600000e+01 : f32
    %broadcast_in_dim3A_578 = vector.broadcast %jit3A_577 : f32 to vector<1024x128xf32>
    %select_n3A_579 = arith.select %gt3A_576, %broadcast_in_dim3A_578, %select_n3A_573 : vector<1024x128xi1>, vector<1024x128xf32>
    %select_n3A_580 = arith.select %gt3A_576, %slice3A_575, %select_n3A_574 : vector<1024x128xi1>, vector<1024x128xf32>
    %slice3A_581 = vector.extract_strided_slice %select_n3A_421 {offsets = [0, 3456], sizes = [1024, 128], strides = [1, 1]} : vector<1024x4096xf32> to vector<1024x128xf32>
    %gt3A_582 = arith.cmpf ogt, %slice3A_581, %select_n3A_580 : vector<1024x128xf32>
    %jit3A_583 = arith.constant 2.700000e+01 : f32
    %broadcast_in_dim3A_584 = vector.broadcast %jit3A_583 : f32 to vector<1024x128xf32>
    %select_n3A_585 = arith.select %gt3A_582, %broadcast_in_dim3A_584, %select_n3A_579 : vector<1024x128xi1>, vector<1024x128xf32>
    %select_n3A_586 = arith.select %gt3A_582, %slice3A_581, %select_n3A_580 : vector<1024x128xi1>, vector<1024x128xf32>
    %slice3A_587 = vector.extract_strided_slice %select_n3A_421 {offsets = [0, 3584], sizes = [1024, 128], strides = [1, 1]} : vector<1024x4096xf32> to vector<1024x128xf32>
    %gt3A_588 = arith.cmpf ogt, %slice3A_587, %select_n3A_586 : vector<1024x128xf32>
    %jit3A_589 = arith.constant 2.800000e+01 : f32
    %broadcast_in_dim3A_590 = vector.broadcast %jit3A_589 : f32 to vector<1024x128xf32>
    %select_n3A_591 = arith.select %gt3A_588, %broadcast_in_dim3A_590, %select_n3A_585 : vector<1024x128xi1>, vector<1024x128xf32>
    %select_n3A_592 = arith.select %gt3A_588, %slice3A_587, %select_n3A_586 : vector<1024x128xi1>, vector<1024x128xf32>
    %slice3A_593 = vector.extract_strided_slice %select_n3A_421 {offsets = [0, 3712], sizes = [1024, 128], strides = [1, 1]} : vector<1024x4096xf32> to vector<1024x128xf32>
    %gt3A_594 = arith.cmpf ogt, %slice3A_593, %select_n3A_592 : vector<1024x128xf32>
    %jit3A_595 = arith.constant 2.900000e+01 : f32
    %broadcast_in_dim3A_596 = vector.broadcast %jit3A_595 : f32 to vector<1024x128xf32>
    %select_n3A_597 = arith.select %gt3A_594, %broadcast_in_dim3A_596, %select_n3A_591 : vector<1024x128xi1>, vector<1024x128xf32>
    %select_n3A_598 = arith.select %gt3A_594, %slice3A_593, %select_n3A_592 : vector<1024x128xi1>, vector<1024x128xf32>
    %slice3A_599 = vector.extract_strided_slice %select_n3A_421 {offsets = [0, 3840], sizes = [1024, 128], strides = [1, 1]} : vector<1024x4096xf32> to vector<1024x128xf32>
    %gt3A_600 = arith.cmpf ogt, %slice3A_599, %select_n3A_598 : vector<1024x128xf32>
    %jit3A_601 = arith.constant 3.000000e+01 : f32
    %broadcast_in_dim3A_602 = vector.broadcast %jit3A_601 : f32 to vector<1024x128xf32>
    %select_n3A_603 = arith.select %gt3A_600, %broadcast_in_dim3A_602, %select_n3A_597 : vector<1024x128xi1>, vector<1024x128xf32>
    %select_n3A_604 = arith.select %gt3A_600, %slice3A_599, %select_n3A_598 : vector<1024x128xi1>, vector<1024x128xf32>
    %slice3A_605 = vector.extract_strided_slice %select_n3A_421 {offsets = [0, 3968], sizes = [1024, 128], strides = [1, 1]} : vector<1024x4096xf32> to vector<1024x128xf32>
    %gt3A_606 = arith.cmpf ogt, %slice3A_605, %select_n3A_604 : vector<1024x128xf32>
    %jit3A_607 = arith.constant 3.100000e+01 : f32
    %broadcast_in_dim3A_608 = vector.broadcast %jit3A_607 : f32 to vector<1024x128xf32>
    %select_n3A_609 = arith.select %gt3A_606, %broadcast_in_dim3A_608, %select_n3A_603 : vector<1024x128xi1>, vector<1024x128xf32>
    %select_n3A_610 = arith.select %gt3A_606, %slice3A_605, %select_n3A_604 : vector<1024x128xi1>, vector<1024x128xf32>
    %reduce_max3A_611 = arith.constant dense<0xFF800000> : vector<1024xf32>
    %reduce_max3A_612 = vector.multi_reduction <maximumf>, %select_n3A_610, %reduce_max3A_611 [1] : vector<1024x128xf32> to vector<1024xf32>
    %broadcast_in_dim3A_613 = vector.shape_cast %reduce_max3A_612 : vector<1024xf32> to vector<1024x1xf32>
    %mul3A_614 = arith.constant 1.280000e+02 : f32
    %mul3A_615 = vector.broadcast %mul3A_614 : f32 to vector<1024x128xf32>
    %mul3A_616 = arith.mulf %select_n3A_609, %mul3A_615 : vector<1024x128xf32>
    %add3A_617 = arith.addf %mul3A_616, %slice3A : vector<1024x128xf32>
    %eq3A_618 = vector.broadcast %broadcast_in_dim3A_613 : vector<1024x1xf32> to vector<1024x128xf32>
    %eq3A_619 = arith.cmpf oeq, %select_n3A_610, %eq3A_618 : vector<1024x128xf32>
    %jit3A_620 = arith.constant 3.000000e+07 : f32
    %broadcast_in_dim3A_621 = vector.broadcast %jit3A_620 : f32 to vector<1024x128xf32>
    %select_n3A_622 = arith.select %eq3A_619, %add3A_617, %broadcast_in_dim3A_621 : vector<1024x128xi1>, vector<1024x128xf32>
    %reduce_min3A_623 = arith.constant dense<0x7F800000> : vector<1024xf32>
    %reduce_min3A_624 = vector.multi_reduction <minimumf>, %select_n3A_622, %reduce_min3A_623 [1] : vector<1024x128xf32> to vector<1024xf32>
    %broadcast_in_dim3A_625 = vector.shape_cast %reduce_min3A_624 : vector<1024xf32> to vector<1024x1xf32>
    %eq3A_626 = vector.broadcast %broadcast_in_dim3A_625 : vector<1024x1xf32> to vector<1024x4096xf32>
    %eq3A_627 = arith.cmpf oeq, %convert_element_type3A_11, %eq3A_626 : vector<1024x4096xf32>
    %jit3A_628 = arith.constant 0xFF800000 : f32
    %broadcast_in_dim3A_629 = vector.broadcast %jit3A_628 : f32 to vector<1024x4096xf32>
    %select_n3A_630 = arith.select %eq3A_627, %broadcast_in_dim3A_629, %select_n3A_421 : vector<1024x4096xi1>, vector<1024x4096xf32>
    %slice3A_631 = vector.extract_strided_slice %select_n3A_630 {offsets = [0, 0], sizes = [1024, 128], strides = [1, 1]} : vector<1024x4096xf32> to vector<1024x128xf32>
    %broadcast_in_dim3A_632 = arith.constant 0.000000e+00 : f32
    %broadcast_in_dim3A_633 = vector.broadcast %broadcast_in_dim3A_632 : f32 to vector<1024x128xf32>
    %slice3A_634 = vector.extract_strided_slice %select_n3A_630 {offsets = [0, 128], sizes = [1024, 128], strides = [1, 1]} : vector<1024x4096xf32> to vector<1024x128xf32>
    %gt3A_635 = arith.cmpf ogt, %slice3A_634, %slice3A_631 : vector<1024x128xf32>
    %jit3A_636 = arith.constant 1.000000e+00 : f32
    %broadcast_in_dim3A_637 = vector.broadcast %jit3A_636 : f32 to vector<1024x128xf32>
    %select_n3A_638 = arith.select %gt3A_635, %broadcast_in_dim3A_637, %broadcast_in_dim3A_633 : vector<1024x128xi1>, vector<1024x128xf32>
    %select_n3A_639 = arith.select %gt3A_635, %slice3A_634, %slice3A_631 : vector<1024x128xi1>, vector<1024x128xf32>
    %slice3A_640 = vector.extract_strided_slice %select_n3A_630 {offsets = [0, 256], sizes = [1024, 128], strides = [1, 1]} : vector<1024x4096xf32> to vector<1024x128xf32>
    %gt3A_641 = arith.cmpf ogt, %slice3A_640, %select_n3A_639 : vector<1024x128xf32>
    %jit3A_642 = arith.constant 2.000000e+00 : f32
    %broadcast_in_dim3A_643 = vector.broadcast %jit3A_642 : f32 to vector<1024x128xf32>
    %select_n3A_644 = arith.select %gt3A_641, %broadcast_in_dim3A_643, %select_n3A_638 : vector<1024x128xi1>, vector<1024x128xf32>
    %select_n3A_645 = arith.select %gt3A_641, %slice3A_640, %select_n3A_639 : vector<1024x128xi1>, vector<1024x128xf32>
    %slice3A_646 = vector.extract_strided_slice %select_n3A_630 {offsets = [0, 384], sizes = [1024, 128], strides = [1, 1]} : vector<1024x4096xf32> to vector<1024x128xf32>
    %gt3A_647 = arith.cmpf ogt, %slice3A_646, %select_n3A_645 : vector<1024x128xf32>
    %jit3A_648 = arith.constant 3.000000e+00 : f32
    %broadcast_in_dim3A_649 = vector.broadcast %jit3A_648 : f32 to vector<1024x128xf32>
    %select_n3A_650 = arith.select %gt3A_647, %broadcast_in_dim3A_649, %select_n3A_644 : vector<1024x128xi1>, vector<1024x128xf32>
    %select_n3A_651 = arith.select %gt3A_647, %slice3A_646, %select_n3A_645 : vector<1024x128xi1>, vector<1024x128xf32>
    %slice3A_652 = vector.extract_strided_slice %select_n3A_630 {offsets = [0, 512], sizes = [1024, 128], strides = [1, 1]} : vector<1024x4096xf32> to vector<1024x128xf32>
    %gt3A_653 = arith.cmpf ogt, %slice3A_652, %select_n3A_651 : vector<1024x128xf32>
    %jit3A_654 = arith.constant 4.000000e+00 : f32
    %broadcast_in_dim3A_655 = vector.broadcast %jit3A_654 : f32 to vector<1024x128xf32>
    %select_n3A_656 = arith.select %gt3A_653, %broadcast_in_dim3A_655, %select_n3A_650 : vector<1024x128xi1>, vector<1024x128xf32>
    %select_n3A_657 = arith.select %gt3A_653, %slice3A_652, %select_n3A_651 : vector<1024x128xi1>, vector<1024x128xf32>
    %slice3A_658 = vector.extract_strided_slice %select_n3A_630 {offsets = [0, 640], sizes = [1024, 128], strides = [1, 1]} : vector<1024x4096xf32> to vector<1024x128xf32>
    %gt3A_659 = arith.cmpf ogt, %slice3A_658, %select_n3A_657 : vector<1024x128xf32>
    %jit3A_660 = arith.constant 5.000000e+00 : f32
    %broadcast_in_dim3A_661 = vector.broadcast %jit3A_660 : f32 to vector<1024x128xf32>
    %select_n3A_662 = arith.select %gt3A_659, %broadcast_in_dim3A_661, %select_n3A_656 : vector<1024x128xi1>, vector<1024x128xf32>
    %select_n3A_663 = arith.select %gt3A_659, %slice3A_658, %select_n3A_657 : vector<1024x128xi1>, vector<1024x128xf32>
    %slice3A_664 = vector.extract_strided_slice %select_n3A_630 {offsets = [0, 768], sizes = [1024, 128], strides = [1, 1]} : vector<1024x4096xf32> to vector<1024x128xf32>
    %gt3A_665 = arith.cmpf ogt, %slice3A_664, %select_n3A_663 : vector<1024x128xf32>
    %jit3A_666 = arith.constant 6.000000e+00 : f32
    %broadcast_in_dim3A_667 = vector.broadcast %jit3A_666 : f32 to vector<1024x128xf32>
    %select_n3A_668 = arith.select %gt3A_665, %broadcast_in_dim3A_667, %select_n3A_662 : vector<1024x128xi1>, vector<1024x128xf32>
    %select_n3A_669 = arith.select %gt3A_665, %slice3A_664, %select_n3A_663 : vector<1024x128xi1>, vector<1024x128xf32>
    %slice3A_670 = vector.extract_strided_slice %select_n3A_630 {offsets = [0, 896], sizes = [1024, 128], strides = [1, 1]} : vector<1024x4096xf32> to vector<1024x128xf32>
    %gt3A_671 = arith.cmpf ogt, %slice3A_670, %select_n3A_669 : vector<1024x128xf32>
    %jit3A_672 = arith.constant 7.000000e+00 : f32
    %broadcast_in_dim3A_673 = vector.broadcast %jit3A_672 : f32 to vector<1024x128xf32>
    %select_n3A_674 = arith.select %gt3A_671, %broadcast_in_dim3A_673, %select_n3A_668 : vector<1024x128xi1>, vector<1024x128xf32>
    %select_n3A_675 = arith.select %gt3A_671, %slice3A_670, %select_n3A_669 : vector<1024x128xi1>, vector<1024x128xf32>
    %slice3A_676 = vector.extract_strided_slice %select_n3A_630 {offsets = [0, 1024], sizes = [1024, 128], strides = [1, 1]} : vector<1024x4096xf32> to vector<1024x128xf32>
    %gt3A_677 = arith.cmpf ogt, %slice3A_676, %select_n3A_675 : vector<1024x128xf32>
    %jit3A_678 = arith.constant 8.000000e+00 : f32
    %broadcast_in_dim3A_679 = vector.broadcast %jit3A_678 : f32 to vector<1024x128xf32>
    %select_n3A_680 = arith.select %gt3A_677, %broadcast_in_dim3A_679, %select_n3A_674 : vector<1024x128xi1>, vector<1024x128xf32>
    %select_n3A_681 = arith.select %gt3A_677, %slice3A_676, %select_n3A_675 : vector<1024x128xi1>, vector<1024x128xf32>
    %slice3A_682 = vector.extract_strided_slice %select_n3A_630 {offsets = [0, 1152], sizes = [1024, 128], strides = [1, 1]} : vector<1024x4096xf32> to vector<1024x128xf32>
    %gt3A_683 = arith.cmpf ogt, %slice3A_682, %select_n3A_681 : vector<1024x128xf32>
    %jit3A_684 = arith.constant 9.000000e+00 : f32
    %broadcast_in_dim3A_685 = vector.broadcast %jit3A_684 : f32 to vector<1024x128xf32>
    %select_n3A_686 = arith.select %gt3A_683, %broadcast_in_dim3A_685, %select_n3A_680 : vector<1024x128xi1>, vector<1024x128xf32>
    %select_n3A_687 = arith.select %gt3A_683, %slice3A_682, %select_n3A_681 : vector<1024x128xi1>, vector<1024x128xf32>
    %slice3A_688 = vector.extract_strided_slice %select_n3A_630 {offsets = [0, 1280], sizes = [1024, 128], strides = [1, 1]} : vector<1024x4096xf32> to vector<1024x128xf32>
    %gt3A_689 = arith.cmpf ogt, %slice3A_688, %select_n3A_687 : vector<1024x128xf32>
    %jit3A_690 = arith.constant 1.000000e+01 : f32
    %broadcast_in_dim3A_691 = vector.broadcast %jit3A_690 : f32 to vector<1024x128xf32>
    %select_n3A_692 = arith.select %gt3A_689, %broadcast_in_dim3A_691, %select_n3A_686 : vector<1024x128xi1>, vector<1024x128xf32>
    %select_n3A_693 = arith.select %gt3A_689, %slice3A_688, %select_n3A_687 : vector<1024x128xi1>, vector<1024x128xf32>
    %slice3A_694 = vector.extract_strided_slice %select_n3A_630 {offsets = [0, 1408], sizes = [1024, 128], strides = [1, 1]} : vector<1024x4096xf32> to vector<1024x128xf32>
    %gt3A_695 = arith.cmpf ogt, %slice3A_694, %select_n3A_693 : vector<1024x128xf32>
    %jit3A_696 = arith.constant 1.100000e+01 : f32
    %broadcast_in_dim3A_697 = vector.broadcast %jit3A_696 : f32 to vector<1024x128xf32>
    %select_n3A_698 = arith.select %gt3A_695, %broadcast_in_dim3A_697, %select_n3A_692 : vector<1024x128xi1>, vector<1024x128xf32>
    %select_n3A_699 = arith.select %gt3A_695, %slice3A_694, %select_n3A_693 : vector<1024x128xi1>, vector<1024x128xf32>
    %slice3A_700 = vector.extract_strided_slice %select_n3A_630 {offsets = [0, 1536], sizes = [1024, 128], strides = [1, 1]} : vector<1024x4096xf32> to vector<1024x128xf32>
    %gt3A_701 = arith.cmpf ogt, %slice3A_700, %select_n3A_699 : vector<1024x128xf32>
    %jit3A_702 = arith.constant 1.200000e+01 : f32
    %broadcast_in_dim3A_703 = vector.broadcast %jit3A_702 : f32 to vector<1024x128xf32>
    %select_n3A_704 = arith.select %gt3A_701, %broadcast_in_dim3A_703, %select_n3A_698 : vector<1024x128xi1>, vector<1024x128xf32>
    %select_n3A_705 = arith.select %gt3A_701, %slice3A_700, %select_n3A_699 : vector<1024x128xi1>, vector<1024x128xf32>
    %slice3A_706 = vector.extract_strided_slice %select_n3A_630 {offsets = [0, 1664], sizes = [1024, 128], strides = [1, 1]} : vector<1024x4096xf32> to vector<1024x128xf32>
    %gt3A_707 = arith.cmpf ogt, %slice3A_706, %select_n3A_705 : vector<1024x128xf32>
    %jit3A_708 = arith.constant 1.300000e+01 : f32
    %broadcast_in_dim3A_709 = vector.broadcast %jit3A_708 : f32 to vector<1024x128xf32>
    %select_n3A_710 = arith.select %gt3A_707, %broadcast_in_dim3A_709, %select_n3A_704 : vector<1024x128xi1>, vector<1024x128xf32>
    %select_n3A_711 = arith.select %gt3A_707, %slice3A_706, %select_n3A_705 : vector<1024x128xi1>, vector<1024x128xf32>
    %slice3A_712 = vector.extract_strided_slice %select_n3A_630 {offsets = [0, 1792], sizes = [1024, 128], strides = [1, 1]} : vector<1024x4096xf32> to vector<1024x128xf32>
    %gt3A_713 = arith.cmpf ogt, %slice3A_712, %select_n3A_711 : vector<1024x128xf32>
    %jit3A_714 = arith.constant 1.400000e+01 : f32
    %broadcast_in_dim3A_715 = vector.broadcast %jit3A_714 : f32 to vector<1024x128xf32>
    %select_n3A_716 = arith.select %gt3A_713, %broadcast_in_dim3A_715, %select_n3A_710 : vector<1024x128xi1>, vector<1024x128xf32>
    %select_n3A_717 = arith.select %gt3A_713, %slice3A_712, %select_n3A_711 : vector<1024x128xi1>, vector<1024x128xf32>
    %slice3A_718 = vector.extract_strided_slice %select_n3A_630 {offsets = [0, 1920], sizes = [1024, 128], strides = [1, 1]} : vector<1024x4096xf32> to vector<1024x128xf32>
    %gt3A_719 = arith.cmpf ogt, %slice3A_718, %select_n3A_717 : vector<1024x128xf32>
    %jit3A_720 = arith.constant 1.500000e+01 : f32
    %broadcast_in_dim3A_721 = vector.broadcast %jit3A_720 : f32 to vector<1024x128xf32>
    %select_n3A_722 = arith.select %gt3A_719, %broadcast_in_dim3A_721, %select_n3A_716 : vector<1024x128xi1>, vector<1024x128xf32>
    %select_n3A_723 = arith.select %gt3A_719, %slice3A_718, %select_n3A_717 : vector<1024x128xi1>, vector<1024x128xf32>
    %slice3A_724 = vector.extract_strided_slice %select_n3A_630 {offsets = [0, 2048], sizes = [1024, 128], strides = [1, 1]} : vector<1024x4096xf32> to vector<1024x128xf32>
    %gt3A_725 = arith.cmpf ogt, %slice3A_724, %select_n3A_723 : vector<1024x128xf32>
    %jit3A_726 = arith.constant 1.600000e+01 : f32
    %broadcast_in_dim3A_727 = vector.broadcast %jit3A_726 : f32 to vector<1024x128xf32>
    %select_n3A_728 = arith.select %gt3A_725, %broadcast_in_dim3A_727, %select_n3A_722 : vector<1024x128xi1>, vector<1024x128xf32>
    %select_n3A_729 = arith.select %gt3A_725, %slice3A_724, %select_n3A_723 : vector<1024x128xi1>, vector<1024x128xf32>
    %slice3A_730 = vector.extract_strided_slice %select_n3A_630 {offsets = [0, 2176], sizes = [1024, 128], strides = [1, 1]} : vector<1024x4096xf32> to vector<1024x128xf32>
    %gt3A_731 = arith.cmpf ogt, %slice3A_730, %select_n3A_729 : vector<1024x128xf32>
    %jit3A_732 = arith.constant 1.700000e+01 : f32
    %broadcast_in_dim3A_733 = vector.broadcast %jit3A_732 : f32 to vector<1024x128xf32>
    %select_n3A_734 = arith.select %gt3A_731, %broadcast_in_dim3A_733, %select_n3A_728 : vector<1024x128xi1>, vector<1024x128xf32>
    %select_n3A_735 = arith.select %gt3A_731, %slice3A_730, %select_n3A_729 : vector<1024x128xi1>, vector<1024x128xf32>
    %slice3A_736 = vector.extract_strided_slice %select_n3A_630 {offsets = [0, 2304], sizes = [1024, 128], strides = [1, 1]} : vector<1024x4096xf32> to vector<1024x128xf32>
    %gt3A_737 = arith.cmpf ogt, %slice3A_736, %select_n3A_735 : vector<1024x128xf32>
    %jit3A_738 = arith.constant 1.800000e+01 : f32
    %broadcast_in_dim3A_739 = vector.broadcast %jit3A_738 : f32 to vector<1024x128xf32>
    %select_n3A_740 = arith.select %gt3A_737, %broadcast_in_dim3A_739, %select_n3A_734 : vector<1024x128xi1>, vector<1024x128xf32>
    %select_n3A_741 = arith.select %gt3A_737, %slice3A_736, %select_n3A_735 : vector<1024x128xi1>, vector<1024x128xf32>
    %slice3A_742 = vector.extract_strided_slice %select_n3A_630 {offsets = [0, 2432], sizes = [1024, 128], strides = [1, 1]} : vector<1024x4096xf32> to vector<1024x128xf32>
    %gt3A_743 = arith.cmpf ogt, %slice3A_742, %select_n3A_741 : vector<1024x128xf32>
    %jit3A_744 = arith.constant 1.900000e+01 : f32
    %broadcast_in_dim3A_745 = vector.broadcast %jit3A_744 : f32 to vector<1024x128xf32>
    %select_n3A_746 = arith.select %gt3A_743, %broadcast_in_dim3A_745, %select_n3A_740 : vector<1024x128xi1>, vector<1024x128xf32>
    %select_n3A_747 = arith.select %gt3A_743, %slice3A_742, %select_n3A_741 : vector<1024x128xi1>, vector<1024x128xf32>
    %slice3A_748 = vector.extract_strided_slice %select_n3A_630 {offsets = [0, 2560], sizes = [1024, 128], strides = [1, 1]} : vector<1024x4096xf32> to vector<1024x128xf32>
    %gt3A_749 = arith.cmpf ogt, %slice3A_748, %select_n3A_747 : vector<1024x128xf32>
    %jit3A_750 = arith.constant 2.000000e+01 : f32
    %broadcast_in_dim3A_751 = vector.broadcast %jit3A_750 : f32 to vector<1024x128xf32>
    %select_n3A_752 = arith.select %gt3A_749, %broadcast_in_dim3A_751, %select_n3A_746 : vector<1024x128xi1>, vector<1024x128xf32>
    %select_n3A_753 = arith.select %gt3A_749, %slice3A_748, %select_n3A_747 : vector<1024x128xi1>, vector<1024x128xf32>
    %slice3A_754 = vector.extract_strided_slice %select_n3A_630 {offsets = [0, 2688], sizes = [1024, 128], strides = [1, 1]} : vector<1024x4096xf32> to vector<1024x128xf32>
    %gt3A_755 = arith.cmpf ogt, %slice3A_754, %select_n3A_753 : vector<1024x128xf32>
    %jit3A_756 = arith.constant 2.100000e+01 : f32
    %broadcast_in_dim3A_757 = vector.broadcast %jit3A_756 : f32 to vector<1024x128xf32>
    %select_n3A_758 = arith.select %gt3A_755, %broadcast_in_dim3A_757, %select_n3A_752 : vector<1024x128xi1>, vector<1024x128xf32>
    %select_n3A_759 = arith.select %gt3A_755, %slice3A_754, %select_n3A_753 : vector<1024x128xi1>, vector<1024x128xf32>
    %slice3A_760 = vector.extract_strided_slice %select_n3A_630 {offsets = [0, 2816], sizes = [1024, 128], strides = [1, 1]} : vector<1024x4096xf32> to vector<1024x128xf32>
    %gt3A_761 = arith.cmpf ogt, %slice3A_760, %select_n3A_759 : vector<1024x128xf32>
    %jit3A_762 = arith.constant 2.200000e+01 : f32
    %broadcast_in_dim3A_763 = vector.broadcast %jit3A_762 : f32 to vector<1024x128xf32>
    %select_n3A_764 = arith.select %gt3A_761, %broadcast_in_dim3A_763, %select_n3A_758 : vector<1024x128xi1>, vector<1024x128xf32>
    %select_n3A_765 = arith.select %gt3A_761, %slice3A_760, %select_n3A_759 : vector<1024x128xi1>, vector<1024x128xf32>
    %slice3A_766 = vector.extract_strided_slice %select_n3A_630 {offsets = [0, 2944], sizes = [1024, 128], strides = [1, 1]} : vector<1024x4096xf32> to vector<1024x128xf32>
    %gt3A_767 = arith.cmpf ogt, %slice3A_766, %select_n3A_765 : vector<1024x128xf32>
    %jit3A_768 = arith.constant 2.300000e+01 : f32
    %broadcast_in_dim3A_769 = vector.broadcast %jit3A_768 : f32 to vector<1024x128xf32>
    %select_n3A_770 = arith.select %gt3A_767, %broadcast_in_dim3A_769, %select_n3A_764 : vector<1024x128xi1>, vector<1024x128xf32>
    %select_n3A_771 = arith.select %gt3A_767, %slice3A_766, %select_n3A_765 : vector<1024x128xi1>, vector<1024x128xf32>
    %slice3A_772 = vector.extract_strided_slice %select_n3A_630 {offsets = [0, 3072], sizes = [1024, 128], strides = [1, 1]} : vector<1024x4096xf32> to vector<1024x128xf32>
    %gt3A_773 = arith.cmpf ogt, %slice3A_772, %select_n3A_771 : vector<1024x128xf32>
    %jit3A_774 = arith.constant 2.400000e+01 : f32
    %broadcast_in_dim3A_775 = vector.broadcast %jit3A_774 : f32 to vector<1024x128xf32>
    %select_n3A_776 = arith.select %gt3A_773, %broadcast_in_dim3A_775, %select_n3A_770 : vector<1024x128xi1>, vector<1024x128xf32>
    %select_n3A_777 = arith.select %gt3A_773, %slice3A_772, %select_n3A_771 : vector<1024x128xi1>, vector<1024x128xf32>
    %slice3A_778 = vector.extract_strided_slice %select_n3A_630 {offsets = [0, 3200], sizes = [1024, 128], strides = [1, 1]} : vector<1024x4096xf32> to vector<1024x128xf32>
    %gt3A_779 = arith.cmpf ogt, %slice3A_778, %select_n3A_777 : vector<1024x128xf32>
    %jit3A_780 = arith.constant 2.500000e+01 : f32
    %broadcast_in_dim3A_781 = vector.broadcast %jit3A_780 : f32 to vector<1024x128xf32>
    %select_n3A_782 = arith.select %gt3A_779, %broadcast_in_dim3A_781, %select_n3A_776 : vector<1024x128xi1>, vector<1024x128xf32>
    %select_n3A_783 = arith.select %gt3A_779, %slice3A_778, %select_n3A_777 : vector<1024x128xi1>, vector<1024x128xf32>
    %slice3A_784 = vector.extract_strided_slice %select_n3A_630 {offsets = [0, 3328], sizes = [1024, 128], strides = [1, 1]} : vector<1024x4096xf32> to vector<1024x128xf32>
    %gt3A_785 = arith.cmpf ogt, %slice3A_784, %select_n3A_783 : vector<1024x128xf32>
    %jit3A_786 = arith.constant 2.600000e+01 : f32
    %broadcast_in_dim3A_787 = vector.broadcast %jit3A_786 : f32 to vector<1024x128xf32>
    %select_n3A_788 = arith.select %gt3A_785, %broadcast_in_dim3A_787, %select_n3A_782 : vector<1024x128xi1>, vector<1024x128xf32>
    %select_n3A_789 = arith.select %gt3A_785, %slice3A_784, %select_n3A_783 : vector<1024x128xi1>, vector<1024x128xf32>
    %slice3A_790 = vector.extract_strided_slice %select_n3A_630 {offsets = [0, 3456], sizes = [1024, 128], strides = [1, 1]} : vector<1024x4096xf32> to vector<1024x128xf32>
    %gt3A_791 = arith.cmpf ogt, %slice3A_790, %select_n3A_789 : vector<1024x128xf32>
    %jit3A_792 = arith.constant 2.700000e+01 : f32
    %broadcast_in_dim3A_793 = vector.broadcast %jit3A_792 : f32 to vector<1024x128xf32>
    %select_n3A_794 = arith.select %gt3A_791, %broadcast_in_dim3A_793, %select_n3A_788 : vector<1024x128xi1>, vector<1024x128xf32>
    %select_n3A_795 = arith.select %gt3A_791, %slice3A_790, %select_n3A_789 : vector<1024x128xi1>, vector<1024x128xf32>
    %slice3A_796 = vector.extract_strided_slice %select_n3A_630 {offsets = [0, 3584], sizes = [1024, 128], strides = [1, 1]} : vector<1024x4096xf32> to vector<1024x128xf32>
    %gt3A_797 = arith.cmpf ogt, %slice3A_796, %select_n3A_795 : vector<1024x128xf32>
    %jit3A_798 = arith.constant 2.800000e+01 : f32
    %broadcast_in_dim3A_799 = vector.broadcast %jit3A_798 : f32 to vector<1024x128xf32>
    %select_n3A_800 = arith.select %gt3A_797, %broadcast_in_dim3A_799, %select_n3A_794 : vector<1024x128xi1>, vector<1024x128xf32>
    %select_n3A_801 = arith.select %gt3A_797, %slice3A_796, %select_n3A_795 : vector<1024x128xi1>, vector<1024x128xf32>
    %slice3A_802 = vector.extract_strided_slice %select_n3A_630 {offsets = [0, 3712], sizes = [1024, 128], strides = [1, 1]} : vector<1024x4096xf32> to vector<1024x128xf32>
    %gt3A_803 = arith.cmpf ogt, %slice3A_802, %select_n3A_801 : vector<1024x128xf32>
    %jit3A_804 = arith.constant 2.900000e+01 : f32
    %broadcast_in_dim3A_805 = vector.broadcast %jit3A_804 : f32 to vector<1024x128xf32>
    %select_n3A_806 = arith.select %gt3A_803, %broadcast_in_dim3A_805, %select_n3A_800 : vector<1024x128xi1>, vector<1024x128xf32>
    %select_n3A_807 = arith.select %gt3A_803, %slice3A_802, %select_n3A_801 : vector<1024x128xi1>, vector<1024x128xf32>
    %slice3A_808 = vector.extract_strided_slice %select_n3A_630 {offsets = [0, 3840], sizes = [1024, 128], strides = [1, 1]} : vector<1024x4096xf32> to vector<1024x128xf32>
    %gt3A_809 = arith.cmpf ogt, %slice3A_808, %select_n3A_807 : vector<1024x128xf32>
    %jit3A_810 = arith.constant 3.000000e+01 : f32
    %broadcast_in_dim3A_811 = vector.broadcast %jit3A_810 : f32 to vector<1024x128xf32>
    %select_n3A_812 = arith.select %gt3A_809, %broadcast_in_dim3A_811, %select_n3A_806 : vector<1024x128xi1>, vector<1024x128xf32>
    %select_n3A_813 = arith.select %gt3A_809, %slice3A_808, %select_n3A_807 : vector<1024x128xi1>, vector<1024x128xf32>
    %slice3A_814 = vector.extract_strided_slice %select_n3A_630 {offsets = [0, 3968], sizes = [1024, 128], strides = [1, 1]} : vector<1024x4096xf32> to vector<1024x128xf32>
    %gt3A_815 = arith.cmpf ogt, %slice3A_814, %select_n3A_813 : vector<1024x128xf32>
    %jit3A_816 = arith.constant 3.100000e+01 : f32
    %broadcast_in_dim3A_817 = vector.broadcast %jit3A_816 : f32 to vector<1024x128xf32>
    %select_n3A_818 = arith.select %gt3A_815, %broadcast_in_dim3A_817, %select_n3A_812 : vector<1024x128xi1>, vector<1024x128xf32>
    %select_n3A_819 = arith.select %gt3A_815, %slice3A_814, %select_n3A_813 : vector<1024x128xi1>, vector<1024x128xf32>
    %reduce_max3A_820 = arith.constant dense<0xFF800000> : vector<1024xf32>
    %reduce_max3A_821 = vector.multi_reduction <maximumf>, %select_n3A_819, %reduce_max3A_820 [1] : vector<1024x128xf32> to vector<1024xf32>
    %broadcast_in_dim3A_822 = vector.shape_cast %reduce_max3A_821 : vector<1024xf32> to vector<1024x1xf32>
    %mul3A_823 = arith.constant 1.280000e+02 : f32
    %mul3A_824 = vector.broadcast %mul3A_823 : f32 to vector<1024x128xf32>
    %mul3A_825 = arith.mulf %select_n3A_818, %mul3A_824 : vector<1024x128xf32>
    %add3A_826 = arith.addf %mul3A_825, %slice3A : vector<1024x128xf32>
    %eq3A_827 = vector.broadcast %broadcast_in_dim3A_822 : vector<1024x1xf32> to vector<1024x128xf32>
    %eq3A_828 = arith.cmpf oeq, %select_n3A_819, %eq3A_827 : vector<1024x128xf32>
    %jit3A_829 = arith.constant 3.000000e+07 : f32
    %broadcast_in_dim3A_830 = vector.broadcast %jit3A_829 : f32 to vector<1024x128xf32>
    %select_n3A_831 = arith.select %eq3A_828, %add3A_826, %broadcast_in_dim3A_830 : vector<1024x128xi1>, vector<1024x128xf32>
    %reduce_min3A_832 = arith.constant dense<0x7F800000> : vector<1024xf32>
    %reduce_min3A_833 = vector.multi_reduction <minimumf>, %select_n3A_831, %reduce_min3A_832 [1] : vector<1024x128xf32> to vector<1024xf32>
    %broadcast_in_dim3A_834 = vector.shape_cast %reduce_min3A_833 : vector<1024xf32> to vector<1024x1xf32>
    %eq3A_835 = vector.broadcast %broadcast_in_dim3A_834 : vector<1024x1xf32> to vector<1024x4096xf32>
    %eq3A_836 = arith.cmpf oeq, %convert_element_type3A_11, %eq3A_835 : vector<1024x4096xf32>
    %jit3A_837 = arith.constant 0xFF800000 : f32
    %broadcast_in_dim3A_838 = vector.broadcast %jit3A_837 : f32 to vector<1024x4096xf32>
    %select_n3A_839 = arith.select %eq3A_836, %broadcast_in_dim3A_838, %select_n3A_630 : vector<1024x4096xi1>, vector<1024x4096xf32>
    %slice3A_840 = vector.extract_strided_slice %select_n3A_839 {offsets = [0, 0], sizes = [1024, 128], strides = [1, 1]} : vector<1024x4096xf32> to vector<1024x128xf32>
    %broadcast_in_dim3A_841 = arith.constant 0.000000e+00 : f32
    %broadcast_in_dim3A_842 = vector.broadcast %broadcast_in_dim3A_841 : f32 to vector<1024x128xf32>
    %slice3A_843 = vector.extract_strided_slice %select_n3A_839 {offsets = [0, 128], sizes = [1024, 128], strides = [1, 1]} : vector<1024x4096xf32> to vector<1024x128xf32>
    %gt3A_844 = arith.cmpf ogt, %slice3A_843, %slice3A_840 : vector<1024x128xf32>
    %jit3A_845 = arith.constant 1.000000e+00 : f32
    %broadcast_in_dim3A_846 = vector.broadcast %jit3A_845 : f32 to vector<1024x128xf32>
    %select_n3A_847 = arith.select %gt3A_844, %broadcast_in_dim3A_846, %broadcast_in_dim3A_842 : vector<1024x128xi1>, vector<1024x128xf32>
    %select_n3A_848 = arith.select %gt3A_844, %slice3A_843, %slice3A_840 : vector<1024x128xi1>, vector<1024x128xf32>
    %slice3A_849 = vector.extract_strided_slice %select_n3A_839 {offsets = [0, 256], sizes = [1024, 128], strides = [1, 1]} : vector<1024x4096xf32> to vector<1024x128xf32>
    %gt3A_850 = arith.cmpf ogt, %slice3A_849, %select_n3A_848 : vector<1024x128xf32>
    %jit3A_851 = arith.constant 2.000000e+00 : f32
    %broadcast_in_dim3A_852 = vector.broadcast %jit3A_851 : f32 to vector<1024x128xf32>
    %select_n3A_853 = arith.select %gt3A_850, %broadcast_in_dim3A_852, %select_n3A_847 : vector<1024x128xi1>, vector<1024x128xf32>
    %select_n3A_854 = arith.select %gt3A_850, %slice3A_849, %select_n3A_848 : vector<1024x128xi1>, vector<1024x128xf32>
    %slice3A_855 = vector.extract_strided_slice %select_n3A_839 {offsets = [0, 384], sizes = [1024, 128], strides = [1, 1]} : vector<1024x4096xf32> to vector<1024x128xf32>
    %gt3A_856 = arith.cmpf ogt, %slice3A_855, %select_n3A_854 : vector<1024x128xf32>
    %jit3A_857 = arith.constant 3.000000e+00 : f32
    %broadcast_in_dim3A_858 = vector.broadcast %jit3A_857 : f32 to vector<1024x128xf32>
    %select_n3A_859 = arith.select %gt3A_856, %broadcast_in_dim3A_858, %select_n3A_853 : vector<1024x128xi1>, vector<1024x128xf32>
    %select_n3A_860 = arith.select %gt3A_856, %slice3A_855, %select_n3A_854 : vector<1024x128xi1>, vector<1024x128xf32>
    %slice3A_861 = vector.extract_strided_slice %select_n3A_839 {offsets = [0, 512], sizes = [1024, 128], strides = [1, 1]} : vector<1024x4096xf32> to vector<1024x128xf32>
    %gt3A_862 = arith.cmpf ogt, %slice3A_861, %select_n3A_860 : vector<1024x128xf32>
    %jit3A_863 = arith.constant 4.000000e+00 : f32
    %broadcast_in_dim3A_864 = vector.broadcast %jit3A_863 : f32 to vector<1024x128xf32>
    %select_n3A_865 = arith.select %gt3A_862, %broadcast_in_dim3A_864, %select_n3A_859 : vector<1024x128xi1>, vector<1024x128xf32>
    %select_n3A_866 = arith.select %gt3A_862, %slice3A_861, %select_n3A_860 : vector<1024x128xi1>, vector<1024x128xf32>
    %slice3A_867 = vector.extract_strided_slice %select_n3A_839 {offsets = [0, 640], sizes = [1024, 128], strides = [1, 1]} : vector<1024x4096xf32> to vector<1024x128xf32>
    %gt3A_868 = arith.cmpf ogt, %slice3A_867, %select_n3A_866 : vector<1024x128xf32>
    %jit3A_869 = arith.constant 5.000000e+00 : f32
    %broadcast_in_dim3A_870 = vector.broadcast %jit3A_869 : f32 to vector<1024x128xf32>
    %select_n3A_871 = arith.select %gt3A_868, %broadcast_in_dim3A_870, %select_n3A_865 : vector<1024x128xi1>, vector<1024x128xf32>
    %select_n3A_872 = arith.select %gt3A_868, %slice3A_867, %select_n3A_866 : vector<1024x128xi1>, vector<1024x128xf32>
    %slice3A_873 = vector.extract_strided_slice %select_n3A_839 {offsets = [0, 768], sizes = [1024, 128], strides = [1, 1]} : vector<1024x4096xf32> to vector<1024x128xf32>
    %gt3A_874 = arith.cmpf ogt, %slice3A_873, %select_n3A_872 : vector<1024x128xf32>
    %jit3A_875 = arith.constant 6.000000e+00 : f32
    %broadcast_in_dim3A_876 = vector.broadcast %jit3A_875 : f32 to vector<1024x128xf32>
    %select_n3A_877 = arith.select %gt3A_874, %broadcast_in_dim3A_876, %select_n3A_871 : vector<1024x128xi1>, vector<1024x128xf32>
    %select_n3A_878 = arith.select %gt3A_874, %slice3A_873, %select_n3A_872 : vector<1024x128xi1>, vector<1024x128xf32>
    %slice3A_879 = vector.extract_strided_slice %select_n3A_839 {offsets = [0, 896], sizes = [1024, 128], strides = [1, 1]} : vector<1024x4096xf32> to vector<1024x128xf32>
    %gt3A_880 = arith.cmpf ogt, %slice3A_879, %select_n3A_878 : vector<1024x128xf32>
    %jit3A_881 = arith.constant 7.000000e+00 : f32
    %broadcast_in_dim3A_882 = vector.broadcast %jit3A_881 : f32 to vector<1024x128xf32>
    %select_n3A_883 = arith.select %gt3A_880, %broadcast_in_dim3A_882, %select_n3A_877 : vector<1024x128xi1>, vector<1024x128xf32>
    %select_n3A_884 = arith.select %gt3A_880, %slice3A_879, %select_n3A_878 : vector<1024x128xi1>, vector<1024x128xf32>
    %slice3A_885 = vector.extract_strided_slice %select_n3A_839 {offsets = [0, 1024], sizes = [1024, 128], strides = [1, 1]} : vector<1024x4096xf32> to vector<1024x128xf32>
    %gt3A_886 = arith.cmpf ogt, %slice3A_885, %select_n3A_884 : vector<1024x128xf32>
    %jit3A_887 = arith.constant 8.000000e+00 : f32
    %broadcast_in_dim3A_888 = vector.broadcast %jit3A_887 : f32 to vector<1024x128xf32>
    %select_n3A_889 = arith.select %gt3A_886, %broadcast_in_dim3A_888, %select_n3A_883 : vector<1024x128xi1>, vector<1024x128xf32>
    %select_n3A_890 = arith.select %gt3A_886, %slice3A_885, %select_n3A_884 : vector<1024x128xi1>, vector<1024x128xf32>
    %slice3A_891 = vector.extract_strided_slice %select_n3A_839 {offsets = [0, 1152], sizes = [1024, 128], strides = [1, 1]} : vector<1024x4096xf32> to vector<1024x128xf32>
    %gt3A_892 = arith.cmpf ogt, %slice3A_891, %select_n3A_890 : vector<1024x128xf32>
    %jit3A_893 = arith.constant 9.000000e+00 : f32
    %broadcast_in_dim3A_894 = vector.broadcast %jit3A_893 : f32 to vector<1024x128xf32>
    %select_n3A_895 = arith.select %gt3A_892, %broadcast_in_dim3A_894, %select_n3A_889 : vector<1024x128xi1>, vector<1024x128xf32>
    %select_n3A_896 = arith.select %gt3A_892, %slice3A_891, %select_n3A_890 : vector<1024x128xi1>, vector<1024x128xf32>
    %slice3A_897 = vector.extract_strided_slice %select_n3A_839 {offsets = [0, 1280], sizes = [1024, 128], strides = [1, 1]} : vector<1024x4096xf32> to vector<1024x128xf32>
    %gt3A_898 = arith.cmpf ogt, %slice3A_897, %select_n3A_896 : vector<1024x128xf32>
    %jit3A_899 = arith.constant 1.000000e+01 : f32
    %broadcast_in_dim3A_900 = vector.broadcast %jit3A_899 : f32 to vector<1024x128xf32>
    %select_n3A_901 = arith.select %gt3A_898, %broadcast_in_dim3A_900, %select_n3A_895 : vector<1024x128xi1>, vector<1024x128xf32>
    %select_n3A_902 = arith.select %gt3A_898, %slice3A_897, %select_n3A_896 : vector<1024x128xi1>, vector<1024x128xf32>
    %slice3A_903 = vector.extract_strided_slice %select_n3A_839 {offsets = [0, 1408], sizes = [1024, 128], strides = [1, 1]} : vector<1024x4096xf32> to vector<1024x128xf32>
    %gt3A_904 = arith.cmpf ogt, %slice3A_903, %select_n3A_902 : vector<1024x128xf32>
    %jit3A_905 = arith.constant 1.100000e+01 : f32
    %broadcast_in_dim3A_906 = vector.broadcast %jit3A_905 : f32 to vector<1024x128xf32>
    %select_n3A_907 = arith.select %gt3A_904, %broadcast_in_dim3A_906, %select_n3A_901 : vector<1024x128xi1>, vector<1024x128xf32>
    %select_n3A_908 = arith.select %gt3A_904, %slice3A_903, %select_n3A_902 : vector<1024x128xi1>, vector<1024x128xf32>
    %slice3A_909 = vector.extract_strided_slice %select_n3A_839 {offsets = [0, 1536], sizes = [1024, 128], strides = [1, 1]} : vector<1024x4096xf32> to vector<1024x128xf32>
    %gt3A_910 = arith.cmpf ogt, %slice3A_909, %select_n3A_908 : vector<1024x128xf32>
    %jit3A_911 = arith.constant 1.200000e+01 : f32
    %broadcast_in_dim3A_912 = vector.broadcast %jit3A_911 : f32 to vector<1024x128xf32>
    %select_n3A_913 = arith.select %gt3A_910, %broadcast_in_dim3A_912, %select_n3A_907 : vector<1024x128xi1>, vector<1024x128xf32>
    %select_n3A_914 = arith.select %gt3A_910, %slice3A_909, %select_n3A_908 : vector<1024x128xi1>, vector<1024x128xf32>
    %slice3A_915 = vector.extract_strided_slice %select_n3A_839 {offsets = [0, 1664], sizes = [1024, 128], strides = [1, 1]} : vector<1024x4096xf32> to vector<1024x128xf32>
    %gt3A_916 = arith.cmpf ogt, %slice3A_915, %select_n3A_914 : vector<1024x128xf32>
    %jit3A_917 = arith.constant 1.300000e+01 : f32
    %broadcast_in_dim3A_918 = vector.broadcast %jit3A_917 : f32 to vector<1024x128xf32>
    %select_n3A_919 = arith.select %gt3A_916, %broadcast_in_dim3A_918, %select_n3A_913 : vector<1024x128xi1>, vector<1024x128xf32>
    %select_n3A_920 = arith.select %gt3A_916, %slice3A_915, %select_n3A_914 : vector<1024x128xi1>, vector<1024x128xf32>
    %slice3A_921 = vector.extract_strided_slice %select_n3A_839 {offsets = [0, 1792], sizes = [1024, 128], strides = [1, 1]} : vector<1024x4096xf32> to vector<1024x128xf32>
    %gt3A_922 = arith.cmpf ogt, %slice3A_921, %select_n3A_920 : vector<1024x128xf32>
    %jit3A_923 = arith.constant 1.400000e+01 : f32
    %broadcast_in_dim3A_924 = vector.broadcast %jit3A_923 : f32 to vector<1024x128xf32>
    %select_n3A_925 = arith.select %gt3A_922, %broadcast_in_dim3A_924, %select_n3A_919 : vector<1024x128xi1>, vector<1024x128xf32>
    %select_n3A_926 = arith.select %gt3A_922, %slice3A_921, %select_n3A_920 : vector<1024x128xi1>, vector<1024x128xf32>
    %slice3A_927 = vector.extract_strided_slice %select_n3A_839 {offsets = [0, 1920], sizes = [1024, 128], strides = [1, 1]} : vector<1024x4096xf32> to vector<1024x128xf32>
    %gt3A_928 = arith.cmpf ogt, %slice3A_927, %select_n3A_926 : vector<1024x128xf32>
    %jit3A_929 = arith.constant 1.500000e+01 : f32
    %broadcast_in_dim3A_930 = vector.broadcast %jit3A_929 : f32 to vector<1024x128xf32>
    %select_n3A_931 = arith.select %gt3A_928, %broadcast_in_dim3A_930, %select_n3A_925 : vector<1024x128xi1>, vector<1024x128xf32>
    %select_n3A_932 = arith.select %gt3A_928, %slice3A_927, %select_n3A_926 : vector<1024x128xi1>, vector<1024x128xf32>
    %slice3A_933 = vector.extract_strided_slice %select_n3A_839 {offsets = [0, 2048], sizes = [1024, 128], strides = [1, 1]} : vector<1024x4096xf32> to vector<1024x128xf32>
    %gt3A_934 = arith.cmpf ogt, %slice3A_933, %select_n3A_932 : vector<1024x128xf32>
    %jit3A_935 = arith.constant 1.600000e+01 : f32
    %broadcast_in_dim3A_936 = vector.broadcast %jit3A_935 : f32 to vector<1024x128xf32>
    %select_n3A_937 = arith.select %gt3A_934, %broadcast_in_dim3A_936, %select_n3A_931 : vector<1024x128xi1>, vector<1024x128xf32>
    %select_n3A_938 = arith.select %gt3A_934, %slice3A_933, %select_n3A_932 : vector<1024x128xi1>, vector<1024x128xf32>
    %slice3A_939 = vector.extract_strided_slice %select_n3A_839 {offsets = [0, 2176], sizes = [1024, 128], strides = [1, 1]} : vector<1024x4096xf32> to vector<1024x128xf32>
    %gt3A_940 = arith.cmpf ogt, %slice3A_939, %select_n3A_938 : vector<1024x128xf32>
    %jit3A_941 = arith.constant 1.700000e+01 : f32
    %broadcast_in_dim3A_942 = vector.broadcast %jit3A_941 : f32 to vector<1024x128xf32>
    %select_n3A_943 = arith.select %gt3A_940, %broadcast_in_dim3A_942, %select_n3A_937 : vector<1024x128xi1>, vector<1024x128xf32>
    %select_n3A_944 = arith.select %gt3A_940, %slice3A_939, %select_n3A_938 : vector<1024x128xi1>, vector<1024x128xf32>
    %slice3A_945 = vector.extract_strided_slice %select_n3A_839 {offsets = [0, 2304], sizes = [1024, 128], strides = [1, 1]} : vector<1024x4096xf32> to vector<1024x128xf32>
    %gt3A_946 = arith.cmpf ogt, %slice3A_945, %select_n3A_944 : vector<1024x128xf32>
    %jit3A_947 = arith.constant 1.800000e+01 : f32
    %broadcast_in_dim3A_948 = vector.broadcast %jit3A_947 : f32 to vector<1024x128xf32>
    %select_n3A_949 = arith.select %gt3A_946, %broadcast_in_dim3A_948, %select_n3A_943 : vector<1024x128xi1>, vector<1024x128xf32>
    %select_n3A_950 = arith.select %gt3A_946, %slice3A_945, %select_n3A_944 : vector<1024x128xi1>, vector<1024x128xf32>
    %slice3A_951 = vector.extract_strided_slice %select_n3A_839 {offsets = [0, 2432], sizes = [1024, 128], strides = [1, 1]} : vector<1024x4096xf32> to vector<1024x128xf32>
    %gt3A_952 = arith.cmpf ogt, %slice3A_951, %select_n3A_950 : vector<1024x128xf32>
    %jit3A_953 = arith.constant 1.900000e+01 : f32
    %broadcast_in_dim3A_954 = vector.broadcast %jit3A_953 : f32 to vector<1024x128xf32>
    %select_n3A_955 = arith.select %gt3A_952, %broadcast_in_dim3A_954, %select_n3A_949 : vector<1024x128xi1>, vector<1024x128xf32>
    %select_n3A_956 = arith.select %gt3A_952, %slice3A_951, %select_n3A_950 : vector<1024x128xi1>, vector<1024x128xf32>
    %slice3A_957 = vector.extract_strided_slice %select_n3A_839 {offsets = [0, 2560], sizes = [1024, 128], strides = [1, 1]} : vector<1024x4096xf32> to vector<1024x128xf32>
    %gt3A_958 = arith.cmpf ogt, %slice3A_957, %select_n3A_956 : vector<1024x128xf32>
    %jit3A_959 = arith.constant 2.000000e+01 : f32
    %broadcast_in_dim3A_960 = vector.broadcast %jit3A_959 : f32 to vector<1024x128xf32>
    %select_n3A_961 = arith.select %gt3A_958, %broadcast_in_dim3A_960, %select_n3A_955 : vector<1024x128xi1>, vector<1024x128xf32>
    %select_n3A_962 = arith.select %gt3A_958, %slice3A_957, %select_n3A_956 : vector<1024x128xi1>, vector<1024x128xf32>
    %slice3A_963 = vector.extract_strided_slice %select_n3A_839 {offsets = [0, 2688], sizes = [1024, 128], strides = [1, 1]} : vector<1024x4096xf32> to vector<1024x128xf32>
    %gt3A_964 = arith.cmpf ogt, %slice3A_963, %select_n3A_962 : vector<1024x128xf32>
    %jit3A_965 = arith.constant 2.100000e+01 : f32
    %broadcast_in_dim3A_966 = vector.broadcast %jit3A_965 : f32 to vector<1024x128xf32>
    %select_n3A_967 = arith.select %gt3A_964, %broadcast_in_dim3A_966, %select_n3A_961 : vector<1024x128xi1>, vector<1024x128xf32>
    %select_n3A_968 = arith.select %gt3A_964, %slice3A_963, %select_n3A_962 : vector<1024x128xi1>, vector<1024x128xf32>
    %slice3A_969 = vector.extract_strided_slice %select_n3A_839 {offsets = [0, 2816], sizes = [1024, 128], strides = [1, 1]} : vector<1024x4096xf32> to vector<1024x128xf32>
    %gt3A_970 = arith.cmpf ogt, %slice3A_969, %select_n3A_968 : vector<1024x128xf32>
    %jit3A_971 = arith.constant 2.200000e+01 : f32
    %broadcast_in_dim3A_972 = vector.broadcast %jit3A_971 : f32 to vector<1024x128xf32>
    %select_n3A_973 = arith.select %gt3A_970, %broadcast_in_dim3A_972, %select_n3A_967 : vector<1024x128xi1>, vector<1024x128xf32>
    %select_n3A_974 = arith.select %gt3A_970, %slice3A_969, %select_n3A_968 : vector<1024x128xi1>, vector<1024x128xf32>
    %slice3A_975 = vector.extract_strided_slice %select_n3A_839 {offsets = [0, 2944], sizes = [1024, 128], strides = [1, 1]} : vector<1024x4096xf32> to vector<1024x128xf32>
    %gt3A_976 = arith.cmpf ogt, %slice3A_975, %select_n3A_974 : vector<1024x128xf32>
    %jit3A_977 = arith.constant 2.300000e+01 : f32
    %broadcast_in_dim3A_978 = vector.broadcast %jit3A_977 : f32 to vector<1024x128xf32>
    %select_n3A_979 = arith.select %gt3A_976, %broadcast_in_dim3A_978, %select_n3A_973 : vector<1024x128xi1>, vector<1024x128xf32>
    %select_n3A_980 = arith.select %gt3A_976, %slice3A_975, %select_n3A_974 : vector<1024x128xi1>, vector<1024x128xf32>
    %slice3A_981 = vector.extract_strided_slice %select_n3A_839 {offsets = [0, 3072], sizes = [1024, 128], strides = [1, 1]} : vector<1024x4096xf32> to vector<1024x128xf32>
    %gt3A_982 = arith.cmpf ogt, %slice3A_981, %select_n3A_980 : vector<1024x128xf32>
    %jit3A_983 = arith.constant 2.400000e+01 : f32
    %broadcast_in_dim3A_984 = vector.broadcast %jit3A_983 : f32 to vector<1024x128xf32>
    %select_n3A_985 = arith.select %gt3A_982, %broadcast_in_dim3A_984, %select_n3A_979 : vector<1024x128xi1>, vector<1024x128xf32>
    %select_n3A_986 = arith.select %gt3A_982, %slice3A_981, %select_n3A_980 : vector<1024x128xi1>, vector<1024x128xf32>
    %slice3A_987 = vector.extract_strided_slice %select_n3A_839 {offsets = [0, 3200], sizes = [1024, 128], strides = [1, 1]} : vector<1024x4096xf32> to vector<1024x128xf32>
    %gt3A_988 = arith.cmpf ogt, %slice3A_987, %select_n3A_986 : vector<1024x128xf32>
    %jit3A_989 = arith.constant 2.500000e+01 : f32
    %broadcast_in_dim3A_990 = vector.broadcast %jit3A_989 : f32 to vector<1024x128xf32>
    %select_n3A_991 = arith.select %gt3A_988, %broadcast_in_dim3A_990, %select_n3A_985 : vector<1024x128xi1>, vector<1024x128xf32>
    %select_n3A_992 = arith.select %gt3A_988, %slice3A_987, %select_n3A_986 : vector<1024x128xi1>, vector<1024x128xf32>
    %slice3A_993 = vector.extract_strided_slice %select_n3A_839 {offsets = [0, 3328], sizes = [1024, 128], strides = [1, 1]} : vector<1024x4096xf32> to vector<1024x128xf32>
    %gt3A_994 = arith.cmpf ogt, %slice3A_993, %select_n3A_992 : vector<1024x128xf32>
    %jit3A_995 = arith.constant 2.600000e+01 : f32
    %broadcast_in_dim3A_996 = vector.broadcast %jit3A_995 : f32 to vector<1024x128xf32>
    %select_n3A_997 = arith.select %gt3A_994, %broadcast_in_dim3A_996, %select_n3A_991 : vector<1024x128xi1>, vector<1024x128xf32>
    %select_n3A_998 = arith.select %gt3A_994, %slice3A_993, %select_n3A_992 : vector<1024x128xi1>, vector<1024x128xf32>
    %slice3A_999 = vector.extract_strided_slice %select_n3A_839 {offsets = [0, 3456], sizes = [1024, 128], strides = [1, 1]} : vector<1024x4096xf32> to vector<1024x128xf32>
    %gt3A_1000 = arith.cmpf ogt, %slice3A_999, %select_n3A_998 : vector<1024x128xf32>
    %jit3A_1001 = arith.constant 2.700000e+01 : f32
    %broadcast_in_dim3A_1002 = vector.broadcast %jit3A_1001 : f32 to vector<1024x128xf32>
    %select_n3A_1003 = arith.select %gt3A_1000, %broadcast_in_dim3A_1002, %select_n3A_997 : vector<1024x128xi1>, vector<1024x128xf32>
    %select_n3A_1004 = arith.select %gt3A_1000, %slice3A_999, %select_n3A_998 : vector<1024x128xi1>, vector<1024x128xf32>
    %slice3A_1005 = vector.extract_strided_slice %select_n3A_839 {offsets = [0, 3584], sizes = [1024, 128], strides = [1, 1]} : vector<1024x4096xf32> to vector<1024x128xf32>
    %gt3A_1006 = arith.cmpf ogt, %slice3A_1005, %select_n3A_1004 : vector<1024x128xf32>
    %jit3A_1007 = arith.constant 2.800000e+01 : f32
    %broadcast_in_dim3A_1008 = vector.broadcast %jit3A_1007 : f32 to vector<1024x128xf32>
    %select_n3A_1009 = arith.select %gt3A_1006, %broadcast_in_dim3A_1008, %select_n3A_1003 : vector<1024x128xi1>, vector<1024x128xf32>
    %select_n3A_1010 = arith.select %gt3A_1006, %slice3A_1005, %select_n3A_1004 : vector<1024x128xi1>, vector<1024x128xf32>
    %slice3A_1011 = vector.extract_strided_slice %select_n3A_839 {offsets = [0, 3712], sizes = [1024, 128], strides = [1, 1]} : vector<1024x4096xf32> to vector<1024x128xf32>
    %gt3A_1012 = arith.cmpf ogt, %slice3A_1011, %select_n3A_1010 : vector<1024x128xf32>
    %jit3A_1013 = arith.constant 2.900000e+01 : f32
    %broadcast_in_dim3A_1014 = vector.broadcast %jit3A_1013 : f32 to vector<1024x128xf32>
    %select_n3A_1015 = arith.select %gt3A_1012, %broadcast_in_dim3A_1014, %select_n3A_1009 : vector<1024x128xi1>, vector<1024x128xf32>
    %select_n3A_1016 = arith.select %gt3A_1012, %slice3A_1011, %select_n3A_1010 : vector<1024x128xi1>, vector<1024x128xf32>
    %slice3A_1017 = vector.extract_strided_slice %select_n3A_839 {offsets = [0, 3840], sizes = [1024, 128], strides = [1, 1]} : vector<1024x4096xf32> to vector<1024x128xf32>
    %gt3A_1018 = arith.cmpf ogt, %slice3A_1017, %select_n3A_1016 : vector<1024x128xf32>
    %jit3A_1019 = arith.constant 3.000000e+01 : f32
    %broadcast_in_dim3A_1020 = vector.broadcast %jit3A_1019 : f32 to vector<1024x128xf32>
    %select_n3A_1021 = arith.select %gt3A_1018, %broadcast_in_dim3A_1020, %select_n3A_1015 : vector<1024x128xi1>, vector<1024x128xf32>
    %select_n3A_1022 = arith.select %gt3A_1018, %slice3A_1017, %select_n3A_1016 : vector<1024x128xi1>, vector<1024x128xf32>
    %slice3A_1023 = vector.extract_strided_slice %select_n3A_839 {offsets = [0, 3968], sizes = [1024, 128], strides = [1, 1]} : vector<1024x4096xf32> to vector<1024x128xf32>
    %gt3A_1024 = arith.cmpf ogt, %slice3A_1023, %select_n3A_1022 : vector<1024x128xf32>
    %jit3A_1025 = arith.constant 3.100000e+01 : f32
    %broadcast_in_dim3A_1026 = vector.broadcast %jit3A_1025 : f32 to vector<1024x128xf32>
    %select_n3A_1027 = arith.select %gt3A_1024, %broadcast_in_dim3A_1026, %select_n3A_1021 : vector<1024x128xi1>, vector<1024x128xf32>
    %select_n3A_1028 = arith.select %gt3A_1024, %slice3A_1023, %select_n3A_1022 : vector<1024x128xi1>, vector<1024x128xf32>
    %reduce_max3A_1029 = arith.constant dense<0xFF800000> : vector<1024xf32>
    %reduce_max3A_1030 = vector.multi_reduction <maximumf>, %select_n3A_1028, %reduce_max3A_1029 [1] : vector<1024x128xf32> to vector<1024xf32>
    %broadcast_in_dim3A_1031 = vector.shape_cast %reduce_max3A_1030 : vector<1024xf32> to vector<1024x1xf32>
    %mul3A_1032 = arith.constant 1.280000e+02 : f32
    %mul3A_1033 = vector.broadcast %mul3A_1032 : f32 to vector<1024x128xf32>
    %mul3A_1034 = arith.mulf %select_n3A_1027, %mul3A_1033 : vector<1024x128xf32>
    %add3A_1035 = arith.addf %mul3A_1034, %slice3A : vector<1024x128xf32>
    %eq3A_1036 = vector.broadcast %broadcast_in_dim3A_1031 : vector<1024x1xf32> to vector<1024x128xf32>
    %eq3A_1037 = arith.cmpf oeq, %select_n3A_1028, %eq3A_1036 : vector<1024x128xf32>
    %jit3A_1038 = arith.constant 3.000000e+07 : f32
    %broadcast_in_dim3A_1039 = vector.broadcast %jit3A_1038 : f32 to vector<1024x128xf32>
    %select_n3A_1040 = arith.select %eq3A_1037, %add3A_1035, %broadcast_in_dim3A_1039 : vector<1024x128xi1>, vector<1024x128xf32>
    %reduce_min3A_1041 = arith.constant dense<0x7F800000> : vector<1024xf32>
    %reduce_min3A_1042 = vector.multi_reduction <minimumf>, %select_n3A_1040, %reduce_min3A_1041 [1] : vector<1024x128xf32> to vector<1024xf32>
    %broadcast_in_dim3A_1043 = vector.shape_cast %reduce_min3A_1042 : vector<1024xf32> to vector<1024x1xf32>
    %broadcast_in_dim3A_1044 = arith.constant 0xFF800000 : f32
    %broadcast_in_dim3A_1045 = vector.broadcast %broadcast_in_dim3A_1044 : f32 to vector<1024x3xf32>
    %concatenate3A = tpu.concatenate %broadcast_in_dim3A_198, %broadcast_in_dim3A_404, %broadcast_in_dim3A_613, %broadcast_in_dim3A_822, %broadcast_in_dim3A_1031, %broadcast_in_dim3A_1045 in 1 : vector<1024x1xf32>, vector<1024x1xf32>, vector<1024x1xf32>, vector<1024x1xf32>, vector<1024x1xf32>, vector<1024x3xf32> -> vector<1024x8xf32>
    %swap3A = arith.constant 0 : index
    %swap3A_1046 = arith.constant 0 : index
    %swap3A_1047 = arith.constant 0 : index
    %swap3A_1048 = vector.load %arg4[%swap3A, %swap3A_1046, %swap3A_1047] : memref<1x1024x8xf32, #tpu.memory_space<vmem>>, vector<1x1024x8xf32>
    %swap3A_1049 = vector.shape_cast %swap3A_1048 : vector<1x1024x8xf32> to vector<1024x8xf32>
    %swap3A_1050 = vector.shape_cast %concatenate3A : vector<1024x8xf32> to vector<1x1024x8xf32>
    tpu.vector_store %arg4[%swap3A, %swap3A_1046, %swap3A_1047], %swap3A_1050 {strides = array<i32>} : memref<1x1024x8xf32, #tpu.memory_space<vmem>>, vector<1x1024x8xf32>,
    %add3A_1051 = vector.broadcast %convert_element_type3A : f32 to vector<1024x1xf32>
    %add3A_1052 = arith.addf %broadcast_in_dim3A_207, %add3A_1051 : vector<1024x1xf32>
    %add3A_1053 = vector.broadcast %convert_element_type3A : f32 to vector<1024x1xf32>
    %add3A_1054 = arith.addf %broadcast_in_dim3A_416, %add3A_1053 : vector<1024x1xf32>
    %add3A_1055 = vector.broadcast %convert_element_type3A : f32 to vector<1024x1xf32>
    %add3A_1056 = arith.addf %broadcast_in_dim3A_625, %add3A_1055 : vector<1024x1xf32>
    %add3A_1057 = vector.broadcast %convert_element_type3A : f32 to vector<1024x1xf32>
    %add3A_1058 = arith.addf %broadcast_in_dim3A_834, %add3A_1057 : vector<1024x1xf32>
    %add3A_1059 = vector.broadcast %convert_element_type3A : f32 to vector<1024x1xf32>
    %add3A_1060 = arith.addf %broadcast_in_dim3A_1043, %add3A_1059 : vector<1024x1xf32>
    %broadcast_in_dim3A_1061 = arith.constant 3.000000e+07 : f32
    %broadcast_in_dim3A_1062 = vector.broadcast %broadcast_in_dim3A_1061 : f32 to vector<1024x3xf32>
    %concatenate3A_1063 = tpu.concatenate %add3A_1052, %add3A_1054, %add3A_1056, %add3A_1058, %add3A_1060, %broadcast_in_dim3A_1062 in 1 : vector<1024x1xf32>, vector<1024x1xf32>, vector<1024x1xf32>, vector<1024x1xf32>, vector<1024x1xf32>, vector<1024x3xf32> -> vector<1024x8xf32>
    %swap3A_1064 = arith.constant 0 : index
    %swap3A_1065 = arith.constant 0 : index
    %swap3A_1066 = arith.constant 0 : index
    %swap3A_1067 = vector.load %arg5[%swap3A_1064, %swap3A_1065, %swap3A_1066] : memref<1x1024x8xf32, #tpu.memory_space<vmem>>, vector<1x1024x8xf32>
    %swap3A_1068 = vector.shape_cast %swap3A_1067 : vector<1x1024x8xf32> to vector<1024x8xf32>
    %swap3A_1069 = vector.shape_cast %concatenate3A_1063 : vector<1024x8xf32> to vector<1x1024x8xf32>
    tpu.vector_store %arg5[%swap3A_1064, %swap3A_1065, %swap3A_1066], %swap3A_1069 {strides = array<i32>} : memref<1x1024x8xf32, #tpu.memory_space<vmem>>, vector<1x1024x8xf32>,
    return
  }
  func.func @transform_0(%arg0: i32) -> (i32, i32) {
    %c0_i32 = arith.constant 0 : i32
    %c0_i32_0 = arith.constant 0 : i32
    %c0_i32_1 = arith.constant 0 : i32
    return %c0_i32, %c0_i32_0 : i32, i32
  }
  func.func @transform_1(%arg0: i32) -> (i32, i32) {
    %c0_i32 = arith.constant 0 : i32
    %c0_i32_0 = arith.constant 0 : i32
    return %arg0, %c0_i32 : i32, i32
  }
  func.func @transform_2(%arg0: i32) -> (i32, i32) {
    %c0_i32 = arith.constant 0 : i32
    %c0_i32_0 = arith.constant 0 : i32
    return %arg0, %c0_i32 : i32, i32
  }
  func.func @transform_3(%arg0: i32) -> (i32, i32, i32) {
    %c0_i32 = arith.constant 0 : i32
    %c0_i32_0 = arith.constant 0 : i32
    %c0_i32_1 = arith.constant 0 : i32
    return %arg0, %c0_i32, %c0_i32_0 : i32, i32, i32
  }
  func.func @transform_4(%arg0: i32) -> (i32, i32, i32) {
    %c0_i32 = arith.constant 0 : i32
    %c0_i32_0 = arith.constant 0 : i32
    %c0_i32_1 = arith.constant 0 : i32
    return %arg0, %c0_i32, %c0_i32_0 : i32, i32, i32
  }
}

module attributes {stable_mosaic.version = 14 : i64} {
  func.func @_tail_body(%arg0: i32, %arg1: memref<1024x128xf32, #tpu.memory_space<vmem>>, %arg2: memref<4096x128xf32, #tpu.memory_space<vmem>>, %arg3: memref<4096x1xf32, #tpu.memory_space<vmem>>, %arg4: memref<1x1024x8xf32, #tpu.memory_space<vmem>>, %arg5: memref<1x1024x8xf32, #tpu.memory_space<vmem>>) attributes {dimension_semantics = [#tpu.dimension_semantics<arbitrary>], iteration_bounds = array<i64: 1>, scalar_prefetch = 0 : i64, scratch_operands = 0 : i64, tpu.core_type = #tpu.core_type<tc>, window_params = [{pipeline_mode = #tpu.pipeline_mode<synchronous>, transform_indices = @transform_0, window_bounds = array<i64: 1024, 128>}, {transform_indices = @transform_1, window_bounds = array<i64: 4096, 128>}, {transform_indices = @transform_2, window_bounds = array<i64: 4096, 1>}, {pipeline_mode = #tpu.pipeline_mode<synchronous>, transform_indices = @transform_3, window_bounds = array<i64: 1, 1024, 8>}, {pipeline_mode = #tpu.pipeline_mode<synchronous>, transform_indices = @transform_4, window_bounds = array<i64: 1, 1024, 8>}]} {
    %get3A = arith.constant 0 : index
    %get3A_0 = arith.constant 0 : index
    %get3A_1 = vector.load %arg1[%get3A, %get3A_0] : memref<1024x128xf32, #tpu.memory_space<vmem>>, vector<1024x128xf32>
    %get3A_2 = arith.constant 0 : index
    %get3A_3 = arith.constant 0 : index
    %get3A_4 = vector.load %arg2[%get3A_2, %get3A_3] : memref<4096x128xf32, #tpu.memory_space<vmem>>, vector<4096x128xf32>
    %get3A_5 = arith.constant 0 : index
    %get3A_6 = arith.constant 0 : index
    %get3A_7 = vector.load %arg3[%get3A_5, %get3A_6] : memref<4096x1xf32, #tpu.memory_space<vmem>>, vector<4096x1xf32>
    %div3A = vector.broadcast %get3A_7 : vector<4096x1xf32> to vector<4096x128xf32>
    %div3A_8 = arith.divf %get3A_4, %div3A : vector<4096x128xf32>
    %dot_general3A = arith.constant dense<0.000000e+00> : vector<1024x4096xf32>
    %dot_general3A_9 = tpu.matmul %get3A_1, %div3A_8, %dot_general3A {dimension_numbers = #tpu.dot_dimension_numbers<[1], [1], [0], [0], [0, 0, 1, 0], [], []>, transpose_lhs_hint = false} : vector<1024x128xf32>, vector<4096x128xf32>, vector<1024x4096xf32> -> vector<1024x4096xf32>
    %iota3A = tpu.iota {dimensions = array<i32: 1>} : vector<1024x4096xi32>
    %convert_element_type3A = arith.sitofp %iota3A : vector<1024x4096xi32> to vector<1024x4096xf32>
    %lt3A = arith.constant 1.696000e+03 : f32
    %lt3A_10 = vector.broadcast %lt3A : f32 to vector<1024x4096xf32>
    %lt3A_11 = arith.cmpf olt, %convert_element_type3A, %lt3A_10 : vector<1024x4096xf32>
    %jit3A = arith.constant 0xFF800000 : f32
    %broadcast_in_dim3A = vector.broadcast %jit3A : f32 to vector<1024x4096xf32>
    %select_n3A = arith.select %lt3A_11, %dot_general3A_9, %broadcast_in_dim3A : vector<1024x4096xi1>, vector<1024x4096xf32>
    %slice3A = vector.extract_strided_slice %convert_element_type3A {offsets = [0, 0], sizes = [1024, 128], strides = [1, 1]} : vector<1024x4096xf32> to vector<1024x128xf32>
    %slice3A_12 = vector.extract_strided_slice %select_n3A {offsets = [0, 0], sizes = [1024, 128], strides = [1, 1]} : vector<1024x4096xf32> to vector<1024x128xf32>
    %broadcast_in_dim3A_13 = arith.constant 0.000000e+00 : f32
    %broadcast_in_dim3A_14 = vector.broadcast %broadcast_in_dim3A_13 : f32 to vector<1024x128xf32>
    %slice3A_15 = vector.extract_strided_slice %select_n3A {offsets = [0, 128], sizes = [1024, 128], strides = [1, 1]} : vector<1024x4096xf32> to vector<1024x128xf32>
    %gt3A = arith.cmpf ogt, %slice3A_15, %slice3A_12 : vector<1024x128xf32>
    %jit3A_16 = arith.constant 1.000000e+00 : f32
    %broadcast_in_dim3A_17 = vector.broadcast %jit3A_16 : f32 to vector<1024x128xf32>
    %select_n3A_18 = arith.select %gt3A, %broadcast_in_dim3A_17, %broadcast_in_dim3A_14 : vector<1024x128xi1>, vector<1024x128xf32>
    %select_n3A_19 = arith.select %gt3A, %slice3A_15, %slice3A_12 : vector<1024x128xi1>, vector<1024x128xf32>
    %slice3A_20 = vector.extract_strided_slice %select_n3A {offsets = [0, 256], sizes = [1024, 128], strides = [1, 1]} : vector<1024x4096xf32> to vector<1024x128xf32>
    %gt3A_21 = arith.cmpf ogt, %slice3A_20, %select_n3A_19 : vector<1024x128xf32>
    %jit3A_22 = arith.constant 2.000000e+00 : f32
    %broadcast_in_dim3A_23 = vector.broadcast %jit3A_22 : f32 to vector<1024x128xf32>
    %select_n3A_24 = arith.select %gt3A_21, %broadcast_in_dim3A_23, %select_n3A_18 : vector<1024x128xi1>, vector<1024x128xf32>
    %select_n3A_25 = arith.select %gt3A_21, %slice3A_20, %select_n3A_19 : vector<1024x128xi1>, vector<1024x128xf32>
    %slice3A_26 = vector.extract_strided_slice %select_n3A {offsets = [0, 384], sizes = [1024, 128], strides = [1, 1]} : vector<1024x4096xf32> to vector<1024x128xf32>
    %gt3A_27 = arith.cmpf ogt, %slice3A_26, %select_n3A_25 : vector<1024x128xf32>
    %jit3A_28 = arith.constant 3.000000e+00 : f32
    %broadcast_in_dim3A_29 = vector.broadcast %jit3A_28 : f32 to vector<1024x128xf32>
    %select_n3A_30 = arith.select %gt3A_27, %broadcast_in_dim3A_29, %select_n3A_24 : vector<1024x128xi1>, vector<1024x128xf32>
    %select_n3A_31 = arith.select %gt3A_27, %slice3A_26, %select_n3A_25 : vector<1024x128xi1>, vector<1024x128xf32>
    %slice3A_32 = vector.extract_strided_slice %select_n3A {offsets = [0, 512], sizes = [1024, 128], strides = [1, 1]} : vector<1024x4096xf32> to vector<1024x128xf32>
    %gt3A_33 = arith.cmpf ogt, %slice3A_32, %select_n3A_31 : vector<1024x128xf32>
    %jit3A_34 = arith.constant 4.000000e+00 : f32
    %broadcast_in_dim3A_35 = vector.broadcast %jit3A_34 : f32 to vector<1024x128xf32>
    %select_n3A_36 = arith.select %gt3A_33, %broadcast_in_dim3A_35, %select_n3A_30 : vector<1024x128xi1>, vector<1024x128xf32>
    %select_n3A_37 = arith.select %gt3A_33, %slice3A_32, %select_n3A_31 : vector<1024x128xi1>, vector<1024x128xf32>
    %slice3A_38 = vector.extract_strided_slice %select_n3A {offsets = [0, 640], sizes = [1024, 128], strides = [1, 1]} : vector<1024x4096xf32> to vector<1024x128xf32>
    %gt3A_39 = arith.cmpf ogt, %slice3A_38, %select_n3A_37 : vector<1024x128xf32>
    %jit3A_40 = arith.constant 5.000000e+00 : f32
    %broadcast_in_dim3A_41 = vector.broadcast %jit3A_40 : f32 to vector<1024x128xf32>
    %select_n3A_42 = arith.select %gt3A_39, %broadcast_in_dim3A_41, %select_n3A_36 : vector<1024x128xi1>, vector<1024x128xf32>
    %select_n3A_43 = arith.select %gt3A_39, %slice3A_38, %select_n3A_37 : vector<1024x128xi1>, vector<1024x128xf32>
    %slice3A_44 = vector.extract_strided_slice %select_n3A {offsets = [0, 768], sizes = [1024, 128], strides = [1, 1]} : vector<1024x4096xf32> to vector<1024x128xf32>
    %gt3A_45 = arith.cmpf ogt, %slice3A_44, %select_n3A_43 : vector<1024x128xf32>
    %jit3A_46 = arith.constant 6.000000e+00 : f32
    %broadcast_in_dim3A_47 = vector.broadcast %jit3A_46 : f32 to vector<1024x128xf32>
    %select_n3A_48 = arith.select %gt3A_45, %broadcast_in_dim3A_47, %select_n3A_42 : vector<1024x128xi1>, vector<1024x128xf32>
    %select_n3A_49 = arith.select %gt3A_45, %slice3A_44, %select_n3A_43 : vector<1024x128xi1>, vector<1024x128xf32>
    %slice3A_50 = vector.extract_strided_slice %select_n3A {offsets = [0, 896], sizes = [1024, 128], strides = [1, 1]} : vector<1024x4096xf32> to vector<1024x128xf32>
    %gt3A_51 = arith.cmpf ogt, %slice3A_50, %select_n3A_49 : vector<1024x128xf32>
    %jit3A_52 = arith.constant 7.000000e+00 : f32
    %broadcast_in_dim3A_53 = vector.broadcast %jit3A_52 : f32 to vector<1024x128xf32>
    %select_n3A_54 = arith.select %gt3A_51, %broadcast_in_dim3A_53, %select_n3A_48 : vector<1024x128xi1>, vector<1024x128xf32>
    %select_n3A_55 = arith.select %gt3A_51, %slice3A_50, %select_n3A_49 : vector<1024x128xi1>, vector<1024x128xf32>
    %slice3A_56 = vector.extract_strided_slice %select_n3A {offsets = [0, 1024], sizes = [1024, 128], strides = [1, 1]} : vector<1024x4096xf32> to vector<1024x128xf32>
    %gt3A_57 = arith.cmpf ogt, %slice3A_56, %select_n3A_55 : vector<1024x128xf32>
    %jit3A_58 = arith.constant 8.000000e+00 : f32
    %broadcast_in_dim3A_59 = vector.broadcast %jit3A_58 : f32 to vector<1024x128xf32>
    %select_n3A_60 = arith.select %gt3A_57, %broadcast_in_dim3A_59, %select_n3A_54 : vector<1024x128xi1>, vector<1024x128xf32>
    %select_n3A_61 = arith.select %gt3A_57, %slice3A_56, %select_n3A_55 : vector<1024x128xi1>, vector<1024x128xf32>
    %slice3A_62 = vector.extract_strided_slice %select_n3A {offsets = [0, 1152], sizes = [1024, 128], strides = [1, 1]} : vector<1024x4096xf32> to vector<1024x128xf32>
    %gt3A_63 = arith.cmpf ogt, %slice3A_62, %select_n3A_61 : vector<1024x128xf32>
    %jit3A_64 = arith.constant 9.000000e+00 : f32
    %broadcast_in_dim3A_65 = vector.broadcast %jit3A_64 : f32 to vector<1024x128xf32>
    %select_n3A_66 = arith.select %gt3A_63, %broadcast_in_dim3A_65, %select_n3A_60 : vector<1024x128xi1>, vector<1024x128xf32>
    %select_n3A_67 = arith.select %gt3A_63, %slice3A_62, %select_n3A_61 : vector<1024x128xi1>, vector<1024x128xf32>
    %slice3A_68 = vector.extract_strided_slice %select_n3A {offsets = [0, 1280], sizes = [1024, 128], strides = [1, 1]} : vector<1024x4096xf32> to vector<1024x128xf32>
    %gt3A_69 = arith.cmpf ogt, %slice3A_68, %select_n3A_67 : vector<1024x128xf32>
    %jit3A_70 = arith.constant 1.000000e+01 : f32
    %broadcast_in_dim3A_71 = vector.broadcast %jit3A_70 : f32 to vector<1024x128xf32>
    %select_n3A_72 = arith.select %gt3A_69, %broadcast_in_dim3A_71, %select_n3A_66 : vector<1024x128xi1>, vector<1024x128xf32>
    %select_n3A_73 = arith.select %gt3A_69, %slice3A_68, %select_n3A_67 : vector<1024x128xi1>, vector<1024x128xf32>
    %slice3A_74 = vector.extract_strided_slice %select_n3A {offsets = [0, 1408], sizes = [1024, 128], strides = [1, 1]} : vector<1024x4096xf32> to vector<1024x128xf32>
    %gt3A_75 = arith.cmpf ogt, %slice3A_74, %select_n3A_73 : vector<1024x128xf32>
    %jit3A_76 = arith.constant 1.100000e+01 : f32
    %broadcast_in_dim3A_77 = vector.broadcast %jit3A_76 : f32 to vector<1024x128xf32>
    %select_n3A_78 = arith.select %gt3A_75, %broadcast_in_dim3A_77, %select_n3A_72 : vector<1024x128xi1>, vector<1024x128xf32>
    %select_n3A_79 = arith.select %gt3A_75, %slice3A_74, %select_n3A_73 : vector<1024x128xi1>, vector<1024x128xf32>
    %slice3A_80 = vector.extract_strided_slice %select_n3A {offsets = [0, 1536], sizes = [1024, 128], strides = [1, 1]} : vector<1024x4096xf32> to vector<1024x128xf32>
    %gt3A_81 = arith.cmpf ogt, %slice3A_80, %select_n3A_79 : vector<1024x128xf32>
    %jit3A_82 = arith.constant 1.200000e+01 : f32
    %broadcast_in_dim3A_83 = vector.broadcast %jit3A_82 : f32 to vector<1024x128xf32>
    %select_n3A_84 = arith.select %gt3A_81, %broadcast_in_dim3A_83, %select_n3A_78 : vector<1024x128xi1>, vector<1024x128xf32>
    %select_n3A_85 = arith.select %gt3A_81, %slice3A_80, %select_n3A_79 : vector<1024x128xi1>, vector<1024x128xf32>
    %slice3A_86 = vector.extract_strided_slice %select_n3A {offsets = [0, 1664], sizes = [1024, 128], strides = [1, 1]} : vector<1024x4096xf32> to vector<1024x128xf32>
    %gt3A_87 = arith.cmpf ogt, %slice3A_86, %select_n3A_85 : vector<1024x128xf32>
    %jit3A_88 = arith.constant 1.300000e+01 : f32
    %broadcast_in_dim3A_89 = vector.broadcast %jit3A_88 : f32 to vector<1024x128xf32>
    %select_n3A_90 = arith.select %gt3A_87, %broadcast_in_dim3A_89, %select_n3A_84 : vector<1024x128xi1>, vector<1024x128xf32>
    %select_n3A_91 = arith.select %gt3A_87, %slice3A_86, %select_n3A_85 : vector<1024x128xi1>, vector<1024x128xf32>
    %slice3A_92 = vector.extract_strided_slice %select_n3A {offsets = [0, 1792], sizes = [1024, 128], strides = [1, 1]} : vector<1024x4096xf32> to vector<1024x128xf32>
    %gt3A_93 = arith.cmpf ogt, %slice3A_92, %select_n3A_91 : vector<1024x128xf32>
    %jit3A_94 = arith.constant 1.400000e+01 : f32
    %broadcast_in_dim3A_95 = vector.broadcast %jit3A_94 : f32 to vector<1024x128xf32>
    %select_n3A_96 = arith.select %gt3A_93, %broadcast_in_dim3A_95, %select_n3A_90 : vector<1024x128xi1>, vector<1024x128xf32>
    %select_n3A_97 = arith.select %gt3A_93, %slice3A_92, %select_n3A_91 : vector<1024x128xi1>, vector<1024x128xf32>
    %slice3A_98 = vector.extract_strided_slice %select_n3A {offsets = [0, 1920], sizes = [1024, 128], strides = [1, 1]} : vector<1024x4096xf32> to vector<1024x128xf32>
    %gt3A_99 = arith.cmpf ogt, %slice3A_98, %select_n3A_97 : vector<1024x128xf32>
    %jit3A_100 = arith.constant 1.500000e+01 : f32
    %broadcast_in_dim3A_101 = vector.broadcast %jit3A_100 : f32 to vector<1024x128xf32>
    %select_n3A_102 = arith.select %gt3A_99, %broadcast_in_dim3A_101, %select_n3A_96 : vector<1024x128xi1>, vector<1024x128xf32>
    %select_n3A_103 = arith.select %gt3A_99, %slice3A_98, %select_n3A_97 : vector<1024x128xi1>, vector<1024x128xf32>
    %slice3A_104 = vector.extract_strided_slice %select_n3A {offsets = [0, 2048], sizes = [1024, 128], strides = [1, 1]} : vector<1024x4096xf32> to vector<1024x128xf32>
    %gt3A_105 = arith.cmpf ogt, %slice3A_104, %select_n3A_103 : vector<1024x128xf32>
    %jit3A_106 = arith.constant 1.600000e+01 : f32
    %broadcast_in_dim3A_107 = vector.broadcast %jit3A_106 : f32 to vector<1024x128xf32>
    %select_n3A_108 = arith.select %gt3A_105, %broadcast_in_dim3A_107, %select_n3A_102 : vector<1024x128xi1>, vector<1024x128xf32>
    %select_n3A_109 = arith.select %gt3A_105, %slice3A_104, %select_n3A_103 : vector<1024x128xi1>, vector<1024x128xf32>
    %slice3A_110 = vector.extract_strided_slice %select_n3A {offsets = [0, 2176], sizes = [1024, 128], strides = [1, 1]} : vector<1024x4096xf32> to vector<1024x128xf32>
    %gt3A_111 = arith.cmpf ogt, %slice3A_110, %select_n3A_109 : vector<1024x128xf32>
    %jit3A_112 = arith.constant 1.700000e+01 : f32
    %broadcast_in_dim3A_113 = vector.broadcast %jit3A_112 : f32 to vector<1024x128xf32>
    %select_n3A_114 = arith.select %gt3A_111, %broadcast_in_dim3A_113, %select_n3A_108 : vector<1024x128xi1>, vector<1024x128xf32>
    %select_n3A_115 = arith.select %gt3A_111, %slice3A_110, %select_n3A_109 : vector<1024x128xi1>, vector<1024x128xf32>
    %slice3A_116 = vector.extract_strided_slice %select_n3A {offsets = [0, 2304], sizes = [1024, 128], strides = [1, 1]} : vector<1024x4096xf32> to vector<1024x128xf32>
    %gt3A_117 = arith.cmpf ogt, %slice3A_116, %select_n3A_115 : vector<1024x128xf32>
    %jit3A_118 = arith.constant 1.800000e+01 : f32
    %broadcast_in_dim3A_119 = vector.broadcast %jit3A_118 : f32 to vector<1024x128xf32>
    %select_n3A_120 = arith.select %gt3A_117, %broadcast_in_dim3A_119, %select_n3A_114 : vector<1024x128xi1>, vector<1024x128xf32>
    %select_n3A_121 = arith.select %gt3A_117, %slice3A_116, %select_n3A_115 : vector<1024x128xi1>, vector<1024x128xf32>
    %slice3A_122 = vector.extract_strided_slice %select_n3A {offsets = [0, 2432], sizes = [1024, 128], strides = [1, 1]} : vector<1024x4096xf32> to vector<1024x128xf32>
    %gt3A_123 = arith.cmpf ogt, %slice3A_122, %select_n3A_121 : vector<1024x128xf32>
    %jit3A_124 = arith.constant 1.900000e+01 : f32
    %broadcast_in_dim3A_125 = vector.broadcast %jit3A_124 : f32 to vector<1024x128xf32>
    %select_n3A_126 = arith.select %gt3A_123, %broadcast_in_dim3A_125, %select_n3A_120 : vector<1024x128xi1>, vector<1024x128xf32>
    %select_n3A_127 = arith.select %gt3A_123, %slice3A_122, %select_n3A_121 : vector<1024x128xi1>, vector<1024x128xf32>
    %slice3A_128 = vector.extract_strided_slice %select_n3A {offsets = [0, 2560], sizes = [1024, 128], strides = [1, 1]} : vector<1024x4096xf32> to vector<1024x128xf32>
    %gt3A_129 = arith.cmpf ogt, %slice3A_128, %select_n3A_127 : vector<1024x128xf32>
    %jit3A_130 = arith.constant 2.000000e+01 : f32
    %broadcast_in_dim3A_131 = vector.broadcast %jit3A_130 : f32 to vector<1024x128xf32>
    %select_n3A_132 = arith.select %gt3A_129, %broadcast_in_dim3A_131, %select_n3A_126 : vector<1024x128xi1>, vector<1024x128xf32>
    %select_n3A_133 = arith.select %gt3A_129, %slice3A_128, %select_n3A_127 : vector<1024x128xi1>, vector<1024x128xf32>
    %slice3A_134 = vector.extract_strided_slice %select_n3A {offsets = [0, 2688], sizes = [1024, 128], strides = [1, 1]} : vector<1024x4096xf32> to vector<1024x128xf32>
    %gt3A_135 = arith.cmpf ogt, %slice3A_134, %select_n3A_133 : vector<1024x128xf32>
    %jit3A_136 = arith.constant 2.100000e+01 : f32
    %broadcast_in_dim3A_137 = vector.broadcast %jit3A_136 : f32 to vector<1024x128xf32>
    %select_n3A_138 = arith.select %gt3A_135, %broadcast_in_dim3A_137, %select_n3A_132 : vector<1024x128xi1>, vector<1024x128xf32>
    %select_n3A_139 = arith.select %gt3A_135, %slice3A_134, %select_n3A_133 : vector<1024x128xi1>, vector<1024x128xf32>
    %slice3A_140 = vector.extract_strided_slice %select_n3A {offsets = [0, 2816], sizes = [1024, 128], strides = [1, 1]} : vector<1024x4096xf32> to vector<1024x128xf32>
    %gt3A_141 = arith.cmpf ogt, %slice3A_140, %select_n3A_139 : vector<1024x128xf32>
    %jit3A_142 = arith.constant 2.200000e+01 : f32
    %broadcast_in_dim3A_143 = vector.broadcast %jit3A_142 : f32 to vector<1024x128xf32>
    %select_n3A_144 = arith.select %gt3A_141, %broadcast_in_dim3A_143, %select_n3A_138 : vector<1024x128xi1>, vector<1024x128xf32>
    %select_n3A_145 = arith.select %gt3A_141, %slice3A_140, %select_n3A_139 : vector<1024x128xi1>, vector<1024x128xf32>
    %slice3A_146 = vector.extract_strided_slice %select_n3A {offsets = [0, 2944], sizes = [1024, 128], strides = [1, 1]} : vector<1024x4096xf32> to vector<1024x128xf32>
    %gt3A_147 = arith.cmpf ogt, %slice3A_146, %select_n3A_145 : vector<1024x128xf32>
    %jit3A_148 = arith.constant 2.300000e+01 : f32
    %broadcast_in_dim3A_149 = vector.broadcast %jit3A_148 : f32 to vector<1024x128xf32>
    %select_n3A_150 = arith.select %gt3A_147, %broadcast_in_dim3A_149, %select_n3A_144 : vector<1024x128xi1>, vector<1024x128xf32>
    %select_n3A_151 = arith.select %gt3A_147, %slice3A_146, %select_n3A_145 : vector<1024x128xi1>, vector<1024x128xf32>
    %slice3A_152 = vector.extract_strided_slice %select_n3A {offsets = [0, 3072], sizes = [1024, 128], strides = [1, 1]} : vector<1024x4096xf32> to vector<1024x128xf32>
    %gt3A_153 = arith.cmpf ogt, %slice3A_152, %select_n3A_151 : vector<1024x128xf32>
    %jit3A_154 = arith.constant 2.400000e+01 : f32
    %broadcast_in_dim3A_155 = vector.broadcast %jit3A_154 : f32 to vector<1024x128xf32>
    %select_n3A_156 = arith.select %gt3A_153, %broadcast_in_dim3A_155, %select_n3A_150 : vector<1024x128xi1>, vector<1024x128xf32>
    %select_n3A_157 = arith.select %gt3A_153, %slice3A_152, %select_n3A_151 : vector<1024x128xi1>, vector<1024x128xf32>
    %slice3A_158 = vector.extract_strided_slice %select_n3A {offsets = [0, 3200], sizes = [1024, 128], strides = [1, 1]} : vector<1024x4096xf32> to vector<1024x128xf32>
    %gt3A_159 = arith.cmpf ogt, %slice3A_158, %select_n3A_157 : vector<1024x128xf32>
    %jit3A_160 = arith.constant 2.500000e+01 : f32
    %broadcast_in_dim3A_161 = vector.broadcast %jit3A_160 : f32 to vector<1024x128xf32>
    %select_n3A_162 = arith.select %gt3A_159, %broadcast_in_dim3A_161, %select_n3A_156 : vector<1024x128xi1>, vector<1024x128xf32>
    %select_n3A_163 = arith.select %gt3A_159, %slice3A_158, %select_n3A_157 : vector<1024x128xi1>, vector<1024x128xf32>
    %slice3A_164 = vector.extract_strided_slice %select_n3A {offsets = [0, 3328], sizes = [1024, 128], strides = [1, 1]} : vector<1024x4096xf32> to vector<1024x128xf32>
    %gt3A_165 = arith.cmpf ogt, %slice3A_164, %select_n3A_163 : vector<1024x128xf32>
    %jit3A_166 = arith.constant 2.600000e+01 : f32
    %broadcast_in_dim3A_167 = vector.broadcast %jit3A_166 : f32 to vector<1024x128xf32>
    %select_n3A_168 = arith.select %gt3A_165, %broadcast_in_dim3A_167, %select_n3A_162 : vector<1024x128xi1>, vector<1024x128xf32>
    %select_n3A_169 = arith.select %gt3A_165, %slice3A_164, %select_n3A_163 : vector<1024x128xi1>, vector<1024x128xf32>
    %slice3A_170 = vector.extract_strided_slice %select_n3A {offsets = [0, 3456], sizes = [1024, 128], strides = [1, 1]} : vector<1024x4096xf32> to vector<1024x128xf32>
    %gt3A_171 = arith.cmpf ogt, %slice3A_170, %select_n3A_169 : vector<1024x128xf32>
    %jit3A_172 = arith.constant 2.700000e+01 : f32
    %broadcast_in_dim3A_173 = vector.broadcast %jit3A_172 : f32 to vector<1024x128xf32>
    %select_n3A_174 = arith.select %gt3A_171, %broadcast_in_dim3A_173, %select_n3A_168 : vector<1024x128xi1>, vector<1024x128xf32>
    %select_n3A_175 = arith.select %gt3A_171, %slice3A_170, %select_n3A_169 : vector<1024x128xi1>, vector<1024x128xf32>
    %slice3A_176 = vector.extract_strided_slice %select_n3A {offsets = [0, 3584], sizes = [1024, 128], strides = [1, 1]} : vector<1024x4096xf32> to vector<1024x128xf32>
    %gt3A_177 = arith.cmpf ogt, %slice3A_176, %select_n3A_175 : vector<1024x128xf32>
    %jit3A_178 = arith.constant 2.800000e+01 : f32
    %broadcast_in_dim3A_179 = vector.broadcast %jit3A_178 : f32 to vector<1024x128xf32>
    %select_n3A_180 = arith.select %gt3A_177, %broadcast_in_dim3A_179, %select_n3A_174 : vector<1024x128xi1>, vector<1024x128xf32>
    %select_n3A_181 = arith.select %gt3A_177, %slice3A_176, %select_n3A_175 : vector<1024x128xi1>, vector<1024x128xf32>
    %slice3A_182 = vector.extract_strided_slice %select_n3A {offsets = [0, 3712], sizes = [1024, 128], strides = [1, 1]} : vector<1024x4096xf32> to vector<1024x128xf32>
    %gt3A_183 = arith.cmpf ogt, %slice3A_182, %select_n3A_181 : vector<1024x128xf32>
    %jit3A_184 = arith.constant 2.900000e+01 : f32
    %broadcast_in_dim3A_185 = vector.broadcast %jit3A_184 : f32 to vector<1024x128xf32>
    %select_n3A_186 = arith.select %gt3A_183, %broadcast_in_dim3A_185, %select_n3A_180 : vector<1024x128xi1>, vector<1024x128xf32>
    %select_n3A_187 = arith.select %gt3A_183, %slice3A_182, %select_n3A_181 : vector<1024x128xi1>, vector<1024x128xf32>
    %slice3A_188 = vector.extract_strided_slice %select_n3A {offsets = [0, 3840], sizes = [1024, 128], strides = [1, 1]} : vector<1024x4096xf32> to vector<1024x128xf32>
    %gt3A_189 = arith.cmpf ogt, %slice3A_188, %select_n3A_187 : vector<1024x128xf32>
    %jit3A_190 = arith.constant 3.000000e+01 : f32
    %broadcast_in_dim3A_191 = vector.broadcast %jit3A_190 : f32 to vector<1024x128xf32>
    %select_n3A_192 = arith.select %gt3A_189, %broadcast_in_dim3A_191, %select_n3A_186 : vector<1024x128xi1>, vector<1024x128xf32>
    %select_n3A_193 = arith.select %gt3A_189, %slice3A_188, %select_n3A_187 : vector<1024x128xi1>, vector<1024x128xf32>
    %slice3A_194 = vector.extract_strided_slice %select_n3A {offsets = [0, 3968], sizes = [1024, 128], strides = [1, 1]} : vector<1024x4096xf32> to vector<1024x128xf32>
    %gt3A_195 = arith.cmpf ogt, %slice3A_194, %select_n3A_193 : vector<1024x128xf32>
    %jit3A_196 = arith.constant 3.100000e+01 : f32
    %broadcast_in_dim3A_197 = vector.broadcast %jit3A_196 : f32 to vector<1024x128xf32>
    %select_n3A_198 = arith.select %gt3A_195, %broadcast_in_dim3A_197, %select_n3A_192 : vector<1024x128xi1>, vector<1024x128xf32>
    %select_n3A_199 = arith.select %gt3A_195, %slice3A_194, %select_n3A_193 : vector<1024x128xi1>, vector<1024x128xf32>
    %reduce_max3A = arith.constant dense<0xFF800000> : vector<1024xf32>
    %reduce_max3A_200 = vector.multi_reduction <maximumf>, %select_n3A_199, %reduce_max3A [1] : vector<1024x128xf32> to vector<1024xf32>
    %broadcast_in_dim3A_201 = vector.shape_cast %reduce_max3A_200 : vector<1024xf32> to vector<1024x1xf32>
    %mul3A = arith.constant 1.280000e+02 : f32
    %mul3A_202 = vector.broadcast %mul3A : f32 to vector<1024x128xf32>
    %mul3A_203 = arith.mulf %select_n3A_198, %mul3A_202 : vector<1024x128xf32>
    %add3A = arith.addf %mul3A_203, %slice3A : vector<1024x128xf32>
    %eq3A = vector.broadcast %broadcast_in_dim3A_201 : vector<1024x1xf32> to vector<1024x128xf32>
    %eq3A_204 = arith.cmpf oeq, %select_n3A_199, %eq3A : vector<1024x128xf32>
    %jit3A_205 = arith.constant 3.000000e+07 : f32
    %broadcast_in_dim3A_206 = vector.broadcast %jit3A_205 : f32 to vector<1024x128xf32>
    %select_n3A_207 = arith.select %eq3A_204, %add3A, %broadcast_in_dim3A_206 : vector<1024x128xi1>, vector<1024x128xf32>
    %reduce_min3A = arith.constant dense<0x7F800000> : vector<1024xf32>
    %reduce_min3A_208 = vector.multi_reduction <minimumf>, %select_n3A_207, %reduce_min3A [1] : vector<1024x128xf32> to vector<1024xf32>
    %broadcast_in_dim3A_209 = vector.shape_cast %reduce_min3A_208 : vector<1024xf32> to vector<1024x1xf32>
    %eq3A_210 = vector.broadcast %broadcast_in_dim3A_209 : vector<1024x1xf32> to vector<1024x4096xf32>
    %eq3A_211 = arith.cmpf oeq, %convert_element_type3A, %eq3A_210 : vector<1024x4096xf32>
    %jit3A_212 = arith.constant 0xFF800000 : f32
    %broadcast_in_dim3A_213 = vector.broadcast %jit3A_212 : f32 to vector<1024x4096xf32>
    %select_n3A_214 = arith.select %eq3A_211, %broadcast_in_dim3A_213, %select_n3A : vector<1024x4096xi1>, vector<1024x4096xf32>
    %slice3A_215 = vector.extract_strided_slice %select_n3A_214 {offsets = [0, 0], sizes = [1024, 128], strides = [1, 1]} : vector<1024x4096xf32> to vector<1024x128xf32>
    %broadcast_in_dim3A_216 = arith.constant 0.000000e+00 : f32
    %broadcast_in_dim3A_217 = vector.broadcast %broadcast_in_dim3A_216 : f32 to vector<1024x128xf32>
    %slice3A_218 = vector.extract_strided_slice %select_n3A_214 {offsets = [0, 128], sizes = [1024, 128], strides = [1, 1]} : vector<1024x4096xf32> to vector<1024x128xf32>
    %gt3A_219 = arith.cmpf ogt, %slice3A_218, %slice3A_215 : vector<1024x128xf32>
    %jit3A_220 = arith.constant 1.000000e+00 : f32
    %broadcast_in_dim3A_221 = vector.broadcast %jit3A_220 : f32 to vector<1024x128xf32>
    %select_n3A_222 = arith.select %gt3A_219, %broadcast_in_dim3A_221, %broadcast_in_dim3A_217 : vector<1024x128xi1>, vector<1024x128xf32>
    %select_n3A_223 = arith.select %gt3A_219, %slice3A_218, %slice3A_215 : vector<1024x128xi1>, vector<1024x128xf32>
    %slice3A_224 = vector.extract_strided_slice %select_n3A_214 {offsets = [0, 256], sizes = [1024, 128], strides = [1, 1]} : vector<1024x4096xf32> to vector<1024x128xf32>
    %gt3A_225 = arith.cmpf ogt, %slice3A_224, %select_n3A_223 : vector<1024x128xf32>
    %jit3A_226 = arith.constant 2.000000e+00 : f32
    %broadcast_in_dim3A_227 = vector.broadcast %jit3A_226 : f32 to vector<1024x128xf32>
    %select_n3A_228 = arith.select %gt3A_225, %broadcast_in_dim3A_227, %select_n3A_222 : vector<1024x128xi1>, vector<1024x128xf32>
    %select_n3A_229 = arith.select %gt3A_225, %slice3A_224, %select_n3A_223 : vector<1024x128xi1>, vector<1024x128xf32>
    %slice3A_230 = vector.extract_strided_slice %select_n3A_214 {offsets = [0, 384], sizes = [1024, 128], strides = [1, 1]} : vector<1024x4096xf32> to vector<1024x128xf32>
    %gt3A_231 = arith.cmpf ogt, %slice3A_230, %select_n3A_229 : vector<1024x128xf32>
    %jit3A_232 = arith.constant 3.000000e+00 : f32
    %broadcast_in_dim3A_233 = vector.broadcast %jit3A_232 : f32 to vector<1024x128xf32>
    %select_n3A_234 = arith.select %gt3A_231, %broadcast_in_dim3A_233, %select_n3A_228 : vector<1024x128xi1>, vector<1024x128xf32>
    %select_n3A_235 = arith.select %gt3A_231, %slice3A_230, %select_n3A_229 : vector<1024x128xi1>, vector<1024x128xf32>
    %slice3A_236 = vector.extract_strided_slice %select_n3A_214 {offsets = [0, 512], sizes = [1024, 128], strides = [1, 1]} : vector<1024x4096xf32> to vector<1024x128xf32>
    %gt3A_237 = arith.cmpf ogt, %slice3A_236, %select_n3A_235 : vector<1024x128xf32>
    %jit3A_238 = arith.constant 4.000000e+00 : f32
    %broadcast_in_dim3A_239 = vector.broadcast %jit3A_238 : f32 to vector<1024x128xf32>
    %select_n3A_240 = arith.select %gt3A_237, %broadcast_in_dim3A_239, %select_n3A_234 : vector<1024x128xi1>, vector<1024x128xf32>
    %select_n3A_241 = arith.select %gt3A_237, %slice3A_236, %select_n3A_235 : vector<1024x128xi1>, vector<1024x128xf32>
    %slice3A_242 = vector.extract_strided_slice %select_n3A_214 {offsets = [0, 640], sizes = [1024, 128], strides = [1, 1]} : vector<1024x4096xf32> to vector<1024x128xf32>
    %gt3A_243 = arith.cmpf ogt, %slice3A_242, %select_n3A_241 : vector<1024x128xf32>
    %jit3A_244 = arith.constant 5.000000e+00 : f32
    %broadcast_in_dim3A_245 = vector.broadcast %jit3A_244 : f32 to vector<1024x128xf32>
    %select_n3A_246 = arith.select %gt3A_243, %broadcast_in_dim3A_245, %select_n3A_240 : vector<1024x128xi1>, vector<1024x128xf32>
    %select_n3A_247 = arith.select %gt3A_243, %slice3A_242, %select_n3A_241 : vector<1024x128xi1>, vector<1024x128xf32>
    %slice3A_248 = vector.extract_strided_slice %select_n3A_214 {offsets = [0, 768], sizes = [1024, 128], strides = [1, 1]} : vector<1024x4096xf32> to vector<1024x128xf32>
    %gt3A_249 = arith.cmpf ogt, %slice3A_248, %select_n3A_247 : vector<1024x128xf32>
    %jit3A_250 = arith.constant 6.000000e+00 : f32
    %broadcast_in_dim3A_251 = vector.broadcast %jit3A_250 : f32 to vector<1024x128xf32>
    %select_n3A_252 = arith.select %gt3A_249, %broadcast_in_dim3A_251, %select_n3A_246 : vector<1024x128xi1>, vector<1024x128xf32>
    %select_n3A_253 = arith.select %gt3A_249, %slice3A_248, %select_n3A_247 : vector<1024x128xi1>, vector<1024x128xf32>
    %slice3A_254 = vector.extract_strided_slice %select_n3A_214 {offsets = [0, 896], sizes = [1024, 128], strides = [1, 1]} : vector<1024x4096xf32> to vector<1024x128xf32>
    %gt3A_255 = arith.cmpf ogt, %slice3A_254, %select_n3A_253 : vector<1024x128xf32>
    %jit3A_256 = arith.constant 7.000000e+00 : f32
    %broadcast_in_dim3A_257 = vector.broadcast %jit3A_256 : f32 to vector<1024x128xf32>
    %select_n3A_258 = arith.select %gt3A_255, %broadcast_in_dim3A_257, %select_n3A_252 : vector<1024x128xi1>, vector<1024x128xf32>
    %select_n3A_259 = arith.select %gt3A_255, %slice3A_254, %select_n3A_253 : vector<1024x128xi1>, vector<1024x128xf32>
    %slice3A_260 = vector.extract_strided_slice %select_n3A_214 {offsets = [0, 1024], sizes = [1024, 128], strides = [1, 1]} : vector<1024x4096xf32> to vector<1024x128xf32>
    %gt3A_261 = arith.cmpf ogt, %slice3A_260, %select_n3A_259 : vector<1024x128xf32>
    %jit3A_262 = arith.constant 8.000000e+00 : f32
    %broadcast_in_dim3A_263 = vector.broadcast %jit3A_262 : f32 to vector<1024x128xf32>
    %select_n3A_264 = arith.select %gt3A_261, %broadcast_in_dim3A_263, %select_n3A_258 : vector<1024x128xi1>, vector<1024x128xf32>
    %select_n3A_265 = arith.select %gt3A_261, %slice3A_260, %select_n3A_259 : vector<1024x128xi1>, vector<1024x128xf32>
    %slice3A_266 = vector.extract_strided_slice %select_n3A_214 {offsets = [0, 1152], sizes = [1024, 128], strides = [1, 1]} : vector<1024x4096xf32> to vector<1024x128xf32>
    %gt3A_267 = arith.cmpf ogt, %slice3A_266, %select_n3A_265 : vector<1024x128xf32>
    %jit3A_268 = arith.constant 9.000000e+00 : f32
    %broadcast_in_dim3A_269 = vector.broadcast %jit3A_268 : f32 to vector<1024x128xf32>
    %select_n3A_270 = arith.select %gt3A_267, %broadcast_in_dim3A_269, %select_n3A_264 : vector<1024x128xi1>, vector<1024x128xf32>
    %select_n3A_271 = arith.select %gt3A_267, %slice3A_266, %select_n3A_265 : vector<1024x128xi1>, vector<1024x128xf32>
    %slice3A_272 = vector.extract_strided_slice %select_n3A_214 {offsets = [0, 1280], sizes = [1024, 128], strides = [1, 1]} : vector<1024x4096xf32> to vector<1024x128xf32>
    %gt3A_273 = arith.cmpf ogt, %slice3A_272, %select_n3A_271 : vector<1024x128xf32>
    %jit3A_274 = arith.constant 1.000000e+01 : f32
    %broadcast_in_dim3A_275 = vector.broadcast %jit3A_274 : f32 to vector<1024x128xf32>
    %select_n3A_276 = arith.select %gt3A_273, %broadcast_in_dim3A_275, %select_n3A_270 : vector<1024x128xi1>, vector<1024x128xf32>
    %select_n3A_277 = arith.select %gt3A_273, %slice3A_272, %select_n3A_271 : vector<1024x128xi1>, vector<1024x128xf32>
    %slice3A_278 = vector.extract_strided_slice %select_n3A_214 {offsets = [0, 1408], sizes = [1024, 128], strides = [1, 1]} : vector<1024x4096xf32> to vector<1024x128xf32>
    %gt3A_279 = arith.cmpf ogt, %slice3A_278, %select_n3A_277 : vector<1024x128xf32>
    %jit3A_280 = arith.constant 1.100000e+01 : f32
    %broadcast_in_dim3A_281 = vector.broadcast %jit3A_280 : f32 to vector<1024x128xf32>
    %select_n3A_282 = arith.select %gt3A_279, %broadcast_in_dim3A_281, %select_n3A_276 : vector<1024x128xi1>, vector<1024x128xf32>
    %select_n3A_283 = arith.select %gt3A_279, %slice3A_278, %select_n3A_277 : vector<1024x128xi1>, vector<1024x128xf32>
    %slice3A_284 = vector.extract_strided_slice %select_n3A_214 {offsets = [0, 1536], sizes = [1024, 128], strides = [1, 1]} : vector<1024x4096xf32> to vector<1024x128xf32>
    %gt3A_285 = arith.cmpf ogt, %slice3A_284, %select_n3A_283 : vector<1024x128xf32>
    %jit3A_286 = arith.constant 1.200000e+01 : f32
    %broadcast_in_dim3A_287 = vector.broadcast %jit3A_286 : f32 to vector<1024x128xf32>
    %select_n3A_288 = arith.select %gt3A_285, %broadcast_in_dim3A_287, %select_n3A_282 : vector<1024x128xi1>, vector<1024x128xf32>
    %select_n3A_289 = arith.select %gt3A_285, %slice3A_284, %select_n3A_283 : vector<1024x128xi1>, vector<1024x128xf32>
    %slice3A_290 = vector.extract_strided_slice %select_n3A_214 {offsets = [0, 1664], sizes = [1024, 128], strides = [1, 1]} : vector<1024x4096xf32> to vector<1024x128xf32>
    %gt3A_291 = arith.cmpf ogt, %slice3A_290, %select_n3A_289 : vector<1024x128xf32>
    %jit3A_292 = arith.constant 1.300000e+01 : f32
    %broadcast_in_dim3A_293 = vector.broadcast %jit3A_292 : f32 to vector<1024x128xf32>
    %select_n3A_294 = arith.select %gt3A_291, %broadcast_in_dim3A_293, %select_n3A_288 : vector<1024x128xi1>, vector<1024x128xf32>
    %select_n3A_295 = arith.select %gt3A_291, %slice3A_290, %select_n3A_289 : vector<1024x128xi1>, vector<1024x128xf32>
    %slice3A_296 = vector.extract_strided_slice %select_n3A_214 {offsets = [0, 1792], sizes = [1024, 128], strides = [1, 1]} : vector<1024x4096xf32> to vector<1024x128xf32>
    %gt3A_297 = arith.cmpf ogt, %slice3A_296, %select_n3A_295 : vector<1024x128xf32>
    %jit3A_298 = arith.constant 1.400000e+01 : f32
    %broadcast_in_dim3A_299 = vector.broadcast %jit3A_298 : f32 to vector<1024x128xf32>
    %select_n3A_300 = arith.select %gt3A_297, %broadcast_in_dim3A_299, %select_n3A_294 : vector<1024x128xi1>, vector<1024x128xf32>
    %select_n3A_301 = arith.select %gt3A_297, %slice3A_296, %select_n3A_295 : vector<1024x128xi1>, vector<1024x128xf32>
    %slice3A_302 = vector.extract_strided_slice %select_n3A_214 {offsets = [0, 1920], sizes = [1024, 128], strides = [1, 1]} : vector<1024x4096xf32> to vector<1024x128xf32>
    %gt3A_303 = arith.cmpf ogt, %slice3A_302, %select_n3A_301 : vector<1024x128xf32>
    %jit3A_304 = arith.constant 1.500000e+01 : f32
    %broadcast_in_dim3A_305 = vector.broadcast %jit3A_304 : f32 to vector<1024x128xf32>
    %select_n3A_306 = arith.select %gt3A_303, %broadcast_in_dim3A_305, %select_n3A_300 : vector<1024x128xi1>, vector<1024x128xf32>
    %select_n3A_307 = arith.select %gt3A_303, %slice3A_302, %select_n3A_301 : vector<1024x128xi1>, vector<1024x128xf32>
    %slice3A_308 = vector.extract_strided_slice %select_n3A_214 {offsets = [0, 2048], sizes = [1024, 128], strides = [1, 1]} : vector<1024x4096xf32> to vector<1024x128xf32>
    %gt3A_309 = arith.cmpf ogt, %slice3A_308, %select_n3A_307 : vector<1024x128xf32>
    %jit3A_310 = arith.constant 1.600000e+01 : f32
    %broadcast_in_dim3A_311 = vector.broadcast %jit3A_310 : f32 to vector<1024x128xf32>
    %select_n3A_312 = arith.select %gt3A_309, %broadcast_in_dim3A_311, %select_n3A_306 : vector<1024x128xi1>, vector<1024x128xf32>
    %select_n3A_313 = arith.select %gt3A_309, %slice3A_308, %select_n3A_307 : vector<1024x128xi1>, vector<1024x128xf32>
    %slice3A_314 = vector.extract_strided_slice %select_n3A_214 {offsets = [0, 2176], sizes = [1024, 128], strides = [1, 1]} : vector<1024x4096xf32> to vector<1024x128xf32>
    %gt3A_315 = arith.cmpf ogt, %slice3A_314, %select_n3A_313 : vector<1024x128xf32>
    %jit3A_316 = arith.constant 1.700000e+01 : f32
    %broadcast_in_dim3A_317 = vector.broadcast %jit3A_316 : f32 to vector<1024x128xf32>
    %select_n3A_318 = arith.select %gt3A_315, %broadcast_in_dim3A_317, %select_n3A_312 : vector<1024x128xi1>, vector<1024x128xf32>
    %select_n3A_319 = arith.select %gt3A_315, %slice3A_314, %select_n3A_313 : vector<1024x128xi1>, vector<1024x128xf32>
    %slice3A_320 = vector.extract_strided_slice %select_n3A_214 {offsets = [0, 2304], sizes = [1024, 128], strides = [1, 1]} : vector<1024x4096xf32> to vector<1024x128xf32>
    %gt3A_321 = arith.cmpf ogt, %slice3A_320, %select_n3A_319 : vector<1024x128xf32>
    %jit3A_322 = arith.constant 1.800000e+01 : f32
    %broadcast_in_dim3A_323 = vector.broadcast %jit3A_322 : f32 to vector<1024x128xf32>
    %select_n3A_324 = arith.select %gt3A_321, %broadcast_in_dim3A_323, %select_n3A_318 : vector<1024x128xi1>, vector<1024x128xf32>
    %select_n3A_325 = arith.select %gt3A_321, %slice3A_320, %select_n3A_319 : vector<1024x128xi1>, vector<1024x128xf32>
    %slice3A_326 = vector.extract_strided_slice %select_n3A_214 {offsets = [0, 2432], sizes = [1024, 128], strides = [1, 1]} : vector<1024x4096xf32> to vector<1024x128xf32>
    %gt3A_327 = arith.cmpf ogt, %slice3A_326, %select_n3A_325 : vector<1024x128xf32>
    %jit3A_328 = arith.constant 1.900000e+01 : f32
    %broadcast_in_dim3A_329 = vector.broadcast %jit3A_328 : f32 to vector<1024x128xf32>
    %select_n3A_330 = arith.select %gt3A_327, %broadcast_in_dim3A_329, %select_n3A_324 : vector<1024x128xi1>, vector<1024x128xf32>
    %select_n3A_331 = arith.select %gt3A_327, %slice3A_326, %select_n3A_325 : vector<1024x128xi1>, vector<1024x128xf32>
    %slice3A_332 = vector.extract_strided_slice %select_n3A_214 {offsets = [0, 2560], sizes = [1024, 128], strides = [1, 1]} : vector<1024x4096xf32> to vector<1024x128xf32>
    %gt3A_333 = arith.cmpf ogt, %slice3A_332, %select_n3A_331 : vector<1024x128xf32>
    %jit3A_334 = arith.constant 2.000000e+01 : f32
    %broadcast_in_dim3A_335 = vector.broadcast %jit3A_334 : f32 to vector<1024x128xf32>
    %select_n3A_336 = arith.select %gt3A_333, %broadcast_in_dim3A_335, %select_n3A_330 : vector<1024x128xi1>, vector<1024x128xf32>
    %select_n3A_337 = arith.select %gt3A_333, %slice3A_332, %select_n3A_331 : vector<1024x128xi1>, vector<1024x128xf32>
    %slice3A_338 = vector.extract_strided_slice %select_n3A_214 {offsets = [0, 2688], sizes = [1024, 128], strides = [1, 1]} : vector<1024x4096xf32> to vector<1024x128xf32>
    %gt3A_339 = arith.cmpf ogt, %slice3A_338, %select_n3A_337 : vector<1024x128xf32>
    %jit3A_340 = arith.constant 2.100000e+01 : f32
    %broadcast_in_dim3A_341 = vector.broadcast %jit3A_340 : f32 to vector<1024x128xf32>
    %select_n3A_342 = arith.select %gt3A_339, %broadcast_in_dim3A_341, %select_n3A_336 : vector<1024x128xi1>, vector<1024x128xf32>
    %select_n3A_343 = arith.select %gt3A_339, %slice3A_338, %select_n3A_337 : vector<1024x128xi1>, vector<1024x128xf32>
    %slice3A_344 = vector.extract_strided_slice %select_n3A_214 {offsets = [0, 2816], sizes = [1024, 128], strides = [1, 1]} : vector<1024x4096xf32> to vector<1024x128xf32>
    %gt3A_345 = arith.cmpf ogt, %slice3A_344, %select_n3A_343 : vector<1024x128xf32>
    %jit3A_346 = arith.constant 2.200000e+01 : f32
    %broadcast_in_dim3A_347 = vector.broadcast %jit3A_346 : f32 to vector<1024x128xf32>
    %select_n3A_348 = arith.select %gt3A_345, %broadcast_in_dim3A_347, %select_n3A_342 : vector<1024x128xi1>, vector<1024x128xf32>
    %select_n3A_349 = arith.select %gt3A_345, %slice3A_344, %select_n3A_343 : vector<1024x128xi1>, vector<1024x128xf32>
    %slice3A_350 = vector.extract_strided_slice %select_n3A_214 {offsets = [0, 2944], sizes = [1024, 128], strides = [1, 1]} : vector<1024x4096xf32> to vector<1024x128xf32>
    %gt3A_351 = arith.cmpf ogt, %slice3A_350, %select_n3A_349 : vector<1024x128xf32>
    %jit3A_352 = arith.constant 2.300000e+01 : f32
    %broadcast_in_dim3A_353 = vector.broadcast %jit3A_352 : f32 to vector<1024x128xf32>
    %select_n3A_354 = arith.select %gt3A_351, %broadcast_in_dim3A_353, %select_n3A_348 : vector<1024x128xi1>, vector<1024x128xf32>
    %select_n3A_355 = arith.select %gt3A_351, %slice3A_350, %select_n3A_349 : vector<1024x128xi1>, vector<1024x128xf32>
    %slice3A_356 = vector.extract_strided_slice %select_n3A_214 {offsets = [0, 3072], sizes = [1024, 128], strides = [1, 1]} : vector<1024x4096xf32> to vector<1024x128xf32>
    %gt3A_357 = arith.cmpf ogt, %slice3A_356, %select_n3A_355 : vector<1024x128xf32>
    %jit3A_358 = arith.constant 2.400000e+01 : f32
    %broadcast_in_dim3A_359 = vector.broadcast %jit3A_358 : f32 to vector<1024x128xf32>
    %select_n3A_360 = arith.select %gt3A_357, %broadcast_in_dim3A_359, %select_n3A_354 : vector<1024x128xi1>, vector<1024x128xf32>
    %select_n3A_361 = arith.select %gt3A_357, %slice3A_356, %select_n3A_355 : vector<1024x128xi1>, vector<1024x128xf32>
    %slice3A_362 = vector.extract_strided_slice %select_n3A_214 {offsets = [0, 3200], sizes = [1024, 128], strides = [1, 1]} : vector<1024x4096xf32> to vector<1024x128xf32>
    %gt3A_363 = arith.cmpf ogt, %slice3A_362, %select_n3A_361 : vector<1024x128xf32>
    %jit3A_364 = arith.constant 2.500000e+01 : f32
    %broadcast_in_dim3A_365 = vector.broadcast %jit3A_364 : f32 to vector<1024x128xf32>
    %select_n3A_366 = arith.select %gt3A_363, %broadcast_in_dim3A_365, %select_n3A_360 : vector<1024x128xi1>, vector<1024x128xf32>
    %select_n3A_367 = arith.select %gt3A_363, %slice3A_362, %select_n3A_361 : vector<1024x128xi1>, vector<1024x128xf32>
    %slice3A_368 = vector.extract_strided_slice %select_n3A_214 {offsets = [0, 3328], sizes = [1024, 128], strides = [1, 1]} : vector<1024x4096xf32> to vector<1024x128xf32>
    %gt3A_369 = arith.cmpf ogt, %slice3A_368, %select_n3A_367 : vector<1024x128xf32>
    %jit3A_370 = arith.constant 2.600000e+01 : f32
    %broadcast_in_dim3A_371 = vector.broadcast %jit3A_370 : f32 to vector<1024x128xf32>
    %select_n3A_372 = arith.select %gt3A_369, %broadcast_in_dim3A_371, %select_n3A_366 : vector<1024x128xi1>, vector<1024x128xf32>
    %select_n3A_373 = arith.select %gt3A_369, %slice3A_368, %select_n3A_367 : vector<1024x128xi1>, vector<1024x128xf32>
    %slice3A_374 = vector.extract_strided_slice %select_n3A_214 {offsets = [0, 3456], sizes = [1024, 128], strides = [1, 1]} : vector<1024x4096xf32> to vector<1024x128xf32>
    %gt3A_375 = arith.cmpf ogt, %slice3A_374, %select_n3A_373 : vector<1024x128xf32>
    %jit3A_376 = arith.constant 2.700000e+01 : f32
    %broadcast_in_dim3A_377 = vector.broadcast %jit3A_376 : f32 to vector<1024x128xf32>
    %select_n3A_378 = arith.select %gt3A_375, %broadcast_in_dim3A_377, %select_n3A_372 : vector<1024x128xi1>, vector<1024x128xf32>
    %select_n3A_379 = arith.select %gt3A_375, %slice3A_374, %select_n3A_373 : vector<1024x128xi1>, vector<1024x128xf32>
    %slice3A_380 = vector.extract_strided_slice %select_n3A_214 {offsets = [0, 3584], sizes = [1024, 128], strides = [1, 1]} : vector<1024x4096xf32> to vector<1024x128xf32>
    %gt3A_381 = arith.cmpf ogt, %slice3A_380, %select_n3A_379 : vector<1024x128xf32>
    %jit3A_382 = arith.constant 2.800000e+01 : f32
    %broadcast_in_dim3A_383 = vector.broadcast %jit3A_382 : f32 to vector<1024x128xf32>
    %select_n3A_384 = arith.select %gt3A_381, %broadcast_in_dim3A_383, %select_n3A_378 : vector<1024x128xi1>, vector<1024x128xf32>
    %select_n3A_385 = arith.select %gt3A_381, %slice3A_380, %select_n3A_379 : vector<1024x128xi1>, vector<1024x128xf32>
    %slice3A_386 = vector.extract_strided_slice %select_n3A_214 {offsets = [0, 3712], sizes = [1024, 128], strides = [1, 1]} : vector<1024x4096xf32> to vector<1024x128xf32>
    %gt3A_387 = arith.cmpf ogt, %slice3A_386, %select_n3A_385 : vector<1024x128xf32>
    %jit3A_388 = arith.constant 2.900000e+01 : f32
    %broadcast_in_dim3A_389 = vector.broadcast %jit3A_388 : f32 to vector<1024x128xf32>
    %select_n3A_390 = arith.select %gt3A_387, %broadcast_in_dim3A_389, %select_n3A_384 : vector<1024x128xi1>, vector<1024x128xf32>
    %select_n3A_391 = arith.select %gt3A_387, %slice3A_386, %select_n3A_385 : vector<1024x128xi1>, vector<1024x128xf32>
    %slice3A_392 = vector.extract_strided_slice %select_n3A_214 {offsets = [0, 3840], sizes = [1024, 128], strides = [1, 1]} : vector<1024x4096xf32> to vector<1024x128xf32>
    %gt3A_393 = arith.cmpf ogt, %slice3A_392, %select_n3A_391 : vector<1024x128xf32>
    %jit3A_394 = arith.constant 3.000000e+01 : f32
    %broadcast_in_dim3A_395 = vector.broadcast %jit3A_394 : f32 to vector<1024x128xf32>
    %select_n3A_396 = arith.select %gt3A_393, %broadcast_in_dim3A_395, %select_n3A_390 : vector<1024x128xi1>, vector<1024x128xf32>
    %select_n3A_397 = arith.select %gt3A_393, %slice3A_392, %select_n3A_391 : vector<1024x128xi1>, vector<1024x128xf32>
    %slice3A_398 = vector.extract_strided_slice %select_n3A_214 {offsets = [0, 3968], sizes = [1024, 128], strides = [1, 1]} : vector<1024x4096xf32> to vector<1024x128xf32>
    %gt3A_399 = arith.cmpf ogt, %slice3A_398, %select_n3A_397 : vector<1024x128xf32>
    %jit3A_400 = arith.constant 3.100000e+01 : f32
    %broadcast_in_dim3A_401 = vector.broadcast %jit3A_400 : f32 to vector<1024x128xf32>
    %select_n3A_402 = arith.select %gt3A_399, %broadcast_in_dim3A_401, %select_n3A_396 : vector<1024x128xi1>, vector<1024x128xf32>
    %select_n3A_403 = arith.select %gt3A_399, %slice3A_398, %select_n3A_397 : vector<1024x128xi1>, vector<1024x128xf32>
    %reduce_max3A_404 = arith.constant dense<0xFF800000> : vector<1024xf32>
    %reduce_max3A_405 = vector.multi_reduction <maximumf>, %select_n3A_403, %reduce_max3A_404 [1] : vector<1024x128xf32> to vector<1024xf32>
    %broadcast_in_dim3A_406 = vector.shape_cast %reduce_max3A_405 : vector<1024xf32> to vector<1024x1xf32>
    %mul3A_407 = arith.constant 1.280000e+02 : f32
    %mul3A_408 = vector.broadcast %mul3A_407 : f32 to vector<1024x128xf32>
    %mul3A_409 = arith.mulf %select_n3A_402, %mul3A_408 : vector<1024x128xf32>
    %add3A_410 = arith.addf %mul3A_409, %slice3A : vector<1024x128xf32>
    %eq3A_411 = vector.broadcast %broadcast_in_dim3A_406 : vector<1024x1xf32> to vector<1024x128xf32>
    %eq3A_412 = arith.cmpf oeq, %select_n3A_403, %eq3A_411 : vector<1024x128xf32>
    %jit3A_413 = arith.constant 3.000000e+07 : f32
    %broadcast_in_dim3A_414 = vector.broadcast %jit3A_413 : f32 to vector<1024x128xf32>
    %select_n3A_415 = arith.select %eq3A_412, %add3A_410, %broadcast_in_dim3A_414 : vector<1024x128xi1>, vector<1024x128xf32>
    %reduce_min3A_416 = arith.constant dense<0x7F800000> : vector<1024xf32>
    %reduce_min3A_417 = vector.multi_reduction <minimumf>, %select_n3A_415, %reduce_min3A_416 [1] : vector<1024x128xf32> to vector<1024xf32>
    %broadcast_in_dim3A_418 = vector.shape_cast %reduce_min3A_417 : vector<1024xf32> to vector<1024x1xf32>
    %eq3A_419 = vector.broadcast %broadcast_in_dim3A_418 : vector<1024x1xf32> to vector<1024x4096xf32>
    %eq3A_420 = arith.cmpf oeq, %convert_element_type3A, %eq3A_419 : vector<1024x4096xf32>
    %jit3A_421 = arith.constant 0xFF800000 : f32
    %broadcast_in_dim3A_422 = vector.broadcast %jit3A_421 : f32 to vector<1024x4096xf32>
    %select_n3A_423 = arith.select %eq3A_420, %broadcast_in_dim3A_422, %select_n3A_214 : vector<1024x4096xi1>, vector<1024x4096xf32>
    %slice3A_424 = vector.extract_strided_slice %select_n3A_423 {offsets = [0, 0], sizes = [1024, 128], strides = [1, 1]} : vector<1024x4096xf32> to vector<1024x128xf32>
    %broadcast_in_dim3A_425 = arith.constant 0.000000e+00 : f32
    %broadcast_in_dim3A_426 = vector.broadcast %broadcast_in_dim3A_425 : f32 to vector<1024x128xf32>
    %slice3A_427 = vector.extract_strided_slice %select_n3A_423 {offsets = [0, 128], sizes = [1024, 128], strides = [1, 1]} : vector<1024x4096xf32> to vector<1024x128xf32>
    %gt3A_428 = arith.cmpf ogt, %slice3A_427, %slice3A_424 : vector<1024x128xf32>
    %jit3A_429 = arith.constant 1.000000e+00 : f32
    %broadcast_in_dim3A_430 = vector.broadcast %jit3A_429 : f32 to vector<1024x128xf32>
    %select_n3A_431 = arith.select %gt3A_428, %broadcast_in_dim3A_430, %broadcast_in_dim3A_426 : vector<1024x128xi1>, vector<1024x128xf32>
    %select_n3A_432 = arith.select %gt3A_428, %slice3A_427, %slice3A_424 : vector<1024x128xi1>, vector<1024x128xf32>
    %slice3A_433 = vector.extract_strided_slice %select_n3A_423 {offsets = [0, 256], sizes = [1024, 128], strides = [1, 1]} : vector<1024x4096xf32> to vector<1024x128xf32>
    %gt3A_434 = arith.cmpf ogt, %slice3A_433, %select_n3A_432 : vector<1024x128xf32>
    %jit3A_435 = arith.constant 2.000000e+00 : f32
    %broadcast_in_dim3A_436 = vector.broadcast %jit3A_435 : f32 to vector<1024x128xf32>
    %select_n3A_437 = arith.select %gt3A_434, %broadcast_in_dim3A_436, %select_n3A_431 : vector<1024x128xi1>, vector<1024x128xf32>
    %select_n3A_438 = arith.select %gt3A_434, %slice3A_433, %select_n3A_432 : vector<1024x128xi1>, vector<1024x128xf32>
    %slice3A_439 = vector.extract_strided_slice %select_n3A_423 {offsets = [0, 384], sizes = [1024, 128], strides = [1, 1]} : vector<1024x4096xf32> to vector<1024x128xf32>
    %gt3A_440 = arith.cmpf ogt, %slice3A_439, %select_n3A_438 : vector<1024x128xf32>
    %jit3A_441 = arith.constant 3.000000e+00 : f32
    %broadcast_in_dim3A_442 = vector.broadcast %jit3A_441 : f32 to vector<1024x128xf32>
    %select_n3A_443 = arith.select %gt3A_440, %broadcast_in_dim3A_442, %select_n3A_437 : vector<1024x128xi1>, vector<1024x128xf32>
    %select_n3A_444 = arith.select %gt3A_440, %slice3A_439, %select_n3A_438 : vector<1024x128xi1>, vector<1024x128xf32>
    %slice3A_445 = vector.extract_strided_slice %select_n3A_423 {offsets = [0, 512], sizes = [1024, 128], strides = [1, 1]} : vector<1024x4096xf32> to vector<1024x128xf32>
    %gt3A_446 = arith.cmpf ogt, %slice3A_445, %select_n3A_444 : vector<1024x128xf32>
    %jit3A_447 = arith.constant 4.000000e+00 : f32
    %broadcast_in_dim3A_448 = vector.broadcast %jit3A_447 : f32 to vector<1024x128xf32>
    %select_n3A_449 = arith.select %gt3A_446, %broadcast_in_dim3A_448, %select_n3A_443 : vector<1024x128xi1>, vector<1024x128xf32>
    %select_n3A_450 = arith.select %gt3A_446, %slice3A_445, %select_n3A_444 : vector<1024x128xi1>, vector<1024x128xf32>
    %slice3A_451 = vector.extract_strided_slice %select_n3A_423 {offsets = [0, 640], sizes = [1024, 128], strides = [1, 1]} : vector<1024x4096xf32> to vector<1024x128xf32>
    %gt3A_452 = arith.cmpf ogt, %slice3A_451, %select_n3A_450 : vector<1024x128xf32>
    %jit3A_453 = arith.constant 5.000000e+00 : f32
    %broadcast_in_dim3A_454 = vector.broadcast %jit3A_453 : f32 to vector<1024x128xf32>
    %select_n3A_455 = arith.select %gt3A_452, %broadcast_in_dim3A_454, %select_n3A_449 : vector<1024x128xi1>, vector<1024x128xf32>
    %select_n3A_456 = arith.select %gt3A_452, %slice3A_451, %select_n3A_450 : vector<1024x128xi1>, vector<1024x128xf32>
    %slice3A_457 = vector.extract_strided_slice %select_n3A_423 {offsets = [0, 768], sizes = [1024, 128], strides = [1, 1]} : vector<1024x4096xf32> to vector<1024x128xf32>
    %gt3A_458 = arith.cmpf ogt, %slice3A_457, %select_n3A_456 : vector<1024x128xf32>
    %jit3A_459 = arith.constant 6.000000e+00 : f32
    %broadcast_in_dim3A_460 = vector.broadcast %jit3A_459 : f32 to vector<1024x128xf32>
    %select_n3A_461 = arith.select %gt3A_458, %broadcast_in_dim3A_460, %select_n3A_455 : vector<1024x128xi1>, vector<1024x128xf32>
    %select_n3A_462 = arith.select %gt3A_458, %slice3A_457, %select_n3A_456 : vector<1024x128xi1>, vector<1024x128xf32>
    %slice3A_463 = vector.extract_strided_slice %select_n3A_423 {offsets = [0, 896], sizes = [1024, 128], strides = [1, 1]} : vector<1024x4096xf32> to vector<1024x128xf32>
    %gt3A_464 = arith.cmpf ogt, %slice3A_463, %select_n3A_462 : vector<1024x128xf32>
    %jit3A_465 = arith.constant 7.000000e+00 : f32
    %broadcast_in_dim3A_466 = vector.broadcast %jit3A_465 : f32 to vector<1024x128xf32>
    %select_n3A_467 = arith.select %gt3A_464, %broadcast_in_dim3A_466, %select_n3A_461 : vector<1024x128xi1>, vector<1024x128xf32>
    %select_n3A_468 = arith.select %gt3A_464, %slice3A_463, %select_n3A_462 : vector<1024x128xi1>, vector<1024x128xf32>
    %slice3A_469 = vector.extract_strided_slice %select_n3A_423 {offsets = [0, 1024], sizes = [1024, 128], strides = [1, 1]} : vector<1024x4096xf32> to vector<1024x128xf32>
    %gt3A_470 = arith.cmpf ogt, %slice3A_469, %select_n3A_468 : vector<1024x128xf32>
    %jit3A_471 = arith.constant 8.000000e+00 : f32
    %broadcast_in_dim3A_472 = vector.broadcast %jit3A_471 : f32 to vector<1024x128xf32>
    %select_n3A_473 = arith.select %gt3A_470, %broadcast_in_dim3A_472, %select_n3A_467 : vector<1024x128xi1>, vector<1024x128xf32>
    %select_n3A_474 = arith.select %gt3A_470, %slice3A_469, %select_n3A_468 : vector<1024x128xi1>, vector<1024x128xf32>
    %slice3A_475 = vector.extract_strided_slice %select_n3A_423 {offsets = [0, 1152], sizes = [1024, 128], strides = [1, 1]} : vector<1024x4096xf32> to vector<1024x128xf32>
    %gt3A_476 = arith.cmpf ogt, %slice3A_475, %select_n3A_474 : vector<1024x128xf32>
    %jit3A_477 = arith.constant 9.000000e+00 : f32
    %broadcast_in_dim3A_478 = vector.broadcast %jit3A_477 : f32 to vector<1024x128xf32>
    %select_n3A_479 = arith.select %gt3A_476, %broadcast_in_dim3A_478, %select_n3A_473 : vector<1024x128xi1>, vector<1024x128xf32>
    %select_n3A_480 = arith.select %gt3A_476, %slice3A_475, %select_n3A_474 : vector<1024x128xi1>, vector<1024x128xf32>
    %slice3A_481 = vector.extract_strided_slice %select_n3A_423 {offsets = [0, 1280], sizes = [1024, 128], strides = [1, 1]} : vector<1024x4096xf32> to vector<1024x128xf32>
    %gt3A_482 = arith.cmpf ogt, %slice3A_481, %select_n3A_480 : vector<1024x128xf32>
    %jit3A_483 = arith.constant 1.000000e+01 : f32
    %broadcast_in_dim3A_484 = vector.broadcast %jit3A_483 : f32 to vector<1024x128xf32>
    %select_n3A_485 = arith.select %gt3A_482, %broadcast_in_dim3A_484, %select_n3A_479 : vector<1024x128xi1>, vector<1024x128xf32>
    %select_n3A_486 = arith.select %gt3A_482, %slice3A_481, %select_n3A_480 : vector<1024x128xi1>, vector<1024x128xf32>
    %slice3A_487 = vector.extract_strided_slice %select_n3A_423 {offsets = [0, 1408], sizes = [1024, 128], strides = [1, 1]} : vector<1024x4096xf32> to vector<1024x128xf32>
    %gt3A_488 = arith.cmpf ogt, %slice3A_487, %select_n3A_486 : vector<1024x128xf32>
    %jit3A_489 = arith.constant 1.100000e+01 : f32
    %broadcast_in_dim3A_490 = vector.broadcast %jit3A_489 : f32 to vector<1024x128xf32>
    %select_n3A_491 = arith.select %gt3A_488, %broadcast_in_dim3A_490, %select_n3A_485 : vector<1024x128xi1>, vector<1024x128xf32>
    %select_n3A_492 = arith.select %gt3A_488, %slice3A_487, %select_n3A_486 : vector<1024x128xi1>, vector<1024x128xf32>
    %slice3A_493 = vector.extract_strided_slice %select_n3A_423 {offsets = [0, 1536], sizes = [1024, 128], strides = [1, 1]} : vector<1024x4096xf32> to vector<1024x128xf32>
    %gt3A_494 = arith.cmpf ogt, %slice3A_493, %select_n3A_492 : vector<1024x128xf32>
    %jit3A_495 = arith.constant 1.200000e+01 : f32
    %broadcast_in_dim3A_496 = vector.broadcast %jit3A_495 : f32 to vector<1024x128xf32>
    %select_n3A_497 = arith.select %gt3A_494, %broadcast_in_dim3A_496, %select_n3A_491 : vector<1024x128xi1>, vector<1024x128xf32>
    %select_n3A_498 = arith.select %gt3A_494, %slice3A_493, %select_n3A_492 : vector<1024x128xi1>, vector<1024x128xf32>
    %slice3A_499 = vector.extract_strided_slice %select_n3A_423 {offsets = [0, 1664], sizes = [1024, 128], strides = [1, 1]} : vector<1024x4096xf32> to vector<1024x128xf32>
    %gt3A_500 = arith.cmpf ogt, %slice3A_499, %select_n3A_498 : vector<1024x128xf32>
    %jit3A_501 = arith.constant 1.300000e+01 : f32
    %broadcast_in_dim3A_502 = vector.broadcast %jit3A_501 : f32 to vector<1024x128xf32>
    %select_n3A_503 = arith.select %gt3A_500, %broadcast_in_dim3A_502, %select_n3A_497 : vector<1024x128xi1>, vector<1024x128xf32>
    %select_n3A_504 = arith.select %gt3A_500, %slice3A_499, %select_n3A_498 : vector<1024x128xi1>, vector<1024x128xf32>
    %slice3A_505 = vector.extract_strided_slice %select_n3A_423 {offsets = [0, 1792], sizes = [1024, 128], strides = [1, 1]} : vector<1024x4096xf32> to vector<1024x128xf32>
    %gt3A_506 = arith.cmpf ogt, %slice3A_505, %select_n3A_504 : vector<1024x128xf32>
    %jit3A_507 = arith.constant 1.400000e+01 : f32
    %broadcast_in_dim3A_508 = vector.broadcast %jit3A_507 : f32 to vector<1024x128xf32>
    %select_n3A_509 = arith.select %gt3A_506, %broadcast_in_dim3A_508, %select_n3A_503 : vector<1024x128xi1>, vector<1024x128xf32>
    %select_n3A_510 = arith.select %gt3A_506, %slice3A_505, %select_n3A_504 : vector<1024x128xi1>, vector<1024x128xf32>
    %slice3A_511 = vector.extract_strided_slice %select_n3A_423 {offsets = [0, 1920], sizes = [1024, 128], strides = [1, 1]} : vector<1024x4096xf32> to vector<1024x128xf32>
    %gt3A_512 = arith.cmpf ogt, %slice3A_511, %select_n3A_510 : vector<1024x128xf32>
    %jit3A_513 = arith.constant 1.500000e+01 : f32
    %broadcast_in_dim3A_514 = vector.broadcast %jit3A_513 : f32 to vector<1024x128xf32>
    %select_n3A_515 = arith.select %gt3A_512, %broadcast_in_dim3A_514, %select_n3A_509 : vector<1024x128xi1>, vector<1024x128xf32>
    %select_n3A_516 = arith.select %gt3A_512, %slice3A_511, %select_n3A_510 : vector<1024x128xi1>, vector<1024x128xf32>
    %slice3A_517 = vector.extract_strided_slice %select_n3A_423 {offsets = [0, 2048], sizes = [1024, 128], strides = [1, 1]} : vector<1024x4096xf32> to vector<1024x128xf32>
    %gt3A_518 = arith.cmpf ogt, %slice3A_517, %select_n3A_516 : vector<1024x128xf32>
    %jit3A_519 = arith.constant 1.600000e+01 : f32
    %broadcast_in_dim3A_520 = vector.broadcast %jit3A_519 : f32 to vector<1024x128xf32>
    %select_n3A_521 = arith.select %gt3A_518, %broadcast_in_dim3A_520, %select_n3A_515 : vector<1024x128xi1>, vector<1024x128xf32>
    %select_n3A_522 = arith.select %gt3A_518, %slice3A_517, %select_n3A_516 : vector<1024x128xi1>, vector<1024x128xf32>
    %slice3A_523 = vector.extract_strided_slice %select_n3A_423 {offsets = [0, 2176], sizes = [1024, 128], strides = [1, 1]} : vector<1024x4096xf32> to vector<1024x128xf32>
    %gt3A_524 = arith.cmpf ogt, %slice3A_523, %select_n3A_522 : vector<1024x128xf32>
    %jit3A_525 = arith.constant 1.700000e+01 : f32
    %broadcast_in_dim3A_526 = vector.broadcast %jit3A_525 : f32 to vector<1024x128xf32>
    %select_n3A_527 = arith.select %gt3A_524, %broadcast_in_dim3A_526, %select_n3A_521 : vector<1024x128xi1>, vector<1024x128xf32>
    %select_n3A_528 = arith.select %gt3A_524, %slice3A_523, %select_n3A_522 : vector<1024x128xi1>, vector<1024x128xf32>
    %slice3A_529 = vector.extract_strided_slice %select_n3A_423 {offsets = [0, 2304], sizes = [1024, 128], strides = [1, 1]} : vector<1024x4096xf32> to vector<1024x128xf32>
    %gt3A_530 = arith.cmpf ogt, %slice3A_529, %select_n3A_528 : vector<1024x128xf32>
    %jit3A_531 = arith.constant 1.800000e+01 : f32
    %broadcast_in_dim3A_532 = vector.broadcast %jit3A_531 : f32 to vector<1024x128xf32>
    %select_n3A_533 = arith.select %gt3A_530, %broadcast_in_dim3A_532, %select_n3A_527 : vector<1024x128xi1>, vector<1024x128xf32>
    %select_n3A_534 = arith.select %gt3A_530, %slice3A_529, %select_n3A_528 : vector<1024x128xi1>, vector<1024x128xf32>
    %slice3A_535 = vector.extract_strided_slice %select_n3A_423 {offsets = [0, 2432], sizes = [1024, 128], strides = [1, 1]} : vector<1024x4096xf32> to vector<1024x128xf32>
    %gt3A_536 = arith.cmpf ogt, %slice3A_535, %select_n3A_534 : vector<1024x128xf32>
    %jit3A_537 = arith.constant 1.900000e+01 : f32
    %broadcast_in_dim3A_538 = vector.broadcast %jit3A_537 : f32 to vector<1024x128xf32>
    %select_n3A_539 = arith.select %gt3A_536, %broadcast_in_dim3A_538, %select_n3A_533 : vector<1024x128xi1>, vector<1024x128xf32>
    %select_n3A_540 = arith.select %gt3A_536, %slice3A_535, %select_n3A_534 : vector<1024x128xi1>, vector<1024x128xf32>
    %slice3A_541 = vector.extract_strided_slice %select_n3A_423 {offsets = [0, 2560], sizes = [1024, 128], strides = [1, 1]} : vector<1024x4096xf32> to vector<1024x128xf32>
    %gt3A_542 = arith.cmpf ogt, %slice3A_541, %select_n3A_540 : vector<1024x128xf32>
    %jit3A_543 = arith.constant 2.000000e+01 : f32
    %broadcast_in_dim3A_544 = vector.broadcast %jit3A_543 : f32 to vector<1024x128xf32>
    %select_n3A_545 = arith.select %gt3A_542, %broadcast_in_dim3A_544, %select_n3A_539 : vector<1024x128xi1>, vector<1024x128xf32>
    %select_n3A_546 = arith.select %gt3A_542, %slice3A_541, %select_n3A_540 : vector<1024x128xi1>, vector<1024x128xf32>
    %slice3A_547 = vector.extract_strided_slice %select_n3A_423 {offsets = [0, 2688], sizes = [1024, 128], strides = [1, 1]} : vector<1024x4096xf32> to vector<1024x128xf32>
    %gt3A_548 = arith.cmpf ogt, %slice3A_547, %select_n3A_546 : vector<1024x128xf32>
    %jit3A_549 = arith.constant 2.100000e+01 : f32
    %broadcast_in_dim3A_550 = vector.broadcast %jit3A_549 : f32 to vector<1024x128xf32>
    %select_n3A_551 = arith.select %gt3A_548, %broadcast_in_dim3A_550, %select_n3A_545 : vector<1024x128xi1>, vector<1024x128xf32>
    %select_n3A_552 = arith.select %gt3A_548, %slice3A_547, %select_n3A_546 : vector<1024x128xi1>, vector<1024x128xf32>
    %slice3A_553 = vector.extract_strided_slice %select_n3A_423 {offsets = [0, 2816], sizes = [1024, 128], strides = [1, 1]} : vector<1024x4096xf32> to vector<1024x128xf32>
    %gt3A_554 = arith.cmpf ogt, %slice3A_553, %select_n3A_552 : vector<1024x128xf32>
    %jit3A_555 = arith.constant 2.200000e+01 : f32
    %broadcast_in_dim3A_556 = vector.broadcast %jit3A_555 : f32 to vector<1024x128xf32>
    %select_n3A_557 = arith.select %gt3A_554, %broadcast_in_dim3A_556, %select_n3A_551 : vector<1024x128xi1>, vector<1024x128xf32>
    %select_n3A_558 = arith.select %gt3A_554, %slice3A_553, %select_n3A_552 : vector<1024x128xi1>, vector<1024x128xf32>
    %slice3A_559 = vector.extract_strided_slice %select_n3A_423 {offsets = [0, 2944], sizes = [1024, 128], strides = [1, 1]} : vector<1024x4096xf32> to vector<1024x128xf32>
    %gt3A_560 = arith.cmpf ogt, %slice3A_559, %select_n3A_558 : vector<1024x128xf32>
    %jit3A_561 = arith.constant 2.300000e+01 : f32
    %broadcast_in_dim3A_562 = vector.broadcast %jit3A_561 : f32 to vector<1024x128xf32>
    %select_n3A_563 = arith.select %gt3A_560, %broadcast_in_dim3A_562, %select_n3A_557 : vector<1024x128xi1>, vector<1024x128xf32>
    %select_n3A_564 = arith.select %gt3A_560, %slice3A_559, %select_n3A_558 : vector<1024x128xi1>, vector<1024x128xf32>
    %slice3A_565 = vector.extract_strided_slice %select_n3A_423 {offsets = [0, 3072], sizes = [1024, 128], strides = [1, 1]} : vector<1024x4096xf32> to vector<1024x128xf32>
    %gt3A_566 = arith.cmpf ogt, %slice3A_565, %select_n3A_564 : vector<1024x128xf32>
    %jit3A_567 = arith.constant 2.400000e+01 : f32
    %broadcast_in_dim3A_568 = vector.broadcast %jit3A_567 : f32 to vector<1024x128xf32>
    %select_n3A_569 = arith.select %gt3A_566, %broadcast_in_dim3A_568, %select_n3A_563 : vector<1024x128xi1>, vector<1024x128xf32>
    %select_n3A_570 = arith.select %gt3A_566, %slice3A_565, %select_n3A_564 : vector<1024x128xi1>, vector<1024x128xf32>
    %slice3A_571 = vector.extract_strided_slice %select_n3A_423 {offsets = [0, 3200], sizes = [1024, 128], strides = [1, 1]} : vector<1024x4096xf32> to vector<1024x128xf32>
    %gt3A_572 = arith.cmpf ogt, %slice3A_571, %select_n3A_570 : vector<1024x128xf32>
    %jit3A_573 = arith.constant 2.500000e+01 : f32
    %broadcast_in_dim3A_574 = vector.broadcast %jit3A_573 : f32 to vector<1024x128xf32>
    %select_n3A_575 = arith.select %gt3A_572, %broadcast_in_dim3A_574, %select_n3A_569 : vector<1024x128xi1>, vector<1024x128xf32>
    %select_n3A_576 = arith.select %gt3A_572, %slice3A_571, %select_n3A_570 : vector<1024x128xi1>, vector<1024x128xf32>
    %slice3A_577 = vector.extract_strided_slice %select_n3A_423 {offsets = [0, 3328], sizes = [1024, 128], strides = [1, 1]} : vector<1024x4096xf32> to vector<1024x128xf32>
    %gt3A_578 = arith.cmpf ogt, %slice3A_577, %select_n3A_576 : vector<1024x128xf32>
    %jit3A_579 = arith.constant 2.600000e+01 : f32
    %broadcast_in_dim3A_580 = vector.broadcast %jit3A_579 : f32 to vector<1024x128xf32>
    %select_n3A_581 = arith.select %gt3A_578, %broadcast_in_dim3A_580, %select_n3A_575 : vector<1024x128xi1>, vector<1024x128xf32>
    %select_n3A_582 = arith.select %gt3A_578, %slice3A_577, %select_n3A_576 : vector<1024x128xi1>, vector<1024x128xf32>
    %slice3A_583 = vector.extract_strided_slice %select_n3A_423 {offsets = [0, 3456], sizes = [1024, 128], strides = [1, 1]} : vector<1024x4096xf32> to vector<1024x128xf32>
    %gt3A_584 = arith.cmpf ogt, %slice3A_583, %select_n3A_582 : vector<1024x128xf32>
    %jit3A_585 = arith.constant 2.700000e+01 : f32
    %broadcast_in_dim3A_586 = vector.broadcast %jit3A_585 : f32 to vector<1024x128xf32>
    %select_n3A_587 = arith.select %gt3A_584, %broadcast_in_dim3A_586, %select_n3A_581 : vector<1024x128xi1>, vector<1024x128xf32>
    %select_n3A_588 = arith.select %gt3A_584, %slice3A_583, %select_n3A_582 : vector<1024x128xi1>, vector<1024x128xf32>
    %slice3A_589 = vector.extract_strided_slice %select_n3A_423 {offsets = [0, 3584], sizes = [1024, 128], strides = [1, 1]} : vector<1024x4096xf32> to vector<1024x128xf32>
    %gt3A_590 = arith.cmpf ogt, %slice3A_589, %select_n3A_588 : vector<1024x128xf32>
    %jit3A_591 = arith.constant 2.800000e+01 : f32
    %broadcast_in_dim3A_592 = vector.broadcast %jit3A_591 : f32 to vector<1024x128xf32>
    %select_n3A_593 = arith.select %gt3A_590, %broadcast_in_dim3A_592, %select_n3A_587 : vector<1024x128xi1>, vector<1024x128xf32>
    %select_n3A_594 = arith.select %gt3A_590, %slice3A_589, %select_n3A_588 : vector<1024x128xi1>, vector<1024x128xf32>
    %slice3A_595 = vector.extract_strided_slice %select_n3A_423 {offsets = [0, 3712], sizes = [1024, 128], strides = [1, 1]} : vector<1024x4096xf32> to vector<1024x128xf32>
    %gt3A_596 = arith.cmpf ogt, %slice3A_595, %select_n3A_594 : vector<1024x128xf32>
    %jit3A_597 = arith.constant 2.900000e+01 : f32
    %broadcast_in_dim3A_598 = vector.broadcast %jit3A_597 : f32 to vector<1024x128xf32>
    %select_n3A_599 = arith.select %gt3A_596, %broadcast_in_dim3A_598, %select_n3A_593 : vector<1024x128xi1>, vector<1024x128xf32>
    %select_n3A_600 = arith.select %gt3A_596, %slice3A_595, %select_n3A_594 : vector<1024x128xi1>, vector<1024x128xf32>
    %slice3A_601 = vector.extract_strided_slice %select_n3A_423 {offsets = [0, 3840], sizes = [1024, 128], strides = [1, 1]} : vector<1024x4096xf32> to vector<1024x128xf32>
    %gt3A_602 = arith.cmpf ogt, %slice3A_601, %select_n3A_600 : vector<1024x128xf32>
    %jit3A_603 = arith.constant 3.000000e+01 : f32
    %broadcast_in_dim3A_604 = vector.broadcast %jit3A_603 : f32 to vector<1024x128xf32>
    %select_n3A_605 = arith.select %gt3A_602, %broadcast_in_dim3A_604, %select_n3A_599 : vector<1024x128xi1>, vector<1024x128xf32>
    %select_n3A_606 = arith.select %gt3A_602, %slice3A_601, %select_n3A_600 : vector<1024x128xi1>, vector<1024x128xf32>
    %slice3A_607 = vector.extract_strided_slice %select_n3A_423 {offsets = [0, 3968], sizes = [1024, 128], strides = [1, 1]} : vector<1024x4096xf32> to vector<1024x128xf32>
    %gt3A_608 = arith.cmpf ogt, %slice3A_607, %select_n3A_606 : vector<1024x128xf32>
    %jit3A_609 = arith.constant 3.100000e+01 : f32
    %broadcast_in_dim3A_610 = vector.broadcast %jit3A_609 : f32 to vector<1024x128xf32>
    %select_n3A_611 = arith.select %gt3A_608, %broadcast_in_dim3A_610, %select_n3A_605 : vector<1024x128xi1>, vector<1024x128xf32>
    %select_n3A_612 = arith.select %gt3A_608, %slice3A_607, %select_n3A_606 : vector<1024x128xi1>, vector<1024x128xf32>
    %reduce_max3A_613 = arith.constant dense<0xFF800000> : vector<1024xf32>
    %reduce_max3A_614 = vector.multi_reduction <maximumf>, %select_n3A_612, %reduce_max3A_613 [1] : vector<1024x128xf32> to vector<1024xf32>
    %broadcast_in_dim3A_615 = vector.shape_cast %reduce_max3A_614 : vector<1024xf32> to vector<1024x1xf32>
    %mul3A_616 = arith.constant 1.280000e+02 : f32
    %mul3A_617 = vector.broadcast %mul3A_616 : f32 to vector<1024x128xf32>
    %mul3A_618 = arith.mulf %select_n3A_611, %mul3A_617 : vector<1024x128xf32>
    %add3A_619 = arith.addf %mul3A_618, %slice3A : vector<1024x128xf32>
    %eq3A_620 = vector.broadcast %broadcast_in_dim3A_615 : vector<1024x1xf32> to vector<1024x128xf32>
    %eq3A_621 = arith.cmpf oeq, %select_n3A_612, %eq3A_620 : vector<1024x128xf32>
    %jit3A_622 = arith.constant 3.000000e+07 : f32
    %broadcast_in_dim3A_623 = vector.broadcast %jit3A_622 : f32 to vector<1024x128xf32>
    %select_n3A_624 = arith.select %eq3A_621, %add3A_619, %broadcast_in_dim3A_623 : vector<1024x128xi1>, vector<1024x128xf32>
    %reduce_min3A_625 = arith.constant dense<0x7F800000> : vector<1024xf32>
    %reduce_min3A_626 = vector.multi_reduction <minimumf>, %select_n3A_624, %reduce_min3A_625 [1] : vector<1024x128xf32> to vector<1024xf32>
    %broadcast_in_dim3A_627 = vector.shape_cast %reduce_min3A_626 : vector<1024xf32> to vector<1024x1xf32>
    %eq3A_628 = vector.broadcast %broadcast_in_dim3A_627 : vector<1024x1xf32> to vector<1024x4096xf32>
    %eq3A_629 = arith.cmpf oeq, %convert_element_type3A, %eq3A_628 : vector<1024x4096xf32>
    %jit3A_630 = arith.constant 0xFF800000 : f32
    %broadcast_in_dim3A_631 = vector.broadcast %jit3A_630 : f32 to vector<1024x4096xf32>
    %select_n3A_632 = arith.select %eq3A_629, %broadcast_in_dim3A_631, %select_n3A_423 : vector<1024x4096xi1>, vector<1024x4096xf32>
    %slice3A_633 = vector.extract_strided_slice %select_n3A_632 {offsets = [0, 0], sizes = [1024, 128], strides = [1, 1]} : vector<1024x4096xf32> to vector<1024x128xf32>
    %broadcast_in_dim3A_634 = arith.constant 0.000000e+00 : f32
    %broadcast_in_dim3A_635 = vector.broadcast %broadcast_in_dim3A_634 : f32 to vector<1024x128xf32>
    %slice3A_636 = vector.extract_strided_slice %select_n3A_632 {offsets = [0, 128], sizes = [1024, 128], strides = [1, 1]} : vector<1024x4096xf32> to vector<1024x128xf32>
    %gt3A_637 = arith.cmpf ogt, %slice3A_636, %slice3A_633 : vector<1024x128xf32>
    %jit3A_638 = arith.constant 1.000000e+00 : f32
    %broadcast_in_dim3A_639 = vector.broadcast %jit3A_638 : f32 to vector<1024x128xf32>
    %select_n3A_640 = arith.select %gt3A_637, %broadcast_in_dim3A_639, %broadcast_in_dim3A_635 : vector<1024x128xi1>, vector<1024x128xf32>
    %select_n3A_641 = arith.select %gt3A_637, %slice3A_636, %slice3A_633 : vector<1024x128xi1>, vector<1024x128xf32>
    %slice3A_642 = vector.extract_strided_slice %select_n3A_632 {offsets = [0, 256], sizes = [1024, 128], strides = [1, 1]} : vector<1024x4096xf32> to vector<1024x128xf32>
    %gt3A_643 = arith.cmpf ogt, %slice3A_642, %select_n3A_641 : vector<1024x128xf32>
    %jit3A_644 = arith.constant 2.000000e+00 : f32
    %broadcast_in_dim3A_645 = vector.broadcast %jit3A_644 : f32 to vector<1024x128xf32>
    %select_n3A_646 = arith.select %gt3A_643, %broadcast_in_dim3A_645, %select_n3A_640 : vector<1024x128xi1>, vector<1024x128xf32>
    %select_n3A_647 = arith.select %gt3A_643, %slice3A_642, %select_n3A_641 : vector<1024x128xi1>, vector<1024x128xf32>
    %slice3A_648 = vector.extract_strided_slice %select_n3A_632 {offsets = [0, 384], sizes = [1024, 128], strides = [1, 1]} : vector<1024x4096xf32> to vector<1024x128xf32>
    %gt3A_649 = arith.cmpf ogt, %slice3A_648, %select_n3A_647 : vector<1024x128xf32>
    %jit3A_650 = arith.constant 3.000000e+00 : f32
    %broadcast_in_dim3A_651 = vector.broadcast %jit3A_650 : f32 to vector<1024x128xf32>
    %select_n3A_652 = arith.select %gt3A_649, %broadcast_in_dim3A_651, %select_n3A_646 : vector<1024x128xi1>, vector<1024x128xf32>
    %select_n3A_653 = arith.select %gt3A_649, %slice3A_648, %select_n3A_647 : vector<1024x128xi1>, vector<1024x128xf32>
    %slice3A_654 = vector.extract_strided_slice %select_n3A_632 {offsets = [0, 512], sizes = [1024, 128], strides = [1, 1]} : vector<1024x4096xf32> to vector<1024x128xf32>
    %gt3A_655 = arith.cmpf ogt, %slice3A_654, %select_n3A_653 : vector<1024x128xf32>
    %jit3A_656 = arith.constant 4.000000e+00 : f32
    %broadcast_in_dim3A_657 = vector.broadcast %jit3A_656 : f32 to vector<1024x128xf32>
    %select_n3A_658 = arith.select %gt3A_655, %broadcast_in_dim3A_657, %select_n3A_652 : vector<1024x128xi1>, vector<1024x128xf32>
    %select_n3A_659 = arith.select %gt3A_655, %slice3A_654, %select_n3A_653 : vector<1024x128xi1>, vector<1024x128xf32>
    %slice3A_660 = vector.extract_strided_slice %select_n3A_632 {offsets = [0, 640], sizes = [1024, 128], strides = [1, 1]} : vector<1024x4096xf32> to vector<1024x128xf32>
    %gt3A_661 = arith.cmpf ogt, %slice3A_660, %select_n3A_659 : vector<1024x128xf32>
    %jit3A_662 = arith.constant 5.000000e+00 : f32
    %broadcast_in_dim3A_663 = vector.broadcast %jit3A_662 : f32 to vector<1024x128xf32>
    %select_n3A_664 = arith.select %gt3A_661, %broadcast_in_dim3A_663, %select_n3A_658 : vector<1024x128xi1>, vector<1024x128xf32>
    %select_n3A_665 = arith.select %gt3A_661, %slice3A_660, %select_n3A_659 : vector<1024x128xi1>, vector<1024x128xf32>
    %slice3A_666 = vector.extract_strided_slice %select_n3A_632 {offsets = [0, 768], sizes = [1024, 128], strides = [1, 1]} : vector<1024x4096xf32> to vector<1024x128xf32>
    %gt3A_667 = arith.cmpf ogt, %slice3A_666, %select_n3A_665 : vector<1024x128xf32>
    %jit3A_668 = arith.constant 6.000000e+00 : f32
    %broadcast_in_dim3A_669 = vector.broadcast %jit3A_668 : f32 to vector<1024x128xf32>
    %select_n3A_670 = arith.select %gt3A_667, %broadcast_in_dim3A_669, %select_n3A_664 : vector<1024x128xi1>, vector<1024x128xf32>
    %select_n3A_671 = arith.select %gt3A_667, %slice3A_666, %select_n3A_665 : vector<1024x128xi1>, vector<1024x128xf32>
    %slice3A_672 = vector.extract_strided_slice %select_n3A_632 {offsets = [0, 896], sizes = [1024, 128], strides = [1, 1]} : vector<1024x4096xf32> to vector<1024x128xf32>
    %gt3A_673 = arith.cmpf ogt, %slice3A_672, %select_n3A_671 : vector<1024x128xf32>
    %jit3A_674 = arith.constant 7.000000e+00 : f32
    %broadcast_in_dim3A_675 = vector.broadcast %jit3A_674 : f32 to vector<1024x128xf32>
    %select_n3A_676 = arith.select %gt3A_673, %broadcast_in_dim3A_675, %select_n3A_670 : vector<1024x128xi1>, vector<1024x128xf32>
    %select_n3A_677 = arith.select %gt3A_673, %slice3A_672, %select_n3A_671 : vector<1024x128xi1>, vector<1024x128xf32>
    %slice3A_678 = vector.extract_strided_slice %select_n3A_632 {offsets = [0, 1024], sizes = [1024, 128], strides = [1, 1]} : vector<1024x4096xf32> to vector<1024x128xf32>
    %gt3A_679 = arith.cmpf ogt, %slice3A_678, %select_n3A_677 : vector<1024x128xf32>
    %jit3A_680 = arith.constant 8.000000e+00 : f32
    %broadcast_in_dim3A_681 = vector.broadcast %jit3A_680 : f32 to vector<1024x128xf32>
    %select_n3A_682 = arith.select %gt3A_679, %broadcast_in_dim3A_681, %select_n3A_676 : vector<1024x128xi1>, vector<1024x128xf32>
    %select_n3A_683 = arith.select %gt3A_679, %slice3A_678, %select_n3A_677 : vector<1024x128xi1>, vector<1024x128xf32>
    %slice3A_684 = vector.extract_strided_slice %select_n3A_632 {offsets = [0, 1152], sizes = [1024, 128], strides = [1, 1]} : vector<1024x4096xf32> to vector<1024x128xf32>
    %gt3A_685 = arith.cmpf ogt, %slice3A_684, %select_n3A_683 : vector<1024x128xf32>
    %jit3A_686 = arith.constant 9.000000e+00 : f32
    %broadcast_in_dim3A_687 = vector.broadcast %jit3A_686 : f32 to vector<1024x128xf32>
    %select_n3A_688 = arith.select %gt3A_685, %broadcast_in_dim3A_687, %select_n3A_682 : vector<1024x128xi1>, vector<1024x128xf32>
    %select_n3A_689 = arith.select %gt3A_685, %slice3A_684, %select_n3A_683 : vector<1024x128xi1>, vector<1024x128xf32>
    %slice3A_690 = vector.extract_strided_slice %select_n3A_632 {offsets = [0, 1280], sizes = [1024, 128], strides = [1, 1]} : vector<1024x4096xf32> to vector<1024x128xf32>
    %gt3A_691 = arith.cmpf ogt, %slice3A_690, %select_n3A_689 : vector<1024x128xf32>
    %jit3A_692 = arith.constant 1.000000e+01 : f32
    %broadcast_in_dim3A_693 = vector.broadcast %jit3A_692 : f32 to vector<1024x128xf32>
    %select_n3A_694 = arith.select %gt3A_691, %broadcast_in_dim3A_693, %select_n3A_688 : vector<1024x128xi1>, vector<1024x128xf32>
    %select_n3A_695 = arith.select %gt3A_691, %slice3A_690, %select_n3A_689 : vector<1024x128xi1>, vector<1024x128xf32>
    %slice3A_696 = vector.extract_strided_slice %select_n3A_632 {offsets = [0, 1408], sizes = [1024, 128], strides = [1, 1]} : vector<1024x4096xf32> to vector<1024x128xf32>
    %gt3A_697 = arith.cmpf ogt, %slice3A_696, %select_n3A_695 : vector<1024x128xf32>
    %jit3A_698 = arith.constant 1.100000e+01 : f32
    %broadcast_in_dim3A_699 = vector.broadcast %jit3A_698 : f32 to vector<1024x128xf32>
    %select_n3A_700 = arith.select %gt3A_697, %broadcast_in_dim3A_699, %select_n3A_694 : vector<1024x128xi1>, vector<1024x128xf32>
    %select_n3A_701 = arith.select %gt3A_697, %slice3A_696, %select_n3A_695 : vector<1024x128xi1>, vector<1024x128xf32>
    %slice3A_702 = vector.extract_strided_slice %select_n3A_632 {offsets = [0, 1536], sizes = [1024, 128], strides = [1, 1]} : vector<1024x4096xf32> to vector<1024x128xf32>
    %gt3A_703 = arith.cmpf ogt, %slice3A_702, %select_n3A_701 : vector<1024x128xf32>
    %jit3A_704 = arith.constant 1.200000e+01 : f32
    %broadcast_in_dim3A_705 = vector.broadcast %jit3A_704 : f32 to vector<1024x128xf32>
    %select_n3A_706 = arith.select %gt3A_703, %broadcast_in_dim3A_705, %select_n3A_700 : vector<1024x128xi1>, vector<1024x128xf32>
    %select_n3A_707 = arith.select %gt3A_703, %slice3A_702, %select_n3A_701 : vector<1024x128xi1>, vector<1024x128xf32>
    %slice3A_708 = vector.extract_strided_slice %select_n3A_632 {offsets = [0, 1664], sizes = [1024, 128], strides = [1, 1]} : vector<1024x4096xf32> to vector<1024x128xf32>
    %gt3A_709 = arith.cmpf ogt, %slice3A_708, %select_n3A_707 : vector<1024x128xf32>
    %jit3A_710 = arith.constant 1.300000e+01 : f32
    %broadcast_in_dim3A_711 = vector.broadcast %jit3A_710 : f32 to vector<1024x128xf32>
    %select_n3A_712 = arith.select %gt3A_709, %broadcast_in_dim3A_711, %select_n3A_706 : vector<1024x128xi1>, vector<1024x128xf32>
    %select_n3A_713 = arith.select %gt3A_709, %slice3A_708, %select_n3A_707 : vector<1024x128xi1>, vector<1024x128xf32>
    %slice3A_714 = vector.extract_strided_slice %select_n3A_632 {offsets = [0, 1792], sizes = [1024, 128], strides = [1, 1]} : vector<1024x4096xf32> to vector<1024x128xf32>
    %gt3A_715 = arith.cmpf ogt, %slice3A_714, %select_n3A_713 : vector<1024x128xf32>
    %jit3A_716 = arith.constant 1.400000e+01 : f32
    %broadcast_in_dim3A_717 = vector.broadcast %jit3A_716 : f32 to vector<1024x128xf32>
    %select_n3A_718 = arith.select %gt3A_715, %broadcast_in_dim3A_717, %select_n3A_712 : vector<1024x128xi1>, vector<1024x128xf32>
    %select_n3A_719 = arith.select %gt3A_715, %slice3A_714, %select_n3A_713 : vector<1024x128xi1>, vector<1024x128xf32>
    %slice3A_720 = vector.extract_strided_slice %select_n3A_632 {offsets = [0, 1920], sizes = [1024, 128], strides = [1, 1]} : vector<1024x4096xf32> to vector<1024x128xf32>
    %gt3A_721 = arith.cmpf ogt, %slice3A_720, %select_n3A_719 : vector<1024x128xf32>
    %jit3A_722 = arith.constant 1.500000e+01 : f32
    %broadcast_in_dim3A_723 = vector.broadcast %jit3A_722 : f32 to vector<1024x128xf32>
    %select_n3A_724 = arith.select %gt3A_721, %broadcast_in_dim3A_723, %select_n3A_718 : vector<1024x128xi1>, vector<1024x128xf32>
    %select_n3A_725 = arith.select %gt3A_721, %slice3A_720, %select_n3A_719 : vector<1024x128xi1>, vector<1024x128xf32>
    %slice3A_726 = vector.extract_strided_slice %select_n3A_632 {offsets = [0, 2048], sizes = [1024, 128], strides = [1, 1]} : vector<1024x4096xf32> to vector<1024x128xf32>
    %gt3A_727 = arith.cmpf ogt, %slice3A_726, %select_n3A_725 : vector<1024x128xf32>
    %jit3A_728 = arith.constant 1.600000e+01 : f32
    %broadcast_in_dim3A_729 = vector.broadcast %jit3A_728 : f32 to vector<1024x128xf32>
    %select_n3A_730 = arith.select %gt3A_727, %broadcast_in_dim3A_729, %select_n3A_724 : vector<1024x128xi1>, vector<1024x128xf32>
    %select_n3A_731 = arith.select %gt3A_727, %slice3A_726, %select_n3A_725 : vector<1024x128xi1>, vector<1024x128xf32>
    %slice3A_732 = vector.extract_strided_slice %select_n3A_632 {offsets = [0, 2176], sizes = [1024, 128], strides = [1, 1]} : vector<1024x4096xf32> to vector<1024x128xf32>
    %gt3A_733 = arith.cmpf ogt, %slice3A_732, %select_n3A_731 : vector<1024x128xf32>
    %jit3A_734 = arith.constant 1.700000e+01 : f32
    %broadcast_in_dim3A_735 = vector.broadcast %jit3A_734 : f32 to vector<1024x128xf32>
    %select_n3A_736 = arith.select %gt3A_733, %broadcast_in_dim3A_735, %select_n3A_730 : vector<1024x128xi1>, vector<1024x128xf32>
    %select_n3A_737 = arith.select %gt3A_733, %slice3A_732, %select_n3A_731 : vector<1024x128xi1>, vector<1024x128xf32>
    %slice3A_738 = vector.extract_strided_slice %select_n3A_632 {offsets = [0, 2304], sizes = [1024, 128], strides = [1, 1]} : vector<1024x4096xf32> to vector<1024x128xf32>
    %gt3A_739 = arith.cmpf ogt, %slice3A_738, %select_n3A_737 : vector<1024x128xf32>
    %jit3A_740 = arith.constant 1.800000e+01 : f32
    %broadcast_in_dim3A_741 = vector.broadcast %jit3A_740 : f32 to vector<1024x128xf32>
    %select_n3A_742 = arith.select %gt3A_739, %broadcast_in_dim3A_741, %select_n3A_736 : vector<1024x128xi1>, vector<1024x128xf32>
    %select_n3A_743 = arith.select %gt3A_739, %slice3A_738, %select_n3A_737 : vector<1024x128xi1>, vector<1024x128xf32>
    %slice3A_744 = vector.extract_strided_slice %select_n3A_632 {offsets = [0, 2432], sizes = [1024, 128], strides = [1, 1]} : vector<1024x4096xf32> to vector<1024x128xf32>
    %gt3A_745 = arith.cmpf ogt, %slice3A_744, %select_n3A_743 : vector<1024x128xf32>
    %jit3A_746 = arith.constant 1.900000e+01 : f32
    %broadcast_in_dim3A_747 = vector.broadcast %jit3A_746 : f32 to vector<1024x128xf32>
    %select_n3A_748 = arith.select %gt3A_745, %broadcast_in_dim3A_747, %select_n3A_742 : vector<1024x128xi1>, vector<1024x128xf32>
    %select_n3A_749 = arith.select %gt3A_745, %slice3A_744, %select_n3A_743 : vector<1024x128xi1>, vector<1024x128xf32>
    %slice3A_750 = vector.extract_strided_slice %select_n3A_632 {offsets = [0, 2560], sizes = [1024, 128], strides = [1, 1]} : vector<1024x4096xf32> to vector<1024x128xf32>
    %gt3A_751 = arith.cmpf ogt, %slice3A_750, %select_n3A_749 : vector<1024x128xf32>
    %jit3A_752 = arith.constant 2.000000e+01 : f32
    %broadcast_in_dim3A_753 = vector.broadcast %jit3A_752 : f32 to vector<1024x128xf32>
    %select_n3A_754 = arith.select %gt3A_751, %broadcast_in_dim3A_753, %select_n3A_748 : vector<1024x128xi1>, vector<1024x128xf32>
    %select_n3A_755 = arith.select %gt3A_751, %slice3A_750, %select_n3A_749 : vector<1024x128xi1>, vector<1024x128xf32>
    %slice3A_756 = vector.extract_strided_slice %select_n3A_632 {offsets = [0, 2688], sizes = [1024, 128], strides = [1, 1]} : vector<1024x4096xf32> to vector<1024x128xf32>
    %gt3A_757 = arith.cmpf ogt, %slice3A_756, %select_n3A_755 : vector<1024x128xf32>
    %jit3A_758 = arith.constant 2.100000e+01 : f32
    %broadcast_in_dim3A_759 = vector.broadcast %jit3A_758 : f32 to vector<1024x128xf32>
    %select_n3A_760 = arith.select %gt3A_757, %broadcast_in_dim3A_759, %select_n3A_754 : vector<1024x128xi1>, vector<1024x128xf32>
    %select_n3A_761 = arith.select %gt3A_757, %slice3A_756, %select_n3A_755 : vector<1024x128xi1>, vector<1024x128xf32>
    %slice3A_762 = vector.extract_strided_slice %select_n3A_632 {offsets = [0, 2816], sizes = [1024, 128], strides = [1, 1]} : vector<1024x4096xf32> to vector<1024x128xf32>
    %gt3A_763 = arith.cmpf ogt, %slice3A_762, %select_n3A_761 : vector<1024x128xf32>
    %jit3A_764 = arith.constant 2.200000e+01 : f32
    %broadcast_in_dim3A_765 = vector.broadcast %jit3A_764 : f32 to vector<1024x128xf32>
    %select_n3A_766 = arith.select %gt3A_763, %broadcast_in_dim3A_765, %select_n3A_760 : vector<1024x128xi1>, vector<1024x128xf32>
    %select_n3A_767 = arith.select %gt3A_763, %slice3A_762, %select_n3A_761 : vector<1024x128xi1>, vector<1024x128xf32>
    %slice3A_768 = vector.extract_strided_slice %select_n3A_632 {offsets = [0, 2944], sizes = [1024, 128], strides = [1, 1]} : vector<1024x4096xf32> to vector<1024x128xf32>
    %gt3A_769 = arith.cmpf ogt, %slice3A_768, %select_n3A_767 : vector<1024x128xf32>
    %jit3A_770 = arith.constant 2.300000e+01 : f32
    %broadcast_in_dim3A_771 = vector.broadcast %jit3A_770 : f32 to vector<1024x128xf32>
    %select_n3A_772 = arith.select %gt3A_769, %broadcast_in_dim3A_771, %select_n3A_766 : vector<1024x128xi1>, vector<1024x128xf32>
    %select_n3A_773 = arith.select %gt3A_769, %slice3A_768, %select_n3A_767 : vector<1024x128xi1>, vector<1024x128xf32>
    %slice3A_774 = vector.extract_strided_slice %select_n3A_632 {offsets = [0, 3072], sizes = [1024, 128], strides = [1, 1]} : vector<1024x4096xf32> to vector<1024x128xf32>
    %gt3A_775 = arith.cmpf ogt, %slice3A_774, %select_n3A_773 : vector<1024x128xf32>
    %jit3A_776 = arith.constant 2.400000e+01 : f32
    %broadcast_in_dim3A_777 = vector.broadcast %jit3A_776 : f32 to vector<1024x128xf32>
    %select_n3A_778 = arith.select %gt3A_775, %broadcast_in_dim3A_777, %select_n3A_772 : vector<1024x128xi1>, vector<1024x128xf32>
    %select_n3A_779 = arith.select %gt3A_775, %slice3A_774, %select_n3A_773 : vector<1024x128xi1>, vector<1024x128xf32>
    %slice3A_780 = vector.extract_strided_slice %select_n3A_632 {offsets = [0, 3200], sizes = [1024, 128], strides = [1, 1]} : vector<1024x4096xf32> to vector<1024x128xf32>
    %gt3A_781 = arith.cmpf ogt, %slice3A_780, %select_n3A_779 : vector<1024x128xf32>
    %jit3A_782 = arith.constant 2.500000e+01 : f32
    %broadcast_in_dim3A_783 = vector.broadcast %jit3A_782 : f32 to vector<1024x128xf32>
    %select_n3A_784 = arith.select %gt3A_781, %broadcast_in_dim3A_783, %select_n3A_778 : vector<1024x128xi1>, vector<1024x128xf32>
    %select_n3A_785 = arith.select %gt3A_781, %slice3A_780, %select_n3A_779 : vector<1024x128xi1>, vector<1024x128xf32>
    %slice3A_786 = vector.extract_strided_slice %select_n3A_632 {offsets = [0, 3328], sizes = [1024, 128], strides = [1, 1]} : vector<1024x4096xf32> to vector<1024x128xf32>
    %gt3A_787 = arith.cmpf ogt, %slice3A_786, %select_n3A_785 : vector<1024x128xf32>
    %jit3A_788 = arith.constant 2.600000e+01 : f32
    %broadcast_in_dim3A_789 = vector.broadcast %jit3A_788 : f32 to vector<1024x128xf32>
    %select_n3A_790 = arith.select %gt3A_787, %broadcast_in_dim3A_789, %select_n3A_784 : vector<1024x128xi1>, vector<1024x128xf32>
    %select_n3A_791 = arith.select %gt3A_787, %slice3A_786, %select_n3A_785 : vector<1024x128xi1>, vector<1024x128xf32>
    %slice3A_792 = vector.extract_strided_slice %select_n3A_632 {offsets = [0, 3456], sizes = [1024, 128], strides = [1, 1]} : vector<1024x4096xf32> to vector<1024x128xf32>
    %gt3A_793 = arith.cmpf ogt, %slice3A_792, %select_n3A_791 : vector<1024x128xf32>
    %jit3A_794 = arith.constant 2.700000e+01 : f32
    %broadcast_in_dim3A_795 = vector.broadcast %jit3A_794 : f32 to vector<1024x128xf32>
    %select_n3A_796 = arith.select %gt3A_793, %broadcast_in_dim3A_795, %select_n3A_790 : vector<1024x128xi1>, vector<1024x128xf32>
    %select_n3A_797 = arith.select %gt3A_793, %slice3A_792, %select_n3A_791 : vector<1024x128xi1>, vector<1024x128xf32>
    %slice3A_798 = vector.extract_strided_slice %select_n3A_632 {offsets = [0, 3584], sizes = [1024, 128], strides = [1, 1]} : vector<1024x4096xf32> to vector<1024x128xf32>
    %gt3A_799 = arith.cmpf ogt, %slice3A_798, %select_n3A_797 : vector<1024x128xf32>
    %jit3A_800 = arith.constant 2.800000e+01 : f32
    %broadcast_in_dim3A_801 = vector.broadcast %jit3A_800 : f32 to vector<1024x128xf32>
    %select_n3A_802 = arith.select %gt3A_799, %broadcast_in_dim3A_801, %select_n3A_796 : vector<1024x128xi1>, vector<1024x128xf32>
    %select_n3A_803 = arith.select %gt3A_799, %slice3A_798, %select_n3A_797 : vector<1024x128xi1>, vector<1024x128xf32>
    %slice3A_804 = vector.extract_strided_slice %select_n3A_632 {offsets = [0, 3712], sizes = [1024, 128], strides = [1, 1]} : vector<1024x4096xf32> to vector<1024x128xf32>
    %gt3A_805 = arith.cmpf ogt, %slice3A_804, %select_n3A_803 : vector<1024x128xf32>
    %jit3A_806 = arith.constant 2.900000e+01 : f32
    %broadcast_in_dim3A_807 = vector.broadcast %jit3A_806 : f32 to vector<1024x128xf32>
    %select_n3A_808 = arith.select %gt3A_805, %broadcast_in_dim3A_807, %select_n3A_802 : vector<1024x128xi1>, vector<1024x128xf32>
    %select_n3A_809 = arith.select %gt3A_805, %slice3A_804, %select_n3A_803 : vector<1024x128xi1>, vector<1024x128xf32>
    %slice3A_810 = vector.extract_strided_slice %select_n3A_632 {offsets = [0, 3840], sizes = [1024, 128], strides = [1, 1]} : vector<1024x4096xf32> to vector<1024x128xf32>
    %gt3A_811 = arith.cmpf ogt, %slice3A_810, %select_n3A_809 : vector<1024x128xf32>
    %jit3A_812 = arith.constant 3.000000e+01 : f32
    %broadcast_in_dim3A_813 = vector.broadcast %jit3A_812 : f32 to vector<1024x128xf32>
    %select_n3A_814 = arith.select %gt3A_811, %broadcast_in_dim3A_813, %select_n3A_808 : vector<1024x128xi1>, vector<1024x128xf32>
    %select_n3A_815 = arith.select %gt3A_811, %slice3A_810, %select_n3A_809 : vector<1024x128xi1>, vector<1024x128xf32>
    %slice3A_816 = vector.extract_strided_slice %select_n3A_632 {offsets = [0, 3968], sizes = [1024, 128], strides = [1, 1]} : vector<1024x4096xf32> to vector<1024x128xf32>
    %gt3A_817 = arith.cmpf ogt, %slice3A_816, %select_n3A_815 : vector<1024x128xf32>
    %jit3A_818 = arith.constant 3.100000e+01 : f32
    %broadcast_in_dim3A_819 = vector.broadcast %jit3A_818 : f32 to vector<1024x128xf32>
    %select_n3A_820 = arith.select %gt3A_817, %broadcast_in_dim3A_819, %select_n3A_814 : vector<1024x128xi1>, vector<1024x128xf32>
    %select_n3A_821 = arith.select %gt3A_817, %slice3A_816, %select_n3A_815 : vector<1024x128xi1>, vector<1024x128xf32>
    %reduce_max3A_822 = arith.constant dense<0xFF800000> : vector<1024xf32>
    %reduce_max3A_823 = vector.multi_reduction <maximumf>, %select_n3A_821, %reduce_max3A_822 [1] : vector<1024x128xf32> to vector<1024xf32>
    %broadcast_in_dim3A_824 = vector.shape_cast %reduce_max3A_823 : vector<1024xf32> to vector<1024x1xf32>
    %mul3A_825 = arith.constant 1.280000e+02 : f32
    %mul3A_826 = vector.broadcast %mul3A_825 : f32 to vector<1024x128xf32>
    %mul3A_827 = arith.mulf %select_n3A_820, %mul3A_826 : vector<1024x128xf32>
    %add3A_828 = arith.addf %mul3A_827, %slice3A : vector<1024x128xf32>
    %eq3A_829 = vector.broadcast %broadcast_in_dim3A_824 : vector<1024x1xf32> to vector<1024x128xf32>
    %eq3A_830 = arith.cmpf oeq, %select_n3A_821, %eq3A_829 : vector<1024x128xf32>
    %jit3A_831 = arith.constant 3.000000e+07 : f32
    %broadcast_in_dim3A_832 = vector.broadcast %jit3A_831 : f32 to vector<1024x128xf32>
    %select_n3A_833 = arith.select %eq3A_830, %add3A_828, %broadcast_in_dim3A_832 : vector<1024x128xi1>, vector<1024x128xf32>
    %reduce_min3A_834 = arith.constant dense<0x7F800000> : vector<1024xf32>
    %reduce_min3A_835 = vector.multi_reduction <minimumf>, %select_n3A_833, %reduce_min3A_834 [1] : vector<1024x128xf32> to vector<1024xf32>
    %broadcast_in_dim3A_836 = vector.shape_cast %reduce_min3A_835 : vector<1024xf32> to vector<1024x1xf32>
    %eq3A_837 = vector.broadcast %broadcast_in_dim3A_836 : vector<1024x1xf32> to vector<1024x4096xf32>
    %eq3A_838 = arith.cmpf oeq, %convert_element_type3A, %eq3A_837 : vector<1024x4096xf32>
    %jit3A_839 = arith.constant 0xFF800000 : f32
    %broadcast_in_dim3A_840 = vector.broadcast %jit3A_839 : f32 to vector<1024x4096xf32>
    %select_n3A_841 = arith.select %eq3A_838, %broadcast_in_dim3A_840, %select_n3A_632 : vector<1024x4096xi1>, vector<1024x4096xf32>
    %slice3A_842 = vector.extract_strided_slice %select_n3A_841 {offsets = [0, 0], sizes = [1024, 128], strides = [1, 1]} : vector<1024x4096xf32> to vector<1024x128xf32>
    %broadcast_in_dim3A_843 = arith.constant 0.000000e+00 : f32
    %broadcast_in_dim3A_844 = vector.broadcast %broadcast_in_dim3A_843 : f32 to vector<1024x128xf32>
    %slice3A_845 = vector.extract_strided_slice %select_n3A_841 {offsets = [0, 128], sizes = [1024, 128], strides = [1, 1]} : vector<1024x4096xf32> to vector<1024x128xf32>
    %gt3A_846 = arith.cmpf ogt, %slice3A_845, %slice3A_842 : vector<1024x128xf32>
    %jit3A_847 = arith.constant 1.000000e+00 : f32
    %broadcast_in_dim3A_848 = vector.broadcast %jit3A_847 : f32 to vector<1024x128xf32>
    %select_n3A_849 = arith.select %gt3A_846, %broadcast_in_dim3A_848, %broadcast_in_dim3A_844 : vector<1024x128xi1>, vector<1024x128xf32>
    %select_n3A_850 = arith.select %gt3A_846, %slice3A_845, %slice3A_842 : vector<1024x128xi1>, vector<1024x128xf32>
    %slice3A_851 = vector.extract_strided_slice %select_n3A_841 {offsets = [0, 256], sizes = [1024, 128], strides = [1, 1]} : vector<1024x4096xf32> to vector<1024x128xf32>
    %gt3A_852 = arith.cmpf ogt, %slice3A_851, %select_n3A_850 : vector<1024x128xf32>
    %jit3A_853 = arith.constant 2.000000e+00 : f32
    %broadcast_in_dim3A_854 = vector.broadcast %jit3A_853 : f32 to vector<1024x128xf32>
    %select_n3A_855 = arith.select %gt3A_852, %broadcast_in_dim3A_854, %select_n3A_849 : vector<1024x128xi1>, vector<1024x128xf32>
    %select_n3A_856 = arith.select %gt3A_852, %slice3A_851, %select_n3A_850 : vector<1024x128xi1>, vector<1024x128xf32>
    %slice3A_857 = vector.extract_strided_slice %select_n3A_841 {offsets = [0, 384], sizes = [1024, 128], strides = [1, 1]} : vector<1024x4096xf32> to vector<1024x128xf32>
    %gt3A_858 = arith.cmpf ogt, %slice3A_857, %select_n3A_856 : vector<1024x128xf32>
    %jit3A_859 = arith.constant 3.000000e+00 : f32
    %broadcast_in_dim3A_860 = vector.broadcast %jit3A_859 : f32 to vector<1024x128xf32>
    %select_n3A_861 = arith.select %gt3A_858, %broadcast_in_dim3A_860, %select_n3A_855 : vector<1024x128xi1>, vector<1024x128xf32>
    %select_n3A_862 = arith.select %gt3A_858, %slice3A_857, %select_n3A_856 : vector<1024x128xi1>, vector<1024x128xf32>
    %slice3A_863 = vector.extract_strided_slice %select_n3A_841 {offsets = [0, 512], sizes = [1024, 128], strides = [1, 1]} : vector<1024x4096xf32> to vector<1024x128xf32>
    %gt3A_864 = arith.cmpf ogt, %slice3A_863, %select_n3A_862 : vector<1024x128xf32>
    %jit3A_865 = arith.constant 4.000000e+00 : f32
    %broadcast_in_dim3A_866 = vector.broadcast %jit3A_865 : f32 to vector<1024x128xf32>
    %select_n3A_867 = arith.select %gt3A_864, %broadcast_in_dim3A_866, %select_n3A_861 : vector<1024x128xi1>, vector<1024x128xf32>
    %select_n3A_868 = arith.select %gt3A_864, %slice3A_863, %select_n3A_862 : vector<1024x128xi1>, vector<1024x128xf32>
    %slice3A_869 = vector.extract_strided_slice %select_n3A_841 {offsets = [0, 640], sizes = [1024, 128], strides = [1, 1]} : vector<1024x4096xf32> to vector<1024x128xf32>
    %gt3A_870 = arith.cmpf ogt, %slice3A_869, %select_n3A_868 : vector<1024x128xf32>
    %jit3A_871 = arith.constant 5.000000e+00 : f32
    %broadcast_in_dim3A_872 = vector.broadcast %jit3A_871 : f32 to vector<1024x128xf32>
    %select_n3A_873 = arith.select %gt3A_870, %broadcast_in_dim3A_872, %select_n3A_867 : vector<1024x128xi1>, vector<1024x128xf32>
    %select_n3A_874 = arith.select %gt3A_870, %slice3A_869, %select_n3A_868 : vector<1024x128xi1>, vector<1024x128xf32>
    %slice3A_875 = vector.extract_strided_slice %select_n3A_841 {offsets = [0, 768], sizes = [1024, 128], strides = [1, 1]} : vector<1024x4096xf32> to vector<1024x128xf32>
    %gt3A_876 = arith.cmpf ogt, %slice3A_875, %select_n3A_874 : vector<1024x128xf32>
    %jit3A_877 = arith.constant 6.000000e+00 : f32
    %broadcast_in_dim3A_878 = vector.broadcast %jit3A_877 : f32 to vector<1024x128xf32>
    %select_n3A_879 = arith.select %gt3A_876, %broadcast_in_dim3A_878, %select_n3A_873 : vector<1024x128xi1>, vector<1024x128xf32>
    %select_n3A_880 = arith.select %gt3A_876, %slice3A_875, %select_n3A_874 : vector<1024x128xi1>, vector<1024x128xf32>
    %slice3A_881 = vector.extract_strided_slice %select_n3A_841 {offsets = [0, 896], sizes = [1024, 128], strides = [1, 1]} : vector<1024x4096xf32> to vector<1024x128xf32>
    %gt3A_882 = arith.cmpf ogt, %slice3A_881, %select_n3A_880 : vector<1024x128xf32>
    %jit3A_883 = arith.constant 7.000000e+00 : f32
    %broadcast_in_dim3A_884 = vector.broadcast %jit3A_883 : f32 to vector<1024x128xf32>
    %select_n3A_885 = arith.select %gt3A_882, %broadcast_in_dim3A_884, %select_n3A_879 : vector<1024x128xi1>, vector<1024x128xf32>
    %select_n3A_886 = arith.select %gt3A_882, %slice3A_881, %select_n3A_880 : vector<1024x128xi1>, vector<1024x128xf32>
    %slice3A_887 = vector.extract_strided_slice %select_n3A_841 {offsets = [0, 1024], sizes = [1024, 128], strides = [1, 1]} : vector<1024x4096xf32> to vector<1024x128xf32>
    %gt3A_888 = arith.cmpf ogt, %slice3A_887, %select_n3A_886 : vector<1024x128xf32>
    %jit3A_889 = arith.constant 8.000000e+00 : f32
    %broadcast_in_dim3A_890 = vector.broadcast %jit3A_889 : f32 to vector<1024x128xf32>
    %select_n3A_891 = arith.select %gt3A_888, %broadcast_in_dim3A_890, %select_n3A_885 : vector<1024x128xi1>, vector<1024x128xf32>
    %select_n3A_892 = arith.select %gt3A_888, %slice3A_887, %select_n3A_886 : vector<1024x128xi1>, vector<1024x128xf32>
    %slice3A_893 = vector.extract_strided_slice %select_n3A_841 {offsets = [0, 1152], sizes = [1024, 128], strides = [1, 1]} : vector<1024x4096xf32> to vector<1024x128xf32>
    %gt3A_894 = arith.cmpf ogt, %slice3A_893, %select_n3A_892 : vector<1024x128xf32>
    %jit3A_895 = arith.constant 9.000000e+00 : f32
    %broadcast_in_dim3A_896 = vector.broadcast %jit3A_895 : f32 to vector<1024x128xf32>
    %select_n3A_897 = arith.select %gt3A_894, %broadcast_in_dim3A_896, %select_n3A_891 : vector<1024x128xi1>, vector<1024x128xf32>
    %select_n3A_898 = arith.select %gt3A_894, %slice3A_893, %select_n3A_892 : vector<1024x128xi1>, vector<1024x128xf32>
    %slice3A_899 = vector.extract_strided_slice %select_n3A_841 {offsets = [0, 1280], sizes = [1024, 128], strides = [1, 1]} : vector<1024x4096xf32> to vector<1024x128xf32>
    %gt3A_900 = arith.cmpf ogt, %slice3A_899, %select_n3A_898 : vector<1024x128xf32>
    %jit3A_901 = arith.constant 1.000000e+01 : f32
    %broadcast_in_dim3A_902 = vector.broadcast %jit3A_901 : f32 to vector<1024x128xf32>
    %select_n3A_903 = arith.select %gt3A_900, %broadcast_in_dim3A_902, %select_n3A_897 : vector<1024x128xi1>, vector<1024x128xf32>
    %select_n3A_904 = arith.select %gt3A_900, %slice3A_899, %select_n3A_898 : vector<1024x128xi1>, vector<1024x128xf32>
    %slice3A_905 = vector.extract_strided_slice %select_n3A_841 {offsets = [0, 1408], sizes = [1024, 128], strides = [1, 1]} : vector<1024x4096xf32> to vector<1024x128xf32>
    %gt3A_906 = arith.cmpf ogt, %slice3A_905, %select_n3A_904 : vector<1024x128xf32>
    %jit3A_907 = arith.constant 1.100000e+01 : f32
    %broadcast_in_dim3A_908 = vector.broadcast %jit3A_907 : f32 to vector<1024x128xf32>
    %select_n3A_909 = arith.select %gt3A_906, %broadcast_in_dim3A_908, %select_n3A_903 : vector<1024x128xi1>, vector<1024x128xf32>
    %select_n3A_910 = arith.select %gt3A_906, %slice3A_905, %select_n3A_904 : vector<1024x128xi1>, vector<1024x128xf32>
    %slice3A_911 = vector.extract_strided_slice %select_n3A_841 {offsets = [0, 1536], sizes = [1024, 128], strides = [1, 1]} : vector<1024x4096xf32> to vector<1024x128xf32>
    %gt3A_912 = arith.cmpf ogt, %slice3A_911, %select_n3A_910 : vector<1024x128xf32>
    %jit3A_913 = arith.constant 1.200000e+01 : f32
    %broadcast_in_dim3A_914 = vector.broadcast %jit3A_913 : f32 to vector<1024x128xf32>
    %select_n3A_915 = arith.select %gt3A_912, %broadcast_in_dim3A_914, %select_n3A_909 : vector<1024x128xi1>, vector<1024x128xf32>
    %select_n3A_916 = arith.select %gt3A_912, %slice3A_911, %select_n3A_910 : vector<1024x128xi1>, vector<1024x128xf32>
    %slice3A_917 = vector.extract_strided_slice %select_n3A_841 {offsets = [0, 1664], sizes = [1024, 128], strides = [1, 1]} : vector<1024x4096xf32> to vector<1024x128xf32>
    %gt3A_918 = arith.cmpf ogt, %slice3A_917, %select_n3A_916 : vector<1024x128xf32>
    %jit3A_919 = arith.constant 1.300000e+01 : f32
    %broadcast_in_dim3A_920 = vector.broadcast %jit3A_919 : f32 to vector<1024x128xf32>
    %select_n3A_921 = arith.select %gt3A_918, %broadcast_in_dim3A_920, %select_n3A_915 : vector<1024x128xi1>, vector<1024x128xf32>
    %select_n3A_922 = arith.select %gt3A_918, %slice3A_917, %select_n3A_916 : vector<1024x128xi1>, vector<1024x128xf32>
    %slice3A_923 = vector.extract_strided_slice %select_n3A_841 {offsets = [0, 1792], sizes = [1024, 128], strides = [1, 1]} : vector<1024x4096xf32> to vector<1024x128xf32>
    %gt3A_924 = arith.cmpf ogt, %slice3A_923, %select_n3A_922 : vector<1024x128xf32>
    %jit3A_925 = arith.constant 1.400000e+01 : f32
    %broadcast_in_dim3A_926 = vector.broadcast %jit3A_925 : f32 to vector<1024x128xf32>
    %select_n3A_927 = arith.select %gt3A_924, %broadcast_in_dim3A_926, %select_n3A_921 : vector<1024x128xi1>, vector<1024x128xf32>
    %select_n3A_928 = arith.select %gt3A_924, %slice3A_923, %select_n3A_922 : vector<1024x128xi1>, vector<1024x128xf32>
    %slice3A_929 = vector.extract_strided_slice %select_n3A_841 {offsets = [0, 1920], sizes = [1024, 128], strides = [1, 1]} : vector<1024x4096xf32> to vector<1024x128xf32>
    %gt3A_930 = arith.cmpf ogt, %slice3A_929, %select_n3A_928 : vector<1024x128xf32>
    %jit3A_931 = arith.constant 1.500000e+01 : f32
    %broadcast_in_dim3A_932 = vector.broadcast %jit3A_931 : f32 to vector<1024x128xf32>
    %select_n3A_933 = arith.select %gt3A_930, %broadcast_in_dim3A_932, %select_n3A_927 : vector<1024x128xi1>, vector<1024x128xf32>
    %select_n3A_934 = arith.select %gt3A_930, %slice3A_929, %select_n3A_928 : vector<1024x128xi1>, vector<1024x128xf32>
    %slice3A_935 = vector.extract_strided_slice %select_n3A_841 {offsets = [0, 2048], sizes = [1024, 128], strides = [1, 1]} : vector<1024x4096xf32> to vector<1024x128xf32>
    %gt3A_936 = arith.cmpf ogt, %slice3A_935, %select_n3A_934 : vector<1024x128xf32>
    %jit3A_937 = arith.constant 1.600000e+01 : f32
    %broadcast_in_dim3A_938 = vector.broadcast %jit3A_937 : f32 to vector<1024x128xf32>
    %select_n3A_939 = arith.select %gt3A_936, %broadcast_in_dim3A_938, %select_n3A_933 : vector<1024x128xi1>, vector<1024x128xf32>
    %select_n3A_940 = arith.select %gt3A_936, %slice3A_935, %select_n3A_934 : vector<1024x128xi1>, vector<1024x128xf32>
    %slice3A_941 = vector.extract_strided_slice %select_n3A_841 {offsets = [0, 2176], sizes = [1024, 128], strides = [1, 1]} : vector<1024x4096xf32> to vector<1024x128xf32>
    %gt3A_942 = arith.cmpf ogt, %slice3A_941, %select_n3A_940 : vector<1024x128xf32>
    %jit3A_943 = arith.constant 1.700000e+01 : f32
    %broadcast_in_dim3A_944 = vector.broadcast %jit3A_943 : f32 to vector<1024x128xf32>
    %select_n3A_945 = arith.select %gt3A_942, %broadcast_in_dim3A_944, %select_n3A_939 : vector<1024x128xi1>, vector<1024x128xf32>
    %select_n3A_946 = arith.select %gt3A_942, %slice3A_941, %select_n3A_940 : vector<1024x128xi1>, vector<1024x128xf32>
    %slice3A_947 = vector.extract_strided_slice %select_n3A_841 {offsets = [0, 2304], sizes = [1024, 128], strides = [1, 1]} : vector<1024x4096xf32> to vector<1024x128xf32>
    %gt3A_948 = arith.cmpf ogt, %slice3A_947, %select_n3A_946 : vector<1024x128xf32>
    %jit3A_949 = arith.constant 1.800000e+01 : f32
    %broadcast_in_dim3A_950 = vector.broadcast %jit3A_949 : f32 to vector<1024x128xf32>
    %select_n3A_951 = arith.select %gt3A_948, %broadcast_in_dim3A_950, %select_n3A_945 : vector<1024x128xi1>, vector<1024x128xf32>
    %select_n3A_952 = arith.select %gt3A_948, %slice3A_947, %select_n3A_946 : vector<1024x128xi1>, vector<1024x128xf32>
    %slice3A_953 = vector.extract_strided_slice %select_n3A_841 {offsets = [0, 2432], sizes = [1024, 128], strides = [1, 1]} : vector<1024x4096xf32> to vector<1024x128xf32>
    %gt3A_954 = arith.cmpf ogt, %slice3A_953, %select_n3A_952 : vector<1024x128xf32>
    %jit3A_955 = arith.constant 1.900000e+01 : f32
    %broadcast_in_dim3A_956 = vector.broadcast %jit3A_955 : f32 to vector<1024x128xf32>
    %select_n3A_957 = arith.select %gt3A_954, %broadcast_in_dim3A_956, %select_n3A_951 : vector<1024x128xi1>, vector<1024x128xf32>
    %select_n3A_958 = arith.select %gt3A_954, %slice3A_953, %select_n3A_952 : vector<1024x128xi1>, vector<1024x128xf32>
    %slice3A_959 = vector.extract_strided_slice %select_n3A_841 {offsets = [0, 2560], sizes = [1024, 128], strides = [1, 1]} : vector<1024x4096xf32> to vector<1024x128xf32>
    %gt3A_960 = arith.cmpf ogt, %slice3A_959, %select_n3A_958 : vector<1024x128xf32>
    %jit3A_961 = arith.constant 2.000000e+01 : f32
    %broadcast_in_dim3A_962 = vector.broadcast %jit3A_961 : f32 to vector<1024x128xf32>
    %select_n3A_963 = arith.select %gt3A_960, %broadcast_in_dim3A_962, %select_n3A_957 : vector<1024x128xi1>, vector<1024x128xf32>
    %select_n3A_964 = arith.select %gt3A_960, %slice3A_959, %select_n3A_958 : vector<1024x128xi1>, vector<1024x128xf32>
    %slice3A_965 = vector.extract_strided_slice %select_n3A_841 {offsets = [0, 2688], sizes = [1024, 128], strides = [1, 1]} : vector<1024x4096xf32> to vector<1024x128xf32>
    %gt3A_966 = arith.cmpf ogt, %slice3A_965, %select_n3A_964 : vector<1024x128xf32>
    %jit3A_967 = arith.constant 2.100000e+01 : f32
    %broadcast_in_dim3A_968 = vector.broadcast %jit3A_967 : f32 to vector<1024x128xf32>
    %select_n3A_969 = arith.select %gt3A_966, %broadcast_in_dim3A_968, %select_n3A_963 : vector<1024x128xi1>, vector<1024x128xf32>
    %select_n3A_970 = arith.select %gt3A_966, %slice3A_965, %select_n3A_964 : vector<1024x128xi1>, vector<1024x128xf32>
    %slice3A_971 = vector.extract_strided_slice %select_n3A_841 {offsets = [0, 2816], sizes = [1024, 128], strides = [1, 1]} : vector<1024x4096xf32> to vector<1024x128xf32>
    %gt3A_972 = arith.cmpf ogt, %slice3A_971, %select_n3A_970 : vector<1024x128xf32>
    %jit3A_973 = arith.constant 2.200000e+01 : f32
    %broadcast_in_dim3A_974 = vector.broadcast %jit3A_973 : f32 to vector<1024x128xf32>
    %select_n3A_975 = arith.select %gt3A_972, %broadcast_in_dim3A_974, %select_n3A_969 : vector<1024x128xi1>, vector<1024x128xf32>
    %select_n3A_976 = arith.select %gt3A_972, %slice3A_971, %select_n3A_970 : vector<1024x128xi1>, vector<1024x128xf32>
    %slice3A_977 = vector.extract_strided_slice %select_n3A_841 {offsets = [0, 2944], sizes = [1024, 128], strides = [1, 1]} : vector<1024x4096xf32> to vector<1024x128xf32>
    %gt3A_978 = arith.cmpf ogt, %slice3A_977, %select_n3A_976 : vector<1024x128xf32>
    %jit3A_979 = arith.constant 2.300000e+01 : f32
    %broadcast_in_dim3A_980 = vector.broadcast %jit3A_979 : f32 to vector<1024x128xf32>
    %select_n3A_981 = arith.select %gt3A_978, %broadcast_in_dim3A_980, %select_n3A_975 : vector<1024x128xi1>, vector<1024x128xf32>
    %select_n3A_982 = arith.select %gt3A_978, %slice3A_977, %select_n3A_976 : vector<1024x128xi1>, vector<1024x128xf32>
    %slice3A_983 = vector.extract_strided_slice %select_n3A_841 {offsets = [0, 3072], sizes = [1024, 128], strides = [1, 1]} : vector<1024x4096xf32> to vector<1024x128xf32>
    %gt3A_984 = arith.cmpf ogt, %slice3A_983, %select_n3A_982 : vector<1024x128xf32>
    %jit3A_985 = arith.constant 2.400000e+01 : f32
    %broadcast_in_dim3A_986 = vector.broadcast %jit3A_985 : f32 to vector<1024x128xf32>
    %select_n3A_987 = arith.select %gt3A_984, %broadcast_in_dim3A_986, %select_n3A_981 : vector<1024x128xi1>, vector<1024x128xf32>
    %select_n3A_988 = arith.select %gt3A_984, %slice3A_983, %select_n3A_982 : vector<1024x128xi1>, vector<1024x128xf32>
    %slice3A_989 = vector.extract_strided_slice %select_n3A_841 {offsets = [0, 3200], sizes = [1024, 128], strides = [1, 1]} : vector<1024x4096xf32> to vector<1024x128xf32>
    %gt3A_990 = arith.cmpf ogt, %slice3A_989, %select_n3A_988 : vector<1024x128xf32>
    %jit3A_991 = arith.constant 2.500000e+01 : f32
    %broadcast_in_dim3A_992 = vector.broadcast %jit3A_991 : f32 to vector<1024x128xf32>
    %select_n3A_993 = arith.select %gt3A_990, %broadcast_in_dim3A_992, %select_n3A_987 : vector<1024x128xi1>, vector<1024x128xf32>
    %select_n3A_994 = arith.select %gt3A_990, %slice3A_989, %select_n3A_988 : vector<1024x128xi1>, vector<1024x128xf32>
    %slice3A_995 = vector.extract_strided_slice %select_n3A_841 {offsets = [0, 3328], sizes = [1024, 128], strides = [1, 1]} : vector<1024x4096xf32> to vector<1024x128xf32>
    %gt3A_996 = arith.cmpf ogt, %slice3A_995, %select_n3A_994 : vector<1024x128xf32>
    %jit3A_997 = arith.constant 2.600000e+01 : f32
    %broadcast_in_dim3A_998 = vector.broadcast %jit3A_997 : f32 to vector<1024x128xf32>
    %select_n3A_999 = arith.select %gt3A_996, %broadcast_in_dim3A_998, %select_n3A_993 : vector<1024x128xi1>, vector<1024x128xf32>
    %select_n3A_1000 = arith.select %gt3A_996, %slice3A_995, %select_n3A_994 : vector<1024x128xi1>, vector<1024x128xf32>
    %slice3A_1001 = vector.extract_strided_slice %select_n3A_841 {offsets = [0, 3456], sizes = [1024, 128], strides = [1, 1]} : vector<1024x4096xf32> to vector<1024x128xf32>
    %gt3A_1002 = arith.cmpf ogt, %slice3A_1001, %select_n3A_1000 : vector<1024x128xf32>
    %jit3A_1003 = arith.constant 2.700000e+01 : f32
    %broadcast_in_dim3A_1004 = vector.broadcast %jit3A_1003 : f32 to vector<1024x128xf32>
    %select_n3A_1005 = arith.select %gt3A_1002, %broadcast_in_dim3A_1004, %select_n3A_999 : vector<1024x128xi1>, vector<1024x128xf32>
    %select_n3A_1006 = arith.select %gt3A_1002, %slice3A_1001, %select_n3A_1000 : vector<1024x128xi1>, vector<1024x128xf32>
    %slice3A_1007 = vector.extract_strided_slice %select_n3A_841 {offsets = [0, 3584], sizes = [1024, 128], strides = [1, 1]} : vector<1024x4096xf32> to vector<1024x128xf32>
    %gt3A_1008 = arith.cmpf ogt, %slice3A_1007, %select_n3A_1006 : vector<1024x128xf32>
    %jit3A_1009 = arith.constant 2.800000e+01 : f32
    %broadcast_in_dim3A_1010 = vector.broadcast %jit3A_1009 : f32 to vector<1024x128xf32>
    %select_n3A_1011 = arith.select %gt3A_1008, %broadcast_in_dim3A_1010, %select_n3A_1005 : vector<1024x128xi1>, vector<1024x128xf32>
    %select_n3A_1012 = arith.select %gt3A_1008, %slice3A_1007, %select_n3A_1006 : vector<1024x128xi1>, vector<1024x128xf32>
    %slice3A_1013 = vector.extract_strided_slice %select_n3A_841 {offsets = [0, 3712], sizes = [1024, 128], strides = [1, 1]} : vector<1024x4096xf32> to vector<1024x128xf32>
    %gt3A_1014 = arith.cmpf ogt, %slice3A_1013, %select_n3A_1012 : vector<1024x128xf32>
    %jit3A_1015 = arith.constant 2.900000e+01 : f32
    %broadcast_in_dim3A_1016 = vector.broadcast %jit3A_1015 : f32 to vector<1024x128xf32>
    %select_n3A_1017 = arith.select %gt3A_1014, %broadcast_in_dim3A_1016, %select_n3A_1011 : vector<1024x128xi1>, vector<1024x128xf32>
    %select_n3A_1018 = arith.select %gt3A_1014, %slice3A_1013, %select_n3A_1012 : vector<1024x128xi1>, vector<1024x128xf32>
    %slice3A_1019 = vector.extract_strided_slice %select_n3A_841 {offsets = [0, 3840], sizes = [1024, 128], strides = [1, 1]} : vector<1024x4096xf32> to vector<1024x128xf32>
    %gt3A_1020 = arith.cmpf ogt, %slice3A_1019, %select_n3A_1018 : vector<1024x128xf32>
    %jit3A_1021 = arith.constant 3.000000e+01 : f32
    %broadcast_in_dim3A_1022 = vector.broadcast %jit3A_1021 : f32 to vector<1024x128xf32>
    %select_n3A_1023 = arith.select %gt3A_1020, %broadcast_in_dim3A_1022, %select_n3A_1017 : vector<1024x128xi1>, vector<1024x128xf32>
    %select_n3A_1024 = arith.select %gt3A_1020, %slice3A_1019, %select_n3A_1018 : vector<1024x128xi1>, vector<1024x128xf32>
    %slice3A_1025 = vector.extract_strided_slice %select_n3A_841 {offsets = [0, 3968], sizes = [1024, 128], strides = [1, 1]} : vector<1024x4096xf32> to vector<1024x128xf32>
    %gt3A_1026 = arith.cmpf ogt, %slice3A_1025, %select_n3A_1024 : vector<1024x128xf32>
    %jit3A_1027 = arith.constant 3.100000e+01 : f32
    %broadcast_in_dim3A_1028 = vector.broadcast %jit3A_1027 : f32 to vector<1024x128xf32>
    %select_n3A_1029 = arith.select %gt3A_1026, %broadcast_in_dim3A_1028, %select_n3A_1023 : vector<1024x128xi1>, vector<1024x128xf32>
    %select_n3A_1030 = arith.select %gt3A_1026, %slice3A_1025, %select_n3A_1024 : vector<1024x128xi1>, vector<1024x128xf32>
    %reduce_max3A_1031 = arith.constant dense<0xFF800000> : vector<1024xf32>
    %reduce_max3A_1032 = vector.multi_reduction <maximumf>, %select_n3A_1030, %reduce_max3A_1031 [1] : vector<1024x128xf32> to vector<1024xf32>
    %broadcast_in_dim3A_1033 = vector.shape_cast %reduce_max3A_1032 : vector<1024xf32> to vector<1024x1xf32>
    %mul3A_1034 = arith.constant 1.280000e+02 : f32
    %mul3A_1035 = vector.broadcast %mul3A_1034 : f32 to vector<1024x128xf32>
    %mul3A_1036 = arith.mulf %select_n3A_1029, %mul3A_1035 : vector<1024x128xf32>
    %add3A_1037 = arith.addf %mul3A_1036, %slice3A : vector<1024x128xf32>
    %eq3A_1038 = vector.broadcast %broadcast_in_dim3A_1033 : vector<1024x1xf32> to vector<1024x128xf32>
    %eq3A_1039 = arith.cmpf oeq, %select_n3A_1030, %eq3A_1038 : vector<1024x128xf32>
    %jit3A_1040 = arith.constant 3.000000e+07 : f32
    %broadcast_in_dim3A_1041 = vector.broadcast %jit3A_1040 : f32 to vector<1024x128xf32>
    %select_n3A_1042 = arith.select %eq3A_1039, %add3A_1037, %broadcast_in_dim3A_1041 : vector<1024x128xi1>, vector<1024x128xf32>
    %reduce_min3A_1043 = arith.constant dense<0x7F800000> : vector<1024xf32>
    %reduce_min3A_1044 = vector.multi_reduction <minimumf>, %select_n3A_1042, %reduce_min3A_1043 [1] : vector<1024x128xf32> to vector<1024xf32>
    %broadcast_in_dim3A_1045 = vector.shape_cast %reduce_min3A_1044 : vector<1024xf32> to vector<1024x1xf32>
    %broadcast_in_dim3A_1046 = arith.constant 0xFF800000 : f32
    %broadcast_in_dim3A_1047 = vector.broadcast %broadcast_in_dim3A_1046 : f32 to vector<1024x3xf32>
    %concatenate3A = tpu.concatenate %broadcast_in_dim3A_201, %broadcast_in_dim3A_406, %broadcast_in_dim3A_615, %broadcast_in_dim3A_824, %broadcast_in_dim3A_1033, %broadcast_in_dim3A_1047 in 1 : vector<1024x1xf32>, vector<1024x1xf32>, vector<1024x1xf32>, vector<1024x1xf32>, vector<1024x1xf32>, vector<1024x3xf32> -> vector<1024x8xf32>
    %swap3A = arith.constant 0 : index
    %swap3A_1048 = arith.constant 0 : index
    %swap3A_1049 = arith.constant 0 : index
    %swap3A_1050 = vector.load %arg4[%swap3A, %swap3A_1048, %swap3A_1049] : memref<1x1024x8xf32, #tpu.memory_space<vmem>>, vector<1x1024x8xf32>
    %swap3A_1051 = vector.shape_cast %swap3A_1050 : vector<1x1024x8xf32> to vector<1024x8xf32>
    %swap3A_1052 = vector.shape_cast %concatenate3A : vector<1024x8xf32> to vector<1x1024x8xf32>
    tpu.vector_store %arg4[%swap3A, %swap3A_1048, %swap3A_1049], %swap3A_1052 {strides = array<i32>} : memref<1x1024x8xf32, #tpu.memory_space<vmem>>, vector<1x1024x8xf32>,
    %add3A_1053 = arith.constant 9.830400e+04 : f32
    %add3A_1054 = vector.broadcast %add3A_1053 : f32 to vector<1024x1xf32>
    %add3A_1055 = arith.addf %broadcast_in_dim3A_209, %add3A_1054 : vector<1024x1xf32>
    %add3A_1056 = arith.constant 9.830400e+04 : f32
    %add3A_1057 = vector.broadcast %add3A_1056 : f32 to vector<1024x1xf32>
    %add3A_1058 = arith.addf %broadcast_in_dim3A_418, %add3A_1057 : vector<1024x1xf32>
    %add3A_1059 = arith.constant 9.830400e+04 : f32
    %add3A_1060 = vector.broadcast %add3A_1059 : f32 to vector<1024x1xf32>
    %add3A_1061 = arith.addf %broadcast_in_dim3A_627, %add3A_1060 : vector<1024x1xf32>
    %add3A_1062 = arith.constant 9.830400e+04 : f32
    %add3A_1063 = vector.broadcast %add3A_1062 : f32 to vector<1024x1xf32>
    %add3A_1064 = arith.addf %broadcast_in_dim3A_836, %add3A_1063 : vector<1024x1xf32>
    %add3A_1065 = arith.constant 9.830400e+04 : f32
    %add3A_1066 = vector.broadcast %add3A_1065 : f32 to vector<1024x1xf32>
    %add3A_1067 = arith.addf %broadcast_in_dim3A_1045, %add3A_1066 : vector<1024x1xf32>
    %broadcast_in_dim3A_1068 = arith.constant 3.000000e+07 : f32
    %broadcast_in_dim3A_1069 = vector.broadcast %broadcast_in_dim3A_1068 : f32 to vector<1024x3xf32>
    %concatenate3A_1070 = tpu.concatenate %add3A_1055, %add3A_1058, %add3A_1061, %add3A_1064, %add3A_1067, %broadcast_in_dim3A_1069 in 1 : vector<1024x1xf32>, vector<1024x1xf32>, vector<1024x1xf32>, vector<1024x1xf32>, vector<1024x1xf32>, vector<1024x3xf32> -> vector<1024x8xf32>
    %swap3A_1071 = arith.constant 0 : index
    %swap3A_1072 = arith.constant 0 : index
    %swap3A_1073 = arith.constant 0 : index
    %swap3A_1074 = vector.load %arg5[%swap3A_1071, %swap3A_1072, %swap3A_1073] : memref<1x1024x8xf32, #tpu.memory_space<vmem>>, vector<1x1024x8xf32>
    %swap3A_1075 = vector.shape_cast %swap3A_1074 : vector<1x1024x8xf32> to vector<1024x8xf32>
    %swap3A_1076 = vector.shape_cast %concatenate3A_1070 : vector<1024x8xf32> to vector<1x1024x8xf32>
    tpu.vector_store %arg5[%swap3A_1071, %swap3A_1072, %swap3A_1073], %swap3A_1076 {strides = array<i32>} : memref<1x1024x8xf32, #tpu.memory_space<vmem>>, vector<1x1024x8xf32>,
    return
  }
  func.func @transform_0(%arg0: i32) -> (i32, i32) {
    %c0_i32 = arith.constant 0 : i32
    %c0_i32_0 = arith.constant 0 : i32
    %c0_i32_1 = arith.constant 0 : i32
    return %c0_i32, %c0_i32_0 : i32, i32
  }
  func.func @transform_1(%arg0: i32) -> (i32, i32) {
    %c24_i32 = arith.constant 24 : i32
    %c0_i32 = arith.constant 0 : i32
    %c0_i32_0 = arith.constant 0 : i32
    return %c24_i32, %c0_i32 : i32, i32
  }
  func.func @transform_2(%arg0: i32) -> (i32, i32) {
    %c24_i32 = arith.constant 24 : i32
    %c0_i32 = arith.constant 0 : i32
    %c0_i32_0 = arith.constant 0 : i32
    return %c24_i32, %c0_i32 : i32, i32
  }
  func.func @transform_3(%arg0: i32) -> (i32, i32, i32) {
    %c0_i32 = arith.constant 0 : i32
    %c0_i32_0 = arith.constant 0 : i32
    %c0_i32_1 = arith.constant 0 : i32
    %c0_i32_2 = arith.constant 0 : i32
    return %c0_i32, %c0_i32_0, %c0_i32_1 : i32, i32, i32
  }
  func.func @transform_4(%arg0: i32) -> (i32, i32, i32) {
    %c0_i32 = arith.constant 0 : i32
    %c0_i32_0 = arith.constant 0 : i32
    %c0_i32_1 = arith.constant 0 : i32
    %c0_i32_2 = arith.constant 0 : i32
    return %c0_i32, %c0_i32_0, %c0_i32_1 : i32, i32, i32
  }
}

module attributes {stable_mosaic.version = 14 : i64} {
  func.func @_merge_body(%arg0: memref<1024x256xf32, #tpu.memory_space<vmem>>, %arg1: memref<1024x256xf32, #tpu.memory_space<vmem>>, %arg2: memref<1024x5xi32, #tpu.memory_space<vmem>>, %arg3: memref<1024x5xf32, #tpu.memory_space<vmem>>) attributes {dimension_semantics = [], scalar_prefetch = 0 : i64, scratch_operands = 0 : i64, tpu.core_type = #tpu.core_type<tc>} {
    %get3A = arith.constant 0 : index
    %get3A_0 = arith.constant 0 : index
    %get3A_1 = vector.load %arg0[%get3A, %get3A_0] : memref<1024x256xf32, #tpu.memory_space<vmem>>, vector<1024x256xf32>
    %get3A_2 = arith.constant 0 : index
    %get3A_3 = arith.constant 0 : index
    %get3A_4 = vector.load %arg1[%get3A_2, %get3A_3] : memref<1024x256xf32, #tpu.memory_space<vmem>>, vector<1024x256xf32>
    %slice3A = vector.extract_strided_slice %get3A_4 {offsets = [0, 0], sizes = [1024, 128], strides = [1, 1]} : vector<1024x256xf32> to vector<1024x128xf32>
    %slice3A_5 = vector.extract_strided_slice %get3A_1 {offsets = [0, 0], sizes = [1024, 128], strides = [1, 1]} : vector<1024x256xf32> to vector<1024x128xf32>
    %slice3A_6 = vector.extract_strided_slice %get3A_1 {offsets = [0, 128], sizes = [1024, 128], strides = [1, 1]} : vector<1024x256xf32> to vector<1024x128xf32>
    %slice3A_7 = vector.extract_strided_slice %get3A_4 {offsets = [0, 128], sizes = [1024, 128], strides = [1, 1]} : vector<1024x256xf32> to vector<1024x128xf32>
    %gt3A = arith.cmpf ogt, %slice3A_6, %slice3A_5 : vector<1024x128xf32>
    %eq3A = arith.cmpf oeq, %slice3A_6, %slice3A_5 : vector<1024x128xf32>
    %lt3A = arith.cmpf olt, %slice3A_7, %slice3A : vector<1024x128xf32>
    %and3A = arith.andi %eq3A, %lt3A : vector<1024x128xi1>
    %or3A = arith.ori %gt3A, %and3A : vector<1024x128xi1>
    %select_n3A = arith.select %or3A, %slice3A_7, %slice3A : vector<1024x128xi1>, vector<1024x128xf32>
    %select_n3A_8 = arith.select %or3A, %slice3A_6, %slice3A_5 : vector<1024x128xi1>, vector<1024x128xf32>
    %reduce_max3A = arith.constant dense<0xFF800000> : vector<1024xf32>
    %reduce_max3A_9 = vector.multi_reduction <maximumf>, %select_n3A_8, %reduce_max3A [1] : vector<1024x128xf32> to vector<1024xf32>
    %broadcast_in_dim3A = vector.shape_cast %reduce_max3A_9 : vector<1024xf32> to vector<1024x1xf32>
    %eq3A_10 = vector.broadcast %broadcast_in_dim3A : vector<1024x1xf32> to vector<1024x128xf32>
    %eq3A_11 = arith.cmpf oeq, %select_n3A_8, %eq3A_10 : vector<1024x128xf32>
    %jit3A = arith.constant 3.000000e+07 : f32
    %broadcast_in_dim3A_12 = vector.broadcast %jit3A : f32 to vector<1024x128xf32>
    %select_n3A_13 = arith.select %eq3A_11, %select_n3A, %broadcast_in_dim3A_12 : vector<1024x128xi1>, vector<1024x128xf32>
    %reduce_min3A = arith.constant dense<0x7F800000> : vector<1024xf32>
    %reduce_min3A_14 = vector.multi_reduction <minimumf>, %select_n3A_13, %reduce_min3A [1] : vector<1024x128xf32> to vector<1024xf32>
    %broadcast_in_dim3A_15 = vector.shape_cast %reduce_min3A_14 : vector<1024xf32> to vector<1024x1xf32>
    %eq3A_16 = vector.broadcast %broadcast_in_dim3A_15 : vector<1024x1xf32> to vector<1024x256xf32>
    %eq3A_17 = arith.cmpf oeq, %get3A_4, %eq3A_16 : vector<1024x256xf32>
    %jit3A_18 = arith.constant 0xFF800000 : f32
    %broadcast_in_dim3A_19 = vector.broadcast %jit3A_18 : f32 to vector<1024x256xf32>
    %select_n3A_20 = arith.select %eq3A_17, %broadcast_in_dim3A_19, %get3A_1 : vector<1024x256xi1>, vector<1024x256xf32>
    %slice3A_21 = vector.extract_strided_slice %select_n3A_20 {offsets = [0, 0], sizes = [1024, 128], strides = [1, 1]} : vector<1024x256xf32> to vector<1024x128xf32>
    %slice3A_22 = vector.extract_strided_slice %select_n3A_20 {offsets = [0, 128], sizes = [1024, 128], strides = [1, 1]} : vector<1024x256xf32> to vector<1024x128xf32>
    %slice3A_23 = vector.extract_strided_slice %get3A_4 {offsets = [0, 128], sizes = [1024, 128], strides = [1, 1]} : vector<1024x256xf32> to vector<1024x128xf32>
    %gt3A_24 = arith.cmpf ogt, %slice3A_22, %slice3A_21 : vector<1024x128xf32>
    %eq3A_25 = arith.cmpf oeq, %slice3A_22, %slice3A_21 : vector<1024x128xf32>
    %lt3A_26 = arith.cmpf olt, %slice3A_23, %slice3A : vector<1024x128xf32>
    %and3A_27 = arith.andi %eq3A_25, %lt3A_26 : vector<1024x128xi1>
    %or3A_28 = arith.ori %gt3A_24, %and3A_27 : vector<1024x128xi1>
    %select_n3A_29 = arith.select %or3A_28, %slice3A_23, %slice3A : vector<1024x128xi1>, vector<1024x128xf32>
    %select_n3A_30 = arith.select %or3A_28, %slice3A_22, %slice3A_21 : vector<1024x128xi1>, vector<1024x128xf32>
    %reduce_max3A_31 = arith.constant dense<0xFF800000> : vector<1024xf32>
    %reduce_max3A_32 = vector.multi_reduction <maximumf>, %select_n3A_30, %reduce_max3A_31 [1] : vector<1024x128xf32> to vector<1024xf32>
    %broadcast_in_dim3A_33 = vector.shape_cast %reduce_max3A_32 : vector<1024xf32> to vector<1024x1xf32>
    %eq3A_34 = vector.broadcast %broadcast_in_dim3A_33 : vector<1024x1xf32> to vector<1024x128xf32>
    %eq3A_35 = arith.cmpf oeq, %select_n3A_30, %eq3A_34 : vector<1024x128xf32>
    %jit3A_36 = arith.constant 3.000000e+07 : f32
    %broadcast_in_dim3A_37 = vector.broadcast %jit3A_36 : f32 to vector<1024x128xf32>
    %select_n3A_38 = arith.select %eq3A_35, %select_n3A_29, %broadcast_in_dim3A_37 : vector<1024x128xi1>, vector<1024x128xf32>
    %reduce_min3A_39 = arith.constant dense<0x7F800000> : vector<1024xf32>
    %reduce_min3A_40 = vector.multi_reduction <minimumf>, %select_n3A_38, %reduce_min3A_39 [1] : vector<1024x128xf32> to vector<1024xf32>
    %broadcast_in_dim3A_41 = vector.shape_cast %reduce_min3A_40 : vector<1024xf32> to vector<1024x1xf32>
    %eq3A_42 = vector.broadcast %broadcast_in_dim3A_41 : vector<1024x1xf32> to vector<1024x256xf32>
    %eq3A_43 = arith.cmpf oeq, %get3A_4, %eq3A_42 : vector<1024x256xf32>
    %jit3A_44 = arith.constant 0xFF800000 : f32
    %broadcast_in_dim3A_45 = vector.broadcast %jit3A_44 : f32 to vector<1024x256xf32>
    %select_n3A_46 = arith.select %eq3A_43, %broadcast_in_dim3A_45, %select_n3A_20 : vector<1024x256xi1>, vector<1024x256xf32>
    %slice3A_47 = vector.extract_strided_slice %select_n3A_46 {offsets = [0, 0], sizes = [1024, 128], strides = [1, 1]} : vector<1024x256xf32> to vector<1024x128xf32>
    %slice3A_48 = vector.extract_strided_slice %select_n3A_46 {offsets = [0, 128], sizes = [1024, 128], strides = [1, 1]} : vector<1024x256xf32> to vector<1024x128xf32>
    %slice3A_49 = vector.extract_strided_slice %get3A_4 {offsets = [0, 128], sizes = [1024, 128], strides = [1, 1]} : vector<1024x256xf32> to vector<1024x128xf32>
    %gt3A_50 = arith.cmpf ogt, %slice3A_48, %slice3A_47 : vector<1024x128xf32>
    %eq3A_51 = arith.cmpf oeq, %slice3A_48, %slice3A_47 : vector<1024x128xf32>
    %lt3A_52 = arith.cmpf olt, %slice3A_49, %slice3A : vector<1024x128xf32>
    %and3A_53 = arith.andi %eq3A_51, %lt3A_52 : vector<1024x128xi1>
    %or3A_54 = arith.ori %gt3A_50, %and3A_53 : vector<1024x128xi1>
    %select_n3A_55 = arith.select %or3A_54, %slice3A_49, %slice3A : vector<1024x128xi1>, vector<1024x128xf32>
    %select_n3A_56 = arith.select %or3A_54, %slice3A_48, %slice3A_47 : vector<1024x128xi1>, vector<1024x128xf32>
    %reduce_max3A_57 = arith.constant dense<0xFF800000> : vector<1024xf32>
    %reduce_max3A_58 = vector.multi_reduction <maximumf>, %select_n3A_56, %reduce_max3A_57 [1] : vector<1024x128xf32> to vector<1024xf32>
    %broadcast_in_dim3A_59 = vector.shape_cast %reduce_max3A_58 : vector<1024xf32> to vector<1024x1xf32>
    %eq3A_60 = vector.broadcast %broadcast_in_dim3A_59 : vector<1024x1xf32> to vector<1024x128xf32>
    %eq3A_61 = arith.cmpf oeq, %select_n3A_56, %eq3A_60 : vector<1024x128xf32>
    %jit3A_62 = arith.constant 3.000000e+07 : f32
    %broadcast_in_dim3A_63 = vector.broadcast %jit3A_62 : f32 to vector<1024x128xf32>
    %select_n3A_64 = arith.select %eq3A_61, %select_n3A_55, %broadcast_in_dim3A_63 : vector<1024x128xi1>, vector<1024x128xf32>
    %reduce_min3A_65 = arith.constant dense<0x7F800000> : vector<1024xf32>
    %reduce_min3A_66 = vector.multi_reduction <minimumf>, %select_n3A_64, %reduce_min3A_65 [1] : vector<1024x128xf32> to vector<1024xf32>
    %broadcast_in_dim3A_67 = vector.shape_cast %reduce_min3A_66 : vector<1024xf32> to vector<1024x1xf32>
    %eq3A_68 = vector.broadcast %broadcast_in_dim3A_67 : vector<1024x1xf32> to vector<1024x256xf32>
    %eq3A_69 = arith.cmpf oeq, %get3A_4, %eq3A_68 : vector<1024x256xf32>
    %jit3A_70 = arith.constant 0xFF800000 : f32
    %broadcast_in_dim3A_71 = vector.broadcast %jit3A_70 : f32 to vector<1024x256xf32>
    %select_n3A_72 = arith.select %eq3A_69, %broadcast_in_dim3A_71, %select_n3A_46 : vector<1024x256xi1>, vector<1024x256xf32>
    %slice3A_73 = vector.extract_strided_slice %select_n3A_72 {offsets = [0, 0], sizes = [1024, 128], strides = [1, 1]} : vector<1024x256xf32> to vector<1024x128xf32>
    %slice3A_74 = vector.extract_strided_slice %select_n3A_72 {offsets = [0, 128], sizes = [1024, 128], strides = [1, 1]} : vector<1024x256xf32> to vector<1024x128xf32>
    %slice3A_75 = vector.extract_strided_slice %get3A_4 {offsets = [0, 128], sizes = [1024, 128], strides = [1, 1]} : vector<1024x256xf32> to vector<1024x128xf32>
    %gt3A_76 = arith.cmpf ogt, %slice3A_74, %slice3A_73 : vector<1024x128xf32>
    %eq3A_77 = arith.cmpf oeq, %slice3A_74, %slice3A_73 : vector<1024x128xf32>
    %lt3A_78 = arith.cmpf olt, %slice3A_75, %slice3A : vector<1024x128xf32>
    %and3A_79 = arith.andi %eq3A_77, %lt3A_78 : vector<1024x128xi1>
    %or3A_80 = arith.ori %gt3A_76, %and3A_79 : vector<1024x128xi1>
    %select_n3A_81 = arith.select %or3A_80, %slice3A_75, %slice3A : vector<1024x128xi1>, vector<1024x128xf32>
    %select_n3A_82 = arith.select %or3A_80, %slice3A_74, %slice3A_73 : vector<1024x128xi1>, vector<1024x128xf32>
    %reduce_max3A_83 = arith.constant dense<0xFF800000> : vector<1024xf32>
    %reduce_max3A_84 = vector.multi_reduction <maximumf>, %select_n3A_82, %reduce_max3A_83 [1] : vector<1024x128xf32> to vector<1024xf32>
    %broadcast_in_dim3A_85 = vector.shape_cast %reduce_max3A_84 : vector<1024xf32> to vector<1024x1xf32>
    %eq3A_86 = vector.broadcast %broadcast_in_dim3A_85 : vector<1024x1xf32> to vector<1024x128xf32>
    %eq3A_87 = arith.cmpf oeq, %select_n3A_82, %eq3A_86 : vector<1024x128xf32>
    %jit3A_88 = arith.constant 3.000000e+07 : f32
    %broadcast_in_dim3A_89 = vector.broadcast %jit3A_88 : f32 to vector<1024x128xf32>
    %select_n3A_90 = arith.select %eq3A_87, %select_n3A_81, %broadcast_in_dim3A_89 : vector<1024x128xi1>, vector<1024x128xf32>
    %reduce_min3A_91 = arith.constant dense<0x7F800000> : vector<1024xf32>
    %reduce_min3A_92 = vector.multi_reduction <minimumf>, %select_n3A_90, %reduce_min3A_91 [1] : vector<1024x128xf32> to vector<1024xf32>
    %broadcast_in_dim3A_93 = vector.shape_cast %reduce_min3A_92 : vector<1024xf32> to vector<1024x1xf32>
    %eq3A_94 = vector.broadcast %broadcast_in_dim3A_93 : vector<1024x1xf32> to vector<1024x256xf32>
    %eq3A_95 = arith.cmpf oeq, %get3A_4, %eq3A_94 : vector<1024x256xf32>
    %jit3A_96 = arith.constant 0xFF800000 : f32
    %broadcast_in_dim3A_97 = vector.broadcast %jit3A_96 : f32 to vector<1024x256xf32>
    %select_n3A_98 = arith.select %eq3A_95, %broadcast_in_dim3A_97, %select_n3A_72 : vector<1024x256xi1>, vector<1024x256xf32>
    %slice3A_99 = vector.extract_strided_slice %select_n3A_98 {offsets = [0, 0], sizes = [1024, 128], strides = [1, 1]} : vector<1024x256xf32> to vector<1024x128xf32>
    %slice3A_100 = vector.extract_strided_slice %select_n3A_98 {offsets = [0, 128], sizes = [1024, 128], strides = [1, 1]} : vector<1024x256xf32> to vector<1024x128xf32>
    %slice3A_101 = vector.extract_strided_slice %get3A_4 {offsets = [0, 128], sizes = [1024, 128], strides = [1, 1]} : vector<1024x256xf32> to vector<1024x128xf32>
    %gt3A_102 = arith.cmpf ogt, %slice3A_100, %slice3A_99 : vector<1024x128xf32>
    %eq3A_103 = arith.cmpf oeq, %slice3A_100, %slice3A_99 : vector<1024x128xf32>
    %lt3A_104 = arith.cmpf olt, %slice3A_101, %slice3A : vector<1024x128xf32>
    %and3A_105 = arith.andi %eq3A_103, %lt3A_104 : vector<1024x128xi1>
    %or3A_106 = arith.ori %gt3A_102, %and3A_105 : vector<1024x128xi1>
    %select_n3A_107 = arith.select %or3A_106, %slice3A_101, %slice3A : vector<1024x128xi1>, vector<1024x128xf32>
    %select_n3A_108 = arith.select %or3A_106, %slice3A_100, %slice3A_99 : vector<1024x128xi1>, vector<1024x128xf32>
    %reduce_max3A_109 = arith.constant dense<0xFF800000> : vector<1024xf32>
    %reduce_max3A_110 = vector.multi_reduction <maximumf>, %select_n3A_108, %reduce_max3A_109 [1] : vector<1024x128xf32> to vector<1024xf32>
    %broadcast_in_dim3A_111 = vector.shape_cast %reduce_max3A_110 : vector<1024xf32> to vector<1024x1xf32>
    %eq3A_112 = vector.broadcast %broadcast_in_dim3A_111 : vector<1024x1xf32> to vector<1024x128xf32>
    %eq3A_113 = arith.cmpf oeq, %select_n3A_108, %eq3A_112 : vector<1024x128xf32>
    %jit3A_114 = arith.constant 3.000000e+07 : f32
    %broadcast_in_dim3A_115 = vector.broadcast %jit3A_114 : f32 to vector<1024x128xf32>
    %select_n3A_116 = arith.select %eq3A_113, %select_n3A_107, %broadcast_in_dim3A_115 : vector<1024x128xi1>, vector<1024x128xf32>
    %reduce_min3A_117 = arith.constant dense<0x7F800000> : vector<1024xf32>
    %reduce_min3A_118 = vector.multi_reduction <minimumf>, %select_n3A_116, %reduce_min3A_117 [1] : vector<1024x128xf32> to vector<1024xf32>
    %broadcast_in_dim3A_119 = vector.shape_cast %reduce_min3A_118 : vector<1024xf32> to vector<1024x1xf32>
    %concatenate3A = tpu.concatenate %broadcast_in_dim3A, %broadcast_in_dim3A_33, %broadcast_in_dim3A_59, %broadcast_in_dim3A_85, %broadcast_in_dim3A_111 in 1 : vector<1024x1xf32>, vector<1024x1xf32>, vector<1024x1xf32>, vector<1024x1xf32>, vector<1024x1xf32> -> vector<1024x5xf32>
    %swap3A = arith.constant 0 : index
    %swap3A_120 = arith.constant 0 : index
    %swap3A_121 = vector.load %arg3[%swap3A, %swap3A_120] : memref<1024x5xf32, #tpu.memory_space<vmem>>, vector<1024x5xf32>
    tpu.vector_store %arg3[%swap3A, %swap3A_120], %concatenate3A {strides = array<i32>} : memref<1024x5xf32, #tpu.memory_space<vmem>>, vector<1024x5xf32>,
    %concatenate3A_122 = tpu.concatenate %broadcast_in_dim3A_15, %broadcast_in_dim3A_41, %broadcast_in_dim3A_67, %broadcast_in_dim3A_93, %broadcast_in_dim3A_119 in 1 : vector<1024x1xf32>, vector<1024x1xf32>, vector<1024x1xf32>, vector<1024x1xf32>, vector<1024x1xf32> -> vector<1024x5xf32>
    %convert_element_type3A = arith.fptosi %concatenate3A_122 : vector<1024x5xf32> to vector<1024x5xi32>
    %swap3A_123 = arith.constant 0 : index
    %swap3A_124 = arith.constant 0 : index
    %swap3A_125 = vector.load %arg2[%swap3A_123, %swap3A_124] : memref<1024x5xi32, #tpu.memory_space<vmem>>, vector<1024x5xi32>
    tpu.vector_store %arg2[%swap3A_123, %swap3A_124], %convert_element_type3A {strides = array<i32>} : memref<1024x5xi32, #tpu.memory_space<vmem>>, vector<1024x5xi32>,
    return
  }
}

</mosaic_0001>

<sc_bundles>
// kernel: kernel.6.cloned.1.call-start
scs
__scs_entry_jumppad:
0x0: {  	(pc) =	sbr.rel $0x88, $3  }
0x1: {  	(tag) =	ssettag $0x0;
	lr =	simm.s32 $0x1  }
0x2: {  	[smem:$0x3F9E] =	sst lr;
	_ =	strace $0xD0000000  }
0x3: {  	_ = 	snop  }
0x4: {  	_ = 	snop  }
0x5: {  	_ = 	snop  }
0x6: {  	_ = 	snop  }
0x7: {  	_ = 	snop  }
__scs_overlays_trampoline_lowered:
0x8: {  	[smem:$0x3FAD] =	sst s0  }
0x9: {  	[smem:$0x3FAE] =	sst s1  }
0xa: {  	[smem:$0x3FAF] =	sst s2  }
0xb: {  	[smem:$0x3FB0] =	sst s3  }
0xc: {  	[smem:$0x3FB1] =	sst s4  }
0xd: {  	[smem:$0x3FB2] =	sst s5  }
0xe: {  	[smem:$0x3FB3] =	sst s6  }
0xf: {  	[smem:$0x3FB4] =	sst s7  }
0x10: {  	[smem:$0x3FB5] =	sst s8  }
0x11: {  	[smem:$0x3FB6] =	sst s9;
	s0 =	simm.s32 @!p0 $0x0  }
0x12: {  	s1 =	sld [smem:$0x3F9C];
	s0 =	simm.s32 @p0 $0x1  }
0x13: {  	[smem:$0x3FB7] =	sst s0;
	s0 =	simm.s32 @!p1 $0x0  }
0x14: {  	s2 =	sld [smem:$0x3F9B];
	s0 =	simm.s32 @p1 $0x1  }
0x15: {  	[smem:$0x3FB8] =	sst s0;
	s0 =	simm.s32 @!p2 $0x0  }
0x16: {  	s3 =	sld [smem:$0x3FDB];
	s0 =	simm.s32 @p2 $0x1  }
0x17: {  	s4 =	simm.s32 $0x1BF5;
	[smem:$0x3FBA] =	sst s0  }
0x18: {  	s0 =	sld [smem:$0x3F9D];
	_ =	swait.ge [sflag:s4], $0x0  }
0x19: {  	s7 =	sld [smem:$0x3F9E]  }
0x1a: {  	s8 =	sadd.s32 $0xFFFFE003, lr  }
0x1b: {  	s9 =	sadd.s32 $0xFFFFFEF7, lr;
	s5 =	simm.s32 $0xFFFFFFFF;
	p2 =	slt.u32 s8, $0xFFFFF086  }
0x1c: {  	p1 =	slt.u32 s9, $0xF7A;
	s5 =	simm.s32 @!p2 $0x0  }
0x1d: {  	s5 =	simm.s32 @p1 $0x1;
	p0 =	seq.s32 s7, s2  }
0x1e: {  	s7 =	smul.u32 @!p0 $0xF7A, s2;
	p2 =	seq.s32 @!p0 s5, $0x0  }
0x1f: {  	s9 =	smul.u32 $0xF7A, s1;
	s8 =	simm.s32 @!p0 $0x1BF5;
	p2 =	por !p2, p0  }
0x20: {  	[sflag:s8] =	ssyncset.s32 @!p0 $0xFFFFF086;
	s6 =	sadd.s32 @!p0 s3, s7;
	s7 =	simm.s32 @!p0 $0x108  }
0x21: {  	s3 =	sadd.s32 s3, s9;
	s6 =	sadd.s32 @!p0 $0x88, s6;
	s7 =	simm.s32 @p2 $0x1082  }
0x22: {  	[simem:s7], [sflag:s8] =	dma.local @!p0 [hbm:s6], $0xF7A  }
0x23: {  	s9 =	sor.u32 $0xD0000000, s2;
	s6 =	simm.s32 $0x108;
	_ =	swait.ge @!p0 [sflag:s8], $0x0  }
0x24: {  	s3 =	sadd.s32 $0x88, s3;
	s6 =	simm.s32 @!p1 $0x1082;
	[sflag:s4] =	ssyncset.s32 $0xFFFFF086  }
0x25: {  	[simem:s6], [sflag:s4] =	dma.local [hbm:s3], $0xF7A  }
0x26: {  	[smem:$0x3F9E] =	sst s1;
	(tag) =	ssettag s2;
	_ =	strace s9  }
0x27: {  	s1 =	sld [smem:$0x3FAE]  }
0x28: {  	s2 =	sld [smem:$0x3FAF]  }
0x29: {  	s4 =	sld [smem:$0x3FB1]  }
0x2a: {  	p0 =	seq.s32 s5, $0x0;
	s5 =	sld [smem:$0x3FB2]  }
0x2b: {  	s6 =	sld [smem:$0x3FB3]  }
0x2c: {  	s7 =	sld [smem:$0x3FB4]  }
0x2d: {  	s3 =	simm.s32 $0x108;
	s8 =	sld [smem:$0x3FB5]  }
0x2e: {  	s3 =	simm.s32 @!p0 $0x1082;
	s9 =	sld [smem:$0x3FB6]  }
0x2f: {  	lr =	sadd.s32 s0, s3;
	s0 =	sld [smem:$0x3FAD]  }
0x30: {  	s3 =	sld [smem:$0x3FB0]  }
0x31: {  	[smem:$0x3FB9] =	sst s10  }
0x32: {  	s10 =	sld [smem:$0x3FB7];
	_ =	sdelay $0x3  }
0x33: {  	p0 =	seq.s32 s10, $0x1;
	s10 =	sld [smem:$0x3FB9];
	_ =	sdelay $0x3  }
0x34: {  	[smem:$0x3FB9] =	sst s10  }
0x35: {  	s10 =	sld [smem:$0x3FB8];
	_ =	sdelay $0x3  }
0x36: {  	p1 =	seq.s32 s10, $0x1;
	s10 =	sld [smem:$0x3FB9];
	_ =	sdelay $0x3  }
0x37: {  	[smem:$0x3FB9] =	sst s10  }
0x38: {  	s10 =	sld [smem:$0x3FBA]  }
0x39: {  	_ = 	snop;
	(pc) =	sbr.ind lr, $3  }
0x3a: {  	_ = 	snop  }
0x3b: {  	_ = 	snop  }
0x3c: {  	p2 =	seq.s32 s10, $0x1;
	s10 =	sld [smem:$0x3FB9]  }
0x3d: {  	_ =	shalt  }
0x3e: {  	_ =	shalt  }
0x3f: {  	_ =	shalt  }
0x40: {  	_ =	shalt  }
0x41: {  	_ =	shalt  }
0x42: {  	_ =	shalt  }
0x43: {  	_ =	shalt  }
0x44: {  	_ =	shalt  }
0x45: {  	_ =	shalt  }
0x46: {  	_ =	shalt  }
0x47: {  	_ =	shalt  }
0x48: {  	_ =	shalt  }
0x49: {  	_ =	shalt  }
0x4a: {  	_ =	shalt  }
0x4b: {  	_ =	shalt  }
0x4c: {  	_ =	shalt  }
0x4d: {  	_ =	shalt  }
0x4e: {  	_ =	shalt  }
0x4f: {  	_ =	shalt  }
0x50: {  	_ =	shalt  }
0x51: {  	_ =	shalt  }
0x52: {  	_ =	shalt  }
0x53: {  	_ =	shalt  }
0x54: {  	_ =	shalt  }
0x55: {  	_ =	shalt  }
0x56: {  	_ =	shalt  }
0x57: {  	_ =	shalt  }
0x58: {  	_ =	shalt  }
0x59: {  	_ =	shalt  }
0x5a: {  	_ =	shalt  }
0x5b: {  	_ =	shalt  }
0x5c: {  	_ =	shalt  }
0x5d: {  	_ =	shalt  }
0x5e: {  	_ =	shalt  }
0x5f: {  	_ =	shalt  }
0x60: {  	_ =	shalt  }
0x61: {  	_ =	shalt  }
0x62: {  	_ =	shalt  }
0x63: {  	_ =	shalt  }
0x64: {  	_ =	shalt  }
0x65: {  	_ =	shalt  }
0x66: {  	_ =	shalt  }
0x67: {  	_ =	shalt  }
0x68: {  	_ =	shalt  }
0x69: {  	_ =	shalt  }
0x6a: {  	_ =	shalt  }
0x6b: {  	_ =	shalt  }
0x6c: {  	_ =	shalt  }
0x6d: {  	_ =	shalt  }
0x6e: {  	_ =	shalt  }
0x6f: {  	_ =	shalt  }
0x70: {  	_ =	shalt  }
0x71: {  	_ =	shalt  }
0x72: {  	_ =	shalt  }
0x73: {  	_ =	shalt  }
0x74: {  	_ =	shalt  }
0x75: {  	_ =	shalt  }
0x76: {  	_ =	shalt  }
0x77: {  	_ =	shalt  }
0x78: {  	_ =	shalt  }
0x79: {  	_ =	shalt  }
0x7a: {  	_ =	shalt  }
0x7b: {  	_ =	shalt  }
0x7c: {  	_ =	shalt  }
0x7d: {  	_ =	shalt  }
0x7e: {  	_ =	shalt  }
0x7f: {  	_ =	shalt  }
0x80: {  	_ =	shalt  }
0x81: {  	_ =	shalt  }
0x82: {  	_ =	shalt  }
0x83: {  	_ =	shalt  }
0x84: {  	_ =	shalt  }
0x85: {  	_ =	shalt  }
0x86: {  	_ =	shalt  }
0x87: {  	_ =	shalt  }
.Lfunc_end0:
.L_simem_size_0:
called_computation_lowered:
.L_overlay_start_0:
0x88: {  	s2 =	sld [smem:$0x3FD9]  }
0x89: {  	s3 =	sld [smem:$0x3FFE];
	_ =	sdelay $0x1  }
0x8a: {  	s1 =	srdreg.scid  }
0x8b: {  	s0 =	sand.u32 $0x1, s1  }
0x8c: {  	s14 =	sshll.u32 s0, $0xA;
	s2 =	sadd.s32 s3, s2  }
0x8d: {  	s2 =	sadd.s32 s2, s14  }
0x8e: {  	[smem:$0x3FC5] =	sst s2  }
0x8f: {  	_ = 	snop  }
0x90: {  	s2 =	sld [smem:$0x3FD0];
	_ =	sdelay $0x2  }
0x91: {  	s4 =	simm.s32 $0xA;
	s5 =	simm.s32 $0x10;
	s15 =	sld [smem:$0x3FC7]  }
0x92: {  	[smem:s5], [sflag:s4] =	dma.local [hbm:s2], $0x1  }
0x93: {  	_ =	swait.eq [sflag:s4], $0x1  }
0x94: {  	[sflag:s4] =	ssyncset.done $0x0  }
0x95: {  	[sflag:s4] =	ssyncadd.s32 $0xFFFFFFFF  }
0x96: {  	s16 =	sld [smem:$0x12];
	(tm) =	ssettm $0x1  }
0x97: {  	s17 =	sld [smem:$0x3FFB];
	_ =	sdelay $0x3  }
0x98: {  	_ =	strace s17  }
0x99: {  	s4 =	sld [smem:$0x3FFC];
	_ =	sdelay $0x3  }
0x9a: {  	_ =	strace s4  }
0x9b: {  	s4 =	sld [smem:$0x3FFD];
	_ =	sdelay $0x3  }
0x9c: {  	_ =	strace s4  }
0x9d: {  	_ =	strace $0x8FFFFFFF  }
0x9e: {  	s18 =	sld [smem:$0x3FDB];
	_ =	sdelay $0x1  }
0x9f: {  	s19 =	simm.s32 $_scs_section_size  }
0xa0: {  	s6 =	simm.s32 $_size__tile_overlayer_lowered;
	s7 =	simm.s32 $_tile_overlayer_lowered  }
0xa1: {  	s22 =	simm.s32 $0x1BFF;
	s21 =	sshll.u32 s7, $0x1;
	s4 =	sadd.s32 s19, s18  }
0xa2: {  	s8 =	simm.s32 $0x0;
	s20 =	sshll.u32 s6, $0x1;
	s6 =	sadd.s32 s21, s4  }
0xa3: {  	[timem:s8], [sflag:s22] =	dma.local [hbm:s6], s20  }
0xa4: {  	_ =	swait.ge [sflag:s22], s20  }
0xa5: {  	s5 =	ssub.s32 $0x0, s20;
	[sflag:s22] =	ssyncset.done $0x0  }
0xa6: {  	[sflag:s22] =	ssyncadd.s32 s5;
	_ =	sdelay $0x1  }
0xa7: {  	s23 =	simm.s32 $0x1B8B  }
0xa8: {  	_ =	swait.ge [sflag:s23], $0x1  }
0xa9: {  	[sflag:s23] =	ssyncset.done $0x0  }
0xaa: {  	s25 =	simm.s32 $0x1B8E;
	s24 =	sld [smem:$0x3FFE];
	[sflag:s23] =	ssyncadd.s32 $0xFFFFFFFF  }
0xab: {  	s26 =	simm.s32 $execute0_lowered;
	[smem:$0x3FD2] =	sst s25  }
0xac: {  	s6 =	sshll.u32 s26, $0x1;
	_ =	strace $0x80000046;
	[dreg:$0x1] =	wrdreg $0xFFFFFFFF  }
0xad: {  	s28 =	simm.s32 $_size_execute0_lowered;
	s4 =	sadd.s32 s4, s6;
	[dreg:$0x0] =	wrdreg $0x0  }
0xae: {  	s6 =	sshll.u32 s28, $0x1;
	[dreg:$0x2] =	wrdreg s4  }
0xaf: {  	[dreg:$0x3] =	wrdreg s6  }
0xb0: {  	[dreg:$0x4] =	wrdreg $0xC0  }
0xb1: {  	_ =	task [dreg:s8], $0x5FFFF  }
0xb2: {  	[dreg:$0x1] =	wrdreg $0xFFFFFFFF  }
0xb3: {  	[dreg:$0x0] =	wrdreg $0x60  }
0xb4: {  	[dreg:$0x2] =	wrdreg s15  }
0xb5: {  	[dreg:$0x3] =	wrdreg s16  }
0xb6: {  	[dreg:$0x4] =	wrdreg s24  }
0xb7: {  	[dreg:$0x5] =	wrdreg $0x9  }
0xb8: {  	_ =	task.clear_ibuf [dreg:s8], $0x6FFFF;
	_ =	strace $0x90000046  }
0xb9: {  	s29 =	simm.s32 $0x9;
	_ =	strace $0x80000048  }
0xba: {  	_ =	swait.ge [sflag:s29], $0x1  }
0xbb: {  	[sflag:s29] =	ssyncadd.s32 $0xFFFFFFFF  }
0xbc: {  	_ =	strace $0x90000048  }
0xbd: {  	_ =	sfence  }
0xbe: {  	s30 =	sld [smem:$0x0];
	_ =	sdelay $0x2  }
0xbf: {  	s31 =	sshll.u32 s1, $0xD;
	s1 =	sshrl.u32 s1, $0x2  }
0xc0: {  	s3 =	sand.u32 $0x4000, s31;
	s1 =	sadd.s32 s1, s30  }
0xc1: {  	s0 =	sor.u32 s3, s0;
	s1 =	sshll.u32 s1, $0x11  }
0xc2: {  	s0 =	sor.u32 s1, s0  }
0xc3: {  	s0 =	sadd.s32 $0x8F2B, s0  }
0xc4: {  	[sflag:s0] =	ssyncadd.remote.s32 $0x1  }
0xc5: {  	_ =	sfence.sel $0xFFFF  }
0xc6: {  	[dreg:$0x0] =	wrdreg $0xFFFFFFFF;
	(pc) =	sbr.abs _section_cstart, $3  }
0xc7: {  	[dreg:$0x1] =	wrdreg $0xFFFFFFFF  }
0xc8: {  	_ =	task.clear_ibuf [dreg:s8], $0x2FFFF;
	_ =	strace $0x9FFFFFFF  }
0xc9: {  	(tm) =	ssettm $0x7FFFFFFF  }
tec
execute0_lowered:
.L_overlay_start_1:
0x0: {  	(tag) =	ssettag $0x1  }
0x1: {  	s1 =	rddreg [dreg:$0x0]  }
0x2: {  	s2 =	srdreg.scid;
	s0 =	stileid.u32  }
0x3: {  	s4 =	rddreg [dreg:$0x1];
	s6 =	sand.u32 $0x1, s2;
	s30 =	sshll.u32 s0, $0x1  }
0x4: {  	s9 =	rddreg [dreg:$0x2];
	s3 =	simm.s32 $0x0;
	s5 =	sor.u32 s6, s30  }
0x5: {  	[smem:$0x7FF] =	sst s3;
	s10 =	smul.u32 $0x14, s5  }
0x6: {  	s2 =	rddreg [dreg:$0x3];
	_ =	strace $0x80000047  }
0x7: {  	s11 =	ssub.s32 $0x2, s6;
	s5 =	sadd.s32 s4, s10;
	s4 =	simm.s32 $0x2  }
0x8: {  	[tilespmem:s3], [sflag:$0x2] =	stream.linear.gather [hbm4b:s5+s3], $0xA0, $0x38;
	[tilespmem:$0x200] =	vst v63  }
0x9: {  	s7 =	simm.s32 $0x100;
	s12 =	sshrl.u32 s11, $0x1;
	_ =	swait.ge [sflag:s4], $0xA0  }
0xa: {  	s8 =	simm.s32 $0x1;
	s11 =	ssub.s32 s11, s12;
	[sflag:s4] =	ssyncset.done $0x0  }
0xb: {  	s6 =	simm.s32 $0xA0;
	s31 =	smax.u32 s11, $0x1;
	[sflag:s4] =	ssyncadd.s32 $0xFFFFFF60  }
0xc: {  	[tilespmem:s7], [sflag:$0x1] =	stream.indirect.gather [hbm4b:s1+s6], $0x1, s3, s6, $0xb8;
	[tilespmem:$0x200] =	vst v63  }
0xd: {  	p0 =	sne.s32 s31, $0x1;
	_ =	swait.ge [sflag:s8], $0xA0  }
.Ltmp0:
0xe: {  	[sflag:s8] =	ssyncset.done $0x0;
	(pc) =	sbr.rel @!p0 .LBB2_2-.Ltmp0, $4  }
0xf: {  	s9 =	sadd.s32 s9, s10;
	[sflag:s8] =	ssyncadd.s32 $0xFFFFFF60  }
0x10: {  	[hbm4b:s9+s3] =	stream.linear.scatter [tilespmem:s7], [sflag:$0x2], $0xA0, $0x38;
	[tilespmem:$0x200] =	vst v63  }
0x11: {  	_ =	swait.ge [sflag:s4], $0xA0  }
0x12: {  	s10 =	sadd.s32 $0xFFFFFFFF, s31;
	[sflag:s4] =	ssyncset.done $0x0  }
.LBB2_1:
0x13: {  	p0 =	sne.s32 s10, $0x1;
	s10 =	sadd.s32 $0xFFFFFFFF, s10;
	[sflag:s4] =	ssyncadd.s32 $0xFFFFFF60  }
0x14: {  	[tilespmem:s3], [sflag:$0x2] =	stream.linear.gather [hbm4b:s5+s3], $0xA0, $0x38;
	[tilespmem:$0x200] =	vst v63  }
0x15: {  	_ =	swait.ge [sflag:s4], $0xA0  }
0x16: {  	[sflag:s4] =	ssyncset.done $0x0  }
0x17: {  	[sflag:s4] =	ssyncadd.s32 $0xFFFFFF60  }
0x18: {  	[tilespmem:s7], [sflag:$0x1] =	stream.indirect.gather [hbm4b:s1+s6], $0x1, s3, s6, $0xb8;
	[tilespmem:$0x200] =	vst v63  }
0x19: {  	_ =	swait.ge [sflag:s8], $0xA0  }
.Ltmp1:
0x1a: {  	[sflag:s8] =	ssyncset.done $0x0;
	(pc) =	sbr.rel @p0 .LBB2_1-.Ltmp1, $4  }
0x1b: {  	[sflag:s8] =	ssyncadd.s32 $0xFFFFFF60  }
0x1c: {  	[hbm4b:s9+s3] =	stream.linear.scatter [tilespmem:s7], [sflag:$0x2], $0xA0, $0x38;
	[tilespmem:$0x200] =	vst v63  }
0x1d: {  	_ =	swait.ge [sflag:s4], $0xA0  }
0x1e: {  	[sflag:s4] =	ssyncset.done $0x0  }
.LBB2_2:
0x1f: {  	[sflag:s4] =	ssyncadd.s32 $0xFFFFFF60  }
0x20: {  	_ =	sfence.sel $0x180000  }
0x21: {  	[bflag:$0x0] =	sbarrier.arrive $0xFFFF  }
0x22: {  	p0 =	sne.s32 s0, $0x0;
	_ =	strace $0x90000047  }
0x23: {  	s0 =	sadd.s32 @!p0 $0x100000, s2;
	[bflag:$0x2] =	sbarrier.arrive $0xFFFF  }
0x24: {  	[sflag:s0] =	ssyncadd.tile.s32 @!p0 $0x1;
	_ =	shalt  }
.Lfunc_end2:
_tile_overlayer_lowered:
.L_overlay_start_2:
0x25: {  	(tag) =	ssettag $0x2  }
0x26: {  	s0 =	rddreg [dreg:$0x0];
	s2 =	stileid.u32  }
0x27: {  	s1 =	rddreg [dreg:$0x1];
	p0 =	sne.s32 s2, $0x0  }
0x28: {  	s3 =	rddreg [dreg:$0x2];
	[bflag:$0x3] =	sbarrier.arrive $0xFFFF;
	s2 =	simm.s32 @!p0 $0x1C02  }
0x29: {  	[timem:s3], [sflag:s2] =	dma.local @!p0 [hbm:s0], s1  }
0x2a: {  	s0 =	simm.s32 @!p0 $0x2  }
0x2b: {  	_ =	swait.ge @!p0 [sflag:s0], s1  }
0x2c: {  	s1 =	ssub.s32 @!p0 $0x0, s1;
	[sflag:s0] =	ssyncset.done @!p0 $0x0  }
0x2d: {  	[sflag:s0] =	ssyncadd.s32 @!p0 s1  }
0x2e: {  	[bflag:$0x3] =	sbarrier.arrive $0xFFFF  }
0x2f: {  	_ =	shalt  }

</sc_bundles>
